<compile_context>
chip_gen: v7x
topology: tpu7x:2x2x1
jax: 0.10.2.dev20260603
libtpu: 0.0.44.dev20260713+nightly
codegen_flags: <defaults>
</compile_context>

<pallas_src>
import functools

import jax
import jax.numpy as jnp
from jax import lax
from jax.experimental import pallas as pl
from jax.experimental.pallas import tpu as pltpu
from jax.experimental.pallas import tpu_sc as plsc

NC = 2
NS = 16
NW = NC * NS
L = 16


def _make_sc_kernel(B, V, D):
    OUT = 3 * D + 3
    FP = 392
    FT = FP // 8
    CT = B // 128
    BPW = B // NW
    CTW = BPW // 128
    FTC = 7
    NCHUNK = FT // FTC
    GRP = BPW // L

    mesh = plsc.VectorSubcoreMesh(core_axis_name="c", subcore_axis_name="s")

    @functools.partial(
        pl.kernel,
        mesh=mesh,
        compiler_params=pltpu.CompilerParams(
            use_tc_tiling_on_sc=False, needs_layout_passes=False,
            disable_bounds_checks=True, skip_device_barrier=True),
        out_type=jax.ShapeDtypeStruct((FT, CT, 8, 128), jnp.float32),
        scratch_types=[
            pltpu.VMEM((BPW,), jnp.int32),
            pltpu.VMEM((BPW,), jnp.float32),
            pltpu.VMEM((BPW,), jnp.float32),
            pltpu.VMEM((BPW,), jnp.float32),
            pltpu.VMEM((BPW,), jnp.int32),
            pltpu.VMEM((BPW,), jnp.int32),
            pltpu.VMEM((BPW, D), jnp.float32),
            pltpu.VMEM((FTC, CTW, 8, 131), jnp.float32),
            pltpu.VMEM((FTC, CTW, 8, 131), jnp.float32),
            pltpu.SemaphoreType.DMA,
            pltpu.SemaphoreType.DMA,
            pltpu.SemaphoreType.DMA,
            pltpu.SemaphoreType.DMA,
        ],
    )
    def sc_kernel(uid_hbm, age_hbm, hr_hbm, mo_hbm, occ_hbm, gen_hbm,
                  table_hbm, out_hbm,
                  idx_v, age_v, hr_v, mo_v, occ_v, gen_v, emb_v,
                  bufA, bufB, sg, s_in, soA, soB):
        wid = lax.axis_index("s") * NC + lax.axis_index("c")
        base = wid * BPW
        ct0 = wid * CTW
        bufs = (bufA, bufB)
        sos = (soA, soB)

        pltpu.sync_copy(uid_hbm.at[pl.ds(base, BPW)], idx_v)
        gather = pltpu.async_copy(table_hbm.at[idx_v], emb_v, sg)
        stage = [
            pltpu.async_copy(occ_hbm.at[pl.ds(base, BPW)], occ_v, s_in),
            pltpu.async_copy(gen_hbm.at[pl.ds(base, BPW)], gen_v, s_in),
            pltpu.async_copy(age_hbm.at[pl.ds(base, BPW)], age_v, s_in),
            pltpu.async_copy(hr_hbm.at[pl.ds(base, BPW)], hr_v, s_in),
            pltpu.async_copy(mo_hbm.at[pl.ds(base, BPW)], mo_v, s_in),
        ]

        iota = lax.iota(jnp.int32, L)
        zeros = jnp.zeros((L,), jnp.float32)
        ones = jnp.ones((L,), jnp.float32)

        def zero_fill(buf, ftl_lo):
            @plsc.parallel_loop(0, (FTC - ftl_lo) * CTW * 8, 1, unroll=2)
            def _zf(i):
                ftl = ftl_lo + (i >> 5)
                ct = (i >> 3) & 3
                fr = i & 7
                for k in range(8):
                    buf[ftl, ct, fr, pl.ds(k * L, L)] = zeros
        def scatter_vals(buf, c, vals):
            fb = c * FTC * 8
            fe = fb + FTC * 8

            def _ones(g, _):
                col = (g & 7) * L + iota
                ct = g >> 3
                src = pl.ds(ct * 128 + (g & 7) * L, L)
                fo = D + 3 + occ_v[src]
                fg = 2 * D + 3 + gen_v[src]
                ctv = jnp.full((L,), ct, jnp.int32)
                if fb < 2 * D + 3:
                    plsc.store_scatter(
                        buf, [(fo - fb) >> 3, ctv, fo & 7, col], vals,
                        mask=(fo >= fb) & (fo < fe))
                if fe > 2 * D + 3:
                    plsc.store_scatter(
                        buf, [(fg - fb) >> 3, ctv, fg & 7, col], vals,
                        mask=(fg >= fb) & (fg < fe))
                return 0
            lax.fori_loop(0, GRP, _ones, 0)

        def copy_out(buf, c, so):
            return pltpu.async_copy(
                buf.at[:, :, :, pl.ds(0, 128)],
                out_hbm.at[pl.ds(c * FTC, FTC), pl.ds(ct0, CTW)], so)

        stage[0].wait()
        stage[1].wait()
        last = [None, None]
        prevc = [None, None]
        for i, c in enumerate((3, 4, 5, 6)):
            b = i % 2
            if last[b] is not None:
                last[b].wait()
                scatter_vals(bufs[b], prevc[b], zeros)
            else:
                zero_fill(bufs[b], 0)
            scatter_vals(bufs[b], c, ones)
            prevc[b] = c
            last[b] = copy_out(bufs[b], c, sos[b])

        stage[2].wait()
        stage[3].wait()
        stage[4].wait()
        gather.wait()

        for i, c in enumerate((0, 1, 2)):
            b = i % 2
            last[b].wait()
            buf = bufs[b]
            fb = c * FTC * 8
            n_emb = min(fb + FTC * 8, D) - fb

            f_hi = min(fb + FTC * 8, D)
            groups = []
            for f0 in range(0, D, L):
                if f0 + L > fb and f0 < f_hi:
                    fvec = f0 + iota
                    full = f0 >= fb and f0 + L <= f_hi
                    groups.append((
                        f0,
                        (fvec - fb) >> 3,
                        fvec & 7,
                        None if full else (fvec >= fb) & (fvec < f_hi),
                    ))

            @plsc.parallel_loop(0, BPW, 1, unroll=4)
            def _embf(bb, buf=buf, groups=groups):
                ctv = jnp.full((L,), bb >> 7, jnp.int32)
                colv = jnp.full((L,), bb & 127, jnp.int32)
                for f0, ftlv, frv, m in groups:
                    vals = emb_v[bb, pl.ds(f0, L)]
                    plsc.store_scatter(buf, [ftlv, ctv, frv, colv], vals,
                                       mask=m)

            if c == 2:
                def _scal(ct, _, buf=buf):
                    for k in range(8):
                        sl = pl.ds(ct * 128 + k * L, L)
                        buf[2, ct, 0, pl.ds(k * L, L)] = age_v[sl]
                        buf[2, ct, 1, pl.ds(k * L, L)] = hr_v[sl]
                        buf[2, ct, 2, pl.ds(k * L, L)] = mo_v[sl]
                    return 0
                lax.fori_loop(0, CTW, _scal, 0)
                zero_fill(buf, 3)

                def _z2(i2, _, buf=buf):
                    ct = i2 >> 3
                    k = i2 & 7
                    for fr in range(3, 8):
                        buf[2, ct, fr, pl.ds(k * L, L)] = zeros
                    return 0
                lax.fori_loop(0, CTW * 8, _z2, 0)
                scatter_vals(buf, c, ones)

            last[b] = copy_out(buf, c, sos[b])

        last[0].wait()
        last[1].wait()

    return sc_kernel


def kernel(user_id, age, hr_wk, month, occupation, gender, user_table):
    B = user_id.shape[0]
    V, D = user_table.shape
    OUT = 3 * D + 3
    FP = OUT + (-OUT) % 8
    sc = _make_sc_kernel(B, V, D)
    t = sc(
        user_id.astype(jnp.int32),
        age.reshape(B),
        hr_wk.reshape(B),
        month.reshape(B),
        occupation.astype(jnp.int32),
        gender.astype(jnp.int32),
        user_table,
    )
    t = t.transpose(0, 2, 1, 3).reshape(FP, B).T
    return t[:, :OUT]

# --- scband reference (transcript-rebuilt; emitter-appended) ---
"""Pipeline reference for scband-user-model-18571438588363 (READ-ONLY COPY).

The authoritative reference and input builder live on the scoring server;
editing this copy changes nothing except your own understanding.
"""

import jax, jax.numpy as jnp
import numpy as np

B = 16384
D = 128
V = 100001  # max_user_id + 1


def setup_inputs(seed: int = 0) -> dict:
    key = jax.random.key(seed)
    ks = jax.random.split(key, 7)
    user_id = jax.random.randint(ks[0], (B,), 0, V)
    age = jax.random.uniform(ks[1], (B, 1), dtype=jnp.float32)
    hr_wk = jax.random.uniform(ks[2], (B, 1), dtype=jnp.float32)
    month = jax.random.uniform(ks[3], (B, 1), dtype=jnp.float32)
    occupation = jax.random.randint(ks[4], (B,), 0, D)
    gender = jax.random.randint(ks[5], (B,), 0, 2)
    user_table = jax.random.normal(ks[6], (V, D), dtype=jnp.float32) * 0.05
    return {
        "user_id": user_id,
        "age": age,
        "hr_wk": hr_wk,
        "month": month,
        "occupation": occupation,
        "gender": gender,
        "user_table": user_table,
    }


def reference(user_id, age, hr_wk, month, occupation, gender, user_table):
    b = user_id.shape[0]
    d = user_table.shape[1]
    # Embedding + Flatten
    user_emb = jnp.take(user_table, user_id, axis=0).reshape(b, -1)
    # Flatten passthroughs for dense scalar features
    age_f = age.reshape(b, -1)
    hr_f = hr_wk.reshape(b, -1)
    mo_f = month.reshape(b, -1)
    # CategoryEncoding output_mode='one_hot' with num_tokens=embed_out_dim
    occ_oh = jax.nn.one_hot(occupation, d, dtype=jnp.float32)
    gen_oh = jax.nn.one_hot(gender, d, dtype=jnp.float32)
    return jnp.concatenate([user_emb, age_f, hr_f, mo_f, occ_oh, gen_oh], axis=1)

if __name__ == "__main__":
    import jax
    _d = setup_inputs()
    print(jax.jit(kernel)(*tuple(_d.values())))

</pallas_src>

<mosaic_0001>
#map = affine_map<(d0, d1) -> (0)>
#map1 = affine_map<(d0, d1) -> (0, 0)>
#map2 = affine_map<(d0, d1) -> (0, 0, 0, 0)>
module attributes {stable_mosaic.version = 14 : i64} {
  func.func @sc_kernel(%arg0: i32, %arg1: i32, %arg2: memref<16384xi32, #tpu.memory_space<hbm>>, %arg3: memref<16384xf32, #tpu.memory_space<hbm>>, %arg4: memref<16384xf32, #tpu.memory_space<hbm>>, %arg5: memref<16384xf32, #tpu.memory_space<hbm>>, %arg6: memref<16384xi32, #tpu.memory_space<hbm>>, %arg7: memref<16384xi32, #tpu.memory_space<hbm>>, %arg8: memref<100001x128xf32, #tpu.memory_space<hbm>>, %arg9: memref<49x128x8x128xf32, #tpu.memory_space<hbm>>, %arg10: memref<512xi32, #tpu.memory_space<vmem>>, %arg11: memref<512xf32, #tpu.memory_space<vmem>>, %arg12: memref<512xf32, #tpu.memory_space<vmem>>, %arg13: memref<512xf32, #tpu.memory_space<vmem>>, %arg14: memref<512xi32, #tpu.memory_space<vmem>>, %arg15: memref<512xi32, #tpu.memory_space<vmem>>, %arg16: memref<512x128xf32, #tpu.memory_space<vmem>>, %arg17: memref<7x4x8x131xf32, #tpu.memory_space<vmem>>, %arg18: memref<7x4x8x131xf32, #tpu.memory_space<vmem>>, %arg19: memref<!tpu.dma_semaphore, #tpu.memory_space<semaphore_mem>>, %arg20: memref<!tpu.dma_semaphore, #tpu.memory_space<semaphore_mem>>, %arg21: memref<!tpu.dma_semaphore, #tpu.memory_space<semaphore_mem>>, %arg22: memref<!tpu.dma_semaphore, #tpu.memory_space<semaphore_mem>>) attributes {dimension_semantics = [#tpu.dimension_semantics<core_parallel>, #tpu.dimension_semantics<subcore_parallel>], iteration_bounds = array<i64: 2, 16>, scalar_prefetch = 0 : i64, scratch_operands = 13 : i64, tpu.core_type = #tpu.core_type<sc_vector_subcore>, window_params = [{transform_indices = #map}, {transform_indices = #map}, {transform_indices = #map}, {transform_indices = #map}, {transform_indices = #map}, {transform_indices = #map}, {transform_indices = #map1}, {transform_indices = #map2}]} {
    %mul3A = arith.constant 2 : i32
    %mul3A_0 = arith.muli %arg1, %mul3A : i32
    %add3A = arith.addi %mul3A_0, %arg0 : i32
    %mul3A_1 = arith.constant 512 : i32
    %mul3A_2 = arith.muli %add3A, %mul3A_1 : i32
    %mul3A_3 = arith.constant 4 : i32
    %mul3A_4 = arith.muli %add3A, %mul3A_3 : i32
    "tpu.region"() ({
      %run_scoped3A = tpu.sem_alloc : memref<!tpu.dma_semaphore, #tpu.memory_space<semaphore_mem>>
      %dma_start3A_480 = tpu.memref_slice %arg2[%mul3A_2] : memref<16384xi32, #tpu.memory_space<hbm>> -> memref<512xi32, #tpu.memory_space<hbm>>
      %dma_start3A_481 = tpu.memref_slice %arg2[%mul3A_2] : memref<16384xi32, #tpu.memory_space<hbm>> -> memref<512xi32, #tpu.memory_space<hbm>>
      tpu.enqueue_dma source(%dma_start3A_481 : memref<512xi32, #tpu.memory_space<hbm>>) target(%arg10 : memref<512xi32, #tpu.memory_space<vmem>>) target_semaphore(%run_scoped3A : memref<!tpu.dma_semaphore, #tpu.memory_space<semaphore_mem>>)
      %dma_wait3A_482 = tpu.memref_slice %arg2[%mul3A_2] : memref<16384xi32, #tpu.memory_space<hbm>> -> memref<512xi32, #tpu.memory_space<hbm>>
      %dma_wait3A_483 = tpu.memref_slice %arg2[%mul3A_2] : memref<16384xi32, #tpu.memory_space<hbm>> -> memref<512xi32, #tpu.memory_space<hbm>>
      tpu.wait_dma2 semaphore(%run_scoped3A : memref<!tpu.dma_semaphore, #tpu.memory_space<semaphore_mem>>) src(%dma_wait3A_483 : memref<512xi32, #tpu.memory_space<hbm>>) dst(%arg10 : memref<512xi32, #tpu.memory_space<vmem>>)
      tpu.yield
    }) : () -> ()
    %dma_start3A = arith.constant 0 : i32
    %dma_start3A_5 = arith.constant 0 : i32
    %dma_start3A_6 = tpu.memref_slice %arg8[%dma_start3A, %dma_start3A_5] : memref<100001x128xf32, #tpu.memory_space<hbm>> -> memref<100001x128xf32, #tpu.memory_space<hbm>>
    tpu.enqueue_indirect_dma source(%dma_start3A_6 : memref<100001x128xf32, #tpu.memory_space<hbm>>) target(%arg16 : memref<512x128xf32, #tpu.memory_space<vmem>>) offsets(%arg10 : memref<512xi32, #tpu.memory_space<vmem>>) semaphore(%arg19 : memref<!tpu.dma_semaphore, #tpu.memory_space<semaphore_mem>>)
    %dma_start3A_7 = tpu.memref_slice %arg6[%mul3A_2] : memref<16384xi32, #tpu.memory_space<hbm>> -> memref<512xi32, #tpu.memory_space<hbm>>
    %dma_start3A_8 = tpu.memref_slice %arg6[%mul3A_2] : memref<16384xi32, #tpu.memory_space<hbm>> -> memref<512xi32, #tpu.memory_space<hbm>>
    tpu.enqueue_dma source(%dma_start3A_8 : memref<512xi32, #tpu.memory_space<hbm>>) target(%arg14 : memref<512xi32, #tpu.memory_space<vmem>>) target_semaphore(%arg20 : memref<!tpu.dma_semaphore, #tpu.memory_space<semaphore_mem>>)
    %dma_start3A_9 = tpu.memref_slice %arg7[%mul3A_2] : memref<16384xi32, #tpu.memory_space<hbm>> -> memref<512xi32, #tpu.memory_space<hbm>>
    %dma_start3A_10 = tpu.memref_slice %arg7[%mul3A_2] : memref<16384xi32, #tpu.memory_space<hbm>> -> memref<512xi32, #tpu.memory_space<hbm>>
    tpu.enqueue_dma source(%dma_start3A_10 : memref<512xi32, #tpu.memory_space<hbm>>) target(%arg15 : memref<512xi32, #tpu.memory_space<vmem>>) target_semaphore(%arg20 : memref<!tpu.dma_semaphore, #tpu.memory_space<semaphore_mem>>)
    %dma_start3A_11 = tpu.memref_slice %arg3[%mul3A_2] : memref<16384xf32, #tpu.memory_space<hbm>> -> memref<512xf32, #tpu.memory_space<hbm>>
    %dma_start3A_12 = tpu.memref_slice %arg3[%mul3A_2] : memref<16384xf32, #tpu.memory_space<hbm>> -> memref<512xf32, #tpu.memory_space<hbm>>
    tpu.enqueue_dma source(%dma_start3A_12 : memref<512xf32, #tpu.memory_space<hbm>>) target(%arg11 : memref<512xf32, #tpu.memory_space<vmem>>) target_semaphore(%arg20 : memref<!tpu.dma_semaphore, #tpu.memory_space<semaphore_mem>>)
    %dma_start3A_13 = tpu.memref_slice %arg4[%mul3A_2] : memref<16384xf32, #tpu.memory_space<hbm>> -> memref<512xf32, #tpu.memory_space<hbm>>
    %dma_start3A_14 = tpu.memref_slice %arg4[%mul3A_2] : memref<16384xf32, #tpu.memory_space<hbm>> -> memref<512xf32, #tpu.memory_space<hbm>>
    tpu.enqueue_dma source(%dma_start3A_14 : memref<512xf32, #tpu.memory_space<hbm>>) target(%arg12 : memref<512xf32, #tpu.memory_space<vmem>>) target_semaphore(%arg20 : memref<!tpu.dma_semaphore, #tpu.memory_space<semaphore_mem>>)
    %dma_start3A_15 = tpu.memref_slice %arg5[%mul3A_2] : memref<16384xf32, #tpu.memory_space<hbm>> -> memref<512xf32, #tpu.memory_space<hbm>>
    %dma_start3A_16 = tpu.memref_slice %arg5[%mul3A_2] : memref<16384xf32, #tpu.memory_space<hbm>> -> memref<512xf32, #tpu.memory_space<hbm>>
    tpu.enqueue_dma source(%dma_start3A_16 : memref<512xf32, #tpu.memory_space<hbm>>) target(%arg13 : memref<512xf32, #tpu.memory_space<vmem>>) target_semaphore(%arg20 : memref<!tpu.dma_semaphore, #tpu.memory_space<semaphore_mem>>)
    %iota3A = tpu.iota {dimensions = array<i32: 0>} : vector<16xi32>
    %broadcast_in_dim3A = arith.constant 0.000000e+00 : f32
    %broadcast_in_dim3A_17 = vector.broadcast %broadcast_in_dim3A : f32 to vector<16xf32>
    %broadcast_in_dim3A_18 = arith.constant 1.000000e+00 : f32
    %broadcast_in_dim3A_19 = vector.broadcast %broadcast_in_dim3A_18 : f32 to vector<16xf32>
    %dma_wait3A = tpu.memref_slice %arg6[%mul3A_2] : memref<16384xi32, #tpu.memory_space<hbm>> -> memref<512xi32, #tpu.memory_space<hbm>>
    %dma_wait3A_20 = tpu.memref_slice %arg6[%mul3A_2] : memref<16384xi32, #tpu.memory_space<hbm>> -> memref<512xi32, #tpu.memory_space<hbm>>
    tpu.wait_dma2 semaphore(%arg20 : memref<!tpu.dma_semaphore, #tpu.memory_space<semaphore_mem>>) src(%dma_wait3A_20 : memref<512xi32, #tpu.memory_space<hbm>>) dst(%arg14 : memref<512xi32, #tpu.memory_space<vmem>>)
    %dma_wait3A_21 = tpu.memref_slice %arg7[%mul3A_2] : memref<16384xi32, #tpu.memory_space<hbm>> -> memref<512xi32, #tpu.memory_space<hbm>>
    %dma_wait3A_22 = tpu.memref_slice %arg7[%mul3A_2] : memref<16384xi32, #tpu.memory_space<hbm>> -> memref<512xi32, #tpu.memory_space<hbm>>
    tpu.wait_dma2 semaphore(%arg20 : memref<!tpu.dma_semaphore, #tpu.memory_space<semaphore_mem>>) src(%dma_wait3A_22 : memref<512xi32, #tpu.memory_space<hbm>>) dst(%arg15 : memref<512xi32, #tpu.memory_space<vmem>>)
    %parallel_loop3A = arith.constant 0 : i32
    %parallel_loop3A_23 = arith.constant 224 : i32
    %parallel_loop3A_24 = arith.constant 1 : i32
    scf.for %parallel_loop3A_480 = %parallel_loop3A to %parallel_loop3A_23 step %parallel_loop3A_24  : i32 {
      %parallel_loop3A_481 = arith.constant 5 : i32
      %parallel_loop3A_482 = arith.shrsi %parallel_loop3A_480, %parallel_loop3A_481 : i32
      %parallel_loop3A_483 = arith.constant 0 : i32
      %parallel_loop3A_484 = arith.addi %parallel_loop3A_483, %parallel_loop3A_482 : i32
      %parallel_loop3A_485 = arith.constant 3 : i32
      %parallel_loop3A_486 = arith.shrsi %parallel_loop3A_480, %parallel_loop3A_485 : i32
      %parallel_loop3A_487 = arith.constant 3 : i32
      %parallel_loop3A_488 = arith.andi %parallel_loop3A_486, %parallel_loop3A_487 : i32
      %parallel_loop3A_489 = arith.constant 7 : i32
      %parallel_loop3A_490 = arith.andi %parallel_loop3A_480, %parallel_loop3A_489 : i32
      %parallel_loop3A_491 = arith.index_cast %parallel_loop3A_484 : i32 to index
      %parallel_loop3A_492 = arith.index_cast %parallel_loop3A_488 : i32 to index
      %parallel_loop3A_493 = arith.index_cast %parallel_loop3A_490 : i32 to index
      %parallel_loop3A_494 = arith.constant 0 : index
      %parallel_loop3A_495 = tpu.vector_load %arg17[%parallel_loop3A_491, %parallel_loop3A_492, %parallel_loop3A_493, %parallel_loop3A_494] {strides = array<i32>} : memref<7x4x8x131xf32, #tpu.memory_space<vmem>>, vector<16xf32>,
      tpu.vector_store %arg17[%parallel_loop3A_491, %parallel_loop3A_492, %parallel_loop3A_493, %parallel_loop3A_494], %broadcast_in_dim3A_17 {strides = array<i32>} : memref<7x4x8x131xf32, #tpu.memory_space<vmem>>, vector<16xf32>,
      %parallel_loop3A_496 = arith.index_cast %parallel_loop3A_484 : i32 to index
      %parallel_loop3A_497 = arith.index_cast %parallel_loop3A_488 : i32 to index
      %parallel_loop3A_498 = arith.index_cast %parallel_loop3A_490 : i32 to index
      %parallel_loop3A_499 = arith.constant 16 : index
      %parallel_loop3A_500 = tpu.vector_load %arg17[%parallel_loop3A_496, %parallel_loop3A_497, %parallel_loop3A_498, %parallel_loop3A_499] {strides = array<i32>} : memref<7x4x8x131xf32, #tpu.memory_space<vmem>>, vector<16xf32>,
      tpu.vector_store %arg17[%parallel_loop3A_496, %parallel_loop3A_497, %parallel_loop3A_498, %parallel_loop3A_499], %broadcast_in_dim3A_17 {strides = array<i32>} : memref<7x4x8x131xf32, #tpu.memory_space<vmem>>, vector<16xf32>,
      %parallel_loop3A_501 = arith.index_cast %parallel_loop3A_484 : i32 to index
      %parallel_loop3A_502 = arith.index_cast %parallel_loop3A_488 : i32 to index
      %parallel_loop3A_503 = arith.index_cast %parallel_loop3A_490 : i32 to index
      %parallel_loop3A_504 = arith.constant 32 : index
      %parallel_loop3A_505 = tpu.vector_load %arg17[%parallel_loop3A_501, %parallel_loop3A_502, %parallel_loop3A_503, %parallel_loop3A_504] {strides = array<i32>} : memref<7x4x8x131xf32, #tpu.memory_space<vmem>>, vector<16xf32>,
      tpu.vector_store %arg17[%parallel_loop3A_501, %parallel_loop3A_502, %parallel_loop3A_503, %parallel_loop3A_504], %broadcast_in_dim3A_17 {strides = array<i32>} : memref<7x4x8x131xf32, #tpu.memory_space<vmem>>, vector<16xf32>,
      %parallel_loop3A_506 = arith.index_cast %parallel_loop3A_484 : i32 to index
      %parallel_loop3A_507 = arith.index_cast %parallel_loop3A_488 : i32 to index
      %parallel_loop3A_508 = arith.index_cast %parallel_loop3A_490 : i32 to index
      %parallel_loop3A_509 = arith.constant 48 : index
      %parallel_loop3A_510 = tpu.vector_load %arg17[%parallel_loop3A_506, %parallel_loop3A_507, %parallel_loop3A_508, %parallel_loop3A_509] {strides = array<i32>} : memref<7x4x8x131xf32, #tpu.memory_space<vmem>>, vector<16xf32>,
      tpu.vector_store %arg17[%parallel_loop3A_506, %parallel_loop3A_507, %parallel_loop3A_508, %parallel_loop3A_509], %broadcast_in_dim3A_17 {strides = array<i32>} : memref<7x4x8x131xf32, #tpu.memory_space<vmem>>, vector<16xf32>,
      %parallel_loop3A_511 = arith.index_cast %parallel_loop3A_484 : i32 to index
      %parallel_loop3A_512 = arith.index_cast %parallel_loop3A_488 : i32 to index
      %parallel_loop3A_513 = arith.index_cast %parallel_loop3A_490 : i32 to index
      %parallel_loop3A_514 = arith.constant 64 : index
      %parallel_loop3A_515 = tpu.vector_load %arg17[%parallel_loop3A_511, %parallel_loop3A_512, %parallel_loop3A_513, %parallel_loop3A_514] {strides = array<i32>} : memref<7x4x8x131xf32, #tpu.memory_space<vmem>>, vector<16xf32>,
      tpu.vector_store %arg17[%parallel_loop3A_511, %parallel_loop3A_512, %parallel_loop3A_513, %parallel_loop3A_514], %broadcast_in_dim3A_17 {strides = array<i32>} : memref<7x4x8x131xf32, #tpu.memory_space<vmem>>, vector<16xf32>,
      %parallel_loop3A_516 = arith.index_cast %parallel_loop3A_484 : i32 to index
      %parallel_loop3A_517 = arith.index_cast %parallel_loop3A_488 : i32 to index
      %parallel_loop3A_518 = arith.index_cast %parallel_loop3A_490 : i32 to index
      %parallel_loop3A_519 = arith.constant 80 : index
      %parallel_loop3A_520 = tpu.vector_load %arg17[%parallel_loop3A_516, %parallel_loop3A_517, %parallel_loop3A_518, %parallel_loop3A_519] {strides = array<i32>} : memref<7x4x8x131xf32, #tpu.memory_space<vmem>>, vector<16xf32>,
      tpu.vector_store %arg17[%parallel_loop3A_516, %parallel_loop3A_517, %parallel_loop3A_518, %parallel_loop3A_519], %broadcast_in_dim3A_17 {strides = array<i32>} : memref<7x4x8x131xf32, #tpu.memory_space<vmem>>, vector<16xf32>,
      %parallel_loop3A_521 = arith.index_cast %parallel_loop3A_484 : i32 to index
      %parallel_loop3A_522 = arith.index_cast %parallel_loop3A_488 : i32 to index
      %parallel_loop3A_523 = arith.index_cast %parallel_loop3A_490 : i32 to index
      %parallel_loop3A_524 = arith.constant 96 : index
      %parallel_loop3A_525 = tpu.vector_load %arg17[%parallel_loop3A_521, %parallel_loop3A_522, %parallel_loop3A_523, %parallel_loop3A_524] {strides = array<i32>} : memref<7x4x8x131xf32, #tpu.memory_space<vmem>>, vector<16xf32>,
      tpu.vector_store %arg17[%parallel_loop3A_521, %parallel_loop3A_522, %parallel_loop3A_523, %parallel_loop3A_524], %broadcast_in_dim3A_17 {strides = array<i32>} : memref<7x4x8x131xf32, #tpu.memory_space<vmem>>, vector<16xf32>,
      %parallel_loop3A_526 = arith.index_cast %parallel_loop3A_484 : i32 to index
      %parallel_loop3A_527 = arith.index_cast %parallel_loop3A_488 : i32 to index
      %parallel_loop3A_528 = arith.index_cast %parallel_loop3A_490 : i32 to index
      %parallel_loop3A_529 = arith.constant 112 : index
      %parallel_loop3A_530 = tpu.vector_load %arg17[%parallel_loop3A_526, %parallel_loop3A_527, %parallel_loop3A_528, %parallel_loop3A_529] {strides = array<i32>} : memref<7x4x8x131xf32, #tpu.memory_space<vmem>>, vector<16xf32>,
      tpu.vector_store %arg17[%parallel_loop3A_526, %parallel_loop3A_527, %parallel_loop3A_528, %parallel_loop3A_529], %broadcast_in_dim3A_17 {strides = array<i32>} : memref<7x4x8x131xf32, #tpu.memory_space<vmem>>, vector<16xf32>,
    } {sc.loop_unroll_factor = 2 : i64, sc.parallel_access}
    %scan3A = arith.constant 0 : i32
    %scan3A_25 = arith.constant 0 : i32
    %scan3A_26 = arith.constant 32 : i32
    %scan3A_27 = arith.addi %scan3A_25, %scan3A_26 : i32
    %scan3A_28 = arith.constant 1 : i32
    %scan3A_29 = scf.for %scan3A_480 = %scan3A_25 to %scan3A_27 step %scan3A_28 iter_args(%scan3A_481 = %scan3A) -> (i32)  : i32 {
      %and3A_482 = arith.constant 7 : i32
      %and3A_483 = arith.andi %scan3A_480, %and3A_482 : i32
      %mul3A_484 = arith.constant 16 : i32
      %mul3A_485 = arith.muli %and3A_483, %mul3A_484 : i32
      %add3A_486 = vector.broadcast %mul3A_485 : i32 to vector<16xi32>
      %add3A_487 = arith.addi %add3A_486, %iota3A : vector<16xi32>
      %shift_right_arithmetic3A_488 = arith.constant 3 : i32
      %shift_right_arithmetic3A_489 = arith.shrsi %scan3A_480, %shift_right_arithmetic3A_488 : i32
      %mul3A_490 = arith.constant 128 : i32
      %mul3A_491 = arith.muli %shift_right_arithmetic3A_489, %mul3A_490 : i32
      %and3A_492 = arith.constant 7 : i32
      %and3A_493 = arith.andi %scan3A_480, %and3A_492 : i32
      %mul3A_494 = arith.constant 16 : i32
      %mul3A_495 = arith.muli %and3A_493, %mul3A_494 : i32
      %add3A_496 = arith.addi %mul3A_491, %mul3A_495 : i32
      %get3A = arith.index_cast %add3A_496 : i32 to index
      %get3A_497 = tpu.vector_load %arg14[%get3A] {strides = array<i32>} : memref<512xi32, #tpu.memory_space<vmem>>, vector<16xi32>,
      %add3A_498 = arith.constant 131 : i32
      %add3A_499 = vector.broadcast %add3A_498 : i32 to vector<16xi32>
      %add3A_500 = arith.addi %add3A_499, %get3A_497 : vector<16xi32>
      %get3A_501 = arith.index_cast %add3A_496 : i32 to index
      %get3A_502 = tpu.vector_load %arg15[%get3A_501] {strides = array<i32>} : memref<512xi32, #tpu.memory_space<vmem>>, vector<16xi32>,
      %add3A_503 = arith.constant 259 : i32
      %add3A_504 = vector.broadcast %add3A_503 : i32 to vector<16xi32>
      %add3A_505 = arith.addi %add3A_504, %get3A_502 : vector<16xi32>
      %broadcast_in_dim3A_506 = vector.broadcast %shift_right_arithmetic3A_489 : i32 to vector<16xi32>
      %sub3A_507 = arith.constant 168 : i32
      %sub3A_508 = vector.broadcast %sub3A_507 : i32 to vector<16xi32>
      %sub3A_509 = arith.subi %add3A_500, %sub3A_508 : vector<16xi32>
      %shift_right_arithmetic3A_510 = arith.constant 3 : i32
      %shift_right_arithmetic3A_511 = vector.broadcast %shift_right_arithmetic3A_510 : i32 to vector<16xi32>
      %shift_right_arithmetic3A_512 = arith.shrsi %sub3A_509, %shift_right_arithmetic3A_511 : vector<16xi32>
      %and3A_513 = arith.constant 7 : i32
      %and3A_514 = vector.broadcast %and3A_513 : i32 to vector<16xi32>
      %and3A_515 = arith.andi %add3A_500, %and3A_514 : vector<16xi32>
      %ge3A_516 = arith.constant 168 : i32
      %ge3A_517 = vector.broadcast %ge3A_516 : i32 to vector<16xi32>
      %ge3A_518 = arith.cmpi sge, %add3A_500, %ge3A_517 : vector<16xi32>
      %lt3A_519 = arith.constant 224 : i32
      %lt3A_520 = vector.broadcast %lt3A_519 : i32 to vector<16xi32>
      %lt3A_521 = arith.cmpi slt, %add3A_500, %lt3A_520 : vector<16xi32>
      %and3A_522 = arith.andi %ge3A_518, %lt3A_521 : vector<16xi1>
      tpu.vector_store_idx %arg17[%shift_right_arithmetic3A_512, %broadcast_in_dim3A_506, %and3A_515, %add3A_487], %broadcast_in_dim3A_19 masked %and3A_522 : memref<7x4x8x131xf32, #tpu.memory_space<vmem>>[vector<16xi32>, vector<16xi32>, vector<16xi32>, vector<16xi32>], vector<16xf32>, vector<16xi1>
      %scan3A_523 = arith.constant 0 : i32
      scf.yield %scan3A_523 : i32
    }
    %scan3A_30 = arith.constant 32 : i32
    %dma_start3A_31 = arith.constant 0 : i32
    %dma_start3A_32 = arith.constant 0 : i32
    %dma_start3A_33 = arith.constant 0 : i32
    %dma_start3A_34 = arith.constant 0 : i32
    %dma_start3A_35 = tpu.memref_slice %arg17[%dma_start3A_31, %dma_start3A_32, %dma_start3A_33, %dma_start3A_34] : memref<7x4x8x131xf32, #tpu.memory_space<vmem>> -> memref<7x4x8x128xf32, #tpu.memory_space<vmem>>
    %dma_start3A_36 = arith.constant 21 : i32
    %dma_start3A_37 = arith.constant 0 : i32
    %dma_start3A_38 = arith.constant 0 : i32
    %dma_start3A_39 = tpu.memref_slice %arg9[%dma_start3A_36, %mul3A_4, %dma_start3A_37, %dma_start3A_38] : memref<49x128x8x128xf32, #tpu.memory_space<hbm>> -> memref<7x4x8x128xf32, #tpu.memory_space<hbm>>
    %dma_start3A_40 = arith.constant 21 : i32
    %dma_start3A_41 = arith.constant 0 : i32
    %dma_start3A_42 = arith.constant 0 : i32
    %dma_start3A_43 = tpu.memref_slice %arg9[%dma_start3A_40, %mul3A_4, %dma_start3A_41, %dma_start3A_42] : memref<49x128x8x128xf32, #tpu.memory_space<hbm>> -> memref<7x4x8x128xf32, #tpu.memory_space<hbm>>
    %dma_start3A_44 = arith.constant 0 : i32
    %dma_start3A_45 = arith.constant 0 : i32
    %dma_start3A_46 = arith.constant 0 : i32
    %dma_start3A_47 = arith.constant 0 : i32
    %dma_start3A_48 = tpu.memref_slice %arg17[%dma_start3A_44, %dma_start3A_45, %dma_start3A_46, %dma_start3A_47] : memref<7x4x8x131xf32, #tpu.memory_space<vmem>> -> memref<7x4x8x128xf32, #tpu.memory_space<vmem>>
    tpu.enqueue_dma source(%dma_start3A_48 : memref<7x4x8x128xf32, #tpu.memory_space<vmem>>) target(%dma_start3A_43 : memref<7x4x8x128xf32, #tpu.memory_space<hbm>>) target_semaphore(%arg21 : memref<!tpu.dma_semaphore, #tpu.memory_space<semaphore_mem>>)
    %parallel_loop3A_49 = arith.constant 0 : i32
    %parallel_loop3A_50 = arith.constant 224 : i32
    %parallel_loop3A_51 = arith.constant 1 : i32
    scf.for %parallel_loop3A_480 = %parallel_loop3A_49 to %parallel_loop3A_50 step %parallel_loop3A_51  : i32 {
      %parallel_loop3A_481 = arith.constant 5 : i32
      %parallel_loop3A_482 = arith.shrsi %parallel_loop3A_480, %parallel_loop3A_481 : i32
      %parallel_loop3A_483 = arith.constant 0 : i32
      %parallel_loop3A_484 = arith.addi %parallel_loop3A_483, %parallel_loop3A_482 : i32
      %parallel_loop3A_485 = arith.constant 3 : i32
      %parallel_loop3A_486 = arith.shrsi %parallel_loop3A_480, %parallel_loop3A_485 : i32
      %parallel_loop3A_487 = arith.constant 3 : i32
      %parallel_loop3A_488 = arith.andi %parallel_loop3A_486, %parallel_loop3A_487 : i32
      %parallel_loop3A_489 = arith.constant 7 : i32
      %parallel_loop3A_490 = arith.andi %parallel_loop3A_480, %parallel_loop3A_489 : i32
      %parallel_loop3A_491 = arith.index_cast %parallel_loop3A_484 : i32 to index
      %parallel_loop3A_492 = arith.index_cast %parallel_loop3A_488 : i32 to index
      %parallel_loop3A_493 = arith.index_cast %parallel_loop3A_490 : i32 to index
      %parallel_loop3A_494 = arith.constant 0 : index
      %parallel_loop3A_495 = tpu.vector_load %arg18[%parallel_loop3A_491, %parallel_loop3A_492, %parallel_loop3A_493, %parallel_loop3A_494] {strides = array<i32>} : memref<7x4x8x131xf32, #tpu.memory_space<vmem>>, vector<16xf32>,
      tpu.vector_store %arg18[%parallel_loop3A_491, %parallel_loop3A_492, %parallel_loop3A_493, %parallel_loop3A_494], %broadcast_in_dim3A_17 {strides = array<i32>} : memref<7x4x8x131xf32, #tpu.memory_space<vmem>>, vector<16xf32>,
      %parallel_loop3A_496 = arith.index_cast %parallel_loop3A_484 : i32 to index
      %parallel_loop3A_497 = arith.index_cast %parallel_loop3A_488 : i32 to index
      %parallel_loop3A_498 = arith.index_cast %parallel_loop3A_490 : i32 to index
      %parallel_loop3A_499 = arith.constant 16 : index
      %parallel_loop3A_500 = tpu.vector_load %arg18[%parallel_loop3A_496, %parallel_loop3A_497, %parallel_loop3A_498, %parallel_loop3A_499] {strides = array<i32>} : memref<7x4x8x131xf32, #tpu.memory_space<vmem>>, vector<16xf32>,
      tpu.vector_store %arg18[%parallel_loop3A_496, %parallel_loop3A_497, %parallel_loop3A_498, %parallel_loop3A_499], %broadcast_in_dim3A_17 {strides = array<i32>} : memref<7x4x8x131xf32, #tpu.memory_space<vmem>>, vector<16xf32>,
      %parallel_loop3A_501 = arith.index_cast %parallel_loop3A_484 : i32 to index
      %parallel_loop3A_502 = arith.index_cast %parallel_loop3A_488 : i32 to index
      %parallel_loop3A_503 = arith.index_cast %parallel_loop3A_490 : i32 to index
      %parallel_loop3A_504 = arith.constant 32 : index
      %parallel_loop3A_505 = tpu.vector_load %arg18[%parallel_loop3A_501, %parallel_loop3A_502, %parallel_loop3A_503, %parallel_loop3A_504] {strides = array<i32>} : memref<7x4x8x131xf32, #tpu.memory_space<vmem>>, vector<16xf32>,
      tpu.vector_store %arg18[%parallel_loop3A_501, %parallel_loop3A_502, %parallel_loop3A_503, %parallel_loop3A_504], %broadcast_in_dim3A_17 {strides = array<i32>} : memref<7x4x8x131xf32, #tpu.memory_space<vmem>>, vector<16xf32>,
      %parallel_loop3A_506 = arith.index_cast %parallel_loop3A_484 : i32 to index
      %parallel_loop3A_507 = arith.index_cast %parallel_loop3A_488 : i32 to index
      %parallel_loop3A_508 = arith.index_cast %parallel_loop3A_490 : i32 to index
      %parallel_loop3A_509 = arith.constant 48 : index
      %parallel_loop3A_510 = tpu.vector_load %arg18[%parallel_loop3A_506, %parallel_loop3A_507, %parallel_loop3A_508, %parallel_loop3A_509] {strides = array<i32>} : memref<7x4x8x131xf32, #tpu.memory_space<vmem>>, vector<16xf32>,
      tpu.vector_store %arg18[%parallel_loop3A_506, %parallel_loop3A_507, %parallel_loop3A_508, %parallel_loop3A_509], %broadcast_in_dim3A_17 {strides = array<i32>} : memref<7x4x8x131xf32, #tpu.memory_space<vmem>>, vector<16xf32>,
      %parallel_loop3A_511 = arith.index_cast %parallel_loop3A_484 : i32 to index
      %parallel_loop3A_512 = arith.index_cast %parallel_loop3A_488 : i32 to index
      %parallel_loop3A_513 = arith.index_cast %parallel_loop3A_490 : i32 to index
      %parallel_loop3A_514 = arith.constant 64 : index
      %parallel_loop3A_515 = tpu.vector_load %arg18[%parallel_loop3A_511, %parallel_loop3A_512, %parallel_loop3A_513, %parallel_loop3A_514] {strides = array<i32>} : memref<7x4x8x131xf32, #tpu.memory_space<vmem>>, vector<16xf32>,
      tpu.vector_store %arg18[%parallel_loop3A_511, %parallel_loop3A_512, %parallel_loop3A_513, %parallel_loop3A_514], %broadcast_in_dim3A_17 {strides = array<i32>} : memref<7x4x8x131xf32, #tpu.memory_space<vmem>>, vector<16xf32>,
      %parallel_loop3A_516 = arith.index_cast %parallel_loop3A_484 : i32 to index
      %parallel_loop3A_517 = arith.index_cast %parallel_loop3A_488 : i32 to index
      %parallel_loop3A_518 = arith.index_cast %parallel_loop3A_490 : i32 to index
      %parallel_loop3A_519 = arith.constant 80 : index
      %parallel_loop3A_520 = tpu.vector_load %arg18[%parallel_loop3A_516, %parallel_loop3A_517, %parallel_loop3A_518, %parallel_loop3A_519] {strides = array<i32>} : memref<7x4x8x131xf32, #tpu.memory_space<vmem>>, vector<16xf32>,
      tpu.vector_store %arg18[%parallel_loop3A_516, %parallel_loop3A_517, %parallel_loop3A_518, %parallel_loop3A_519], %broadcast_in_dim3A_17 {strides = array<i32>} : memref<7x4x8x131xf32, #tpu.memory_space<vmem>>, vector<16xf32>,
      %parallel_loop3A_521 = arith.index_cast %parallel_loop3A_484 : i32 to index
      %parallel_loop3A_522 = arith.index_cast %parallel_loop3A_488 : i32 to index
      %parallel_loop3A_523 = arith.index_cast %parallel_loop3A_490 : i32 to index
      %parallel_loop3A_524 = arith.constant 96 : index
      %parallel_loop3A_525 = tpu.vector_load %arg18[%parallel_loop3A_521, %parallel_loop3A_522, %parallel_loop3A_523, %parallel_loop3A_524] {strides = array<i32>} : memref<7x4x8x131xf32, #tpu.memory_space<vmem>>, vector<16xf32>,
      tpu.vector_store %arg18[%parallel_loop3A_521, %parallel_loop3A_522, %parallel_loop3A_523, %parallel_loop3A_524], %broadcast_in_dim3A_17 {strides = array<i32>} : memref<7x4x8x131xf32, #tpu.memory_space<vmem>>, vector<16xf32>,
      %parallel_loop3A_526 = arith.index_cast %parallel_loop3A_484 : i32 to index
      %parallel_loop3A_527 = arith.index_cast %parallel_loop3A_488 : i32 to index
      %parallel_loop3A_528 = arith.index_cast %parallel_loop3A_490 : i32 to index
      %parallel_loop3A_529 = arith.constant 112 : index
      %parallel_loop3A_530 = tpu.vector_load %arg18[%parallel_loop3A_526, %parallel_loop3A_527, %parallel_loop3A_528, %parallel_loop3A_529] {strides = array<i32>} : memref<7x4x8x131xf32, #tpu.memory_space<vmem>>, vector<16xf32>,
      tpu.vector_store %arg18[%parallel_loop3A_526, %parallel_loop3A_527, %parallel_loop3A_528, %parallel_loop3A_529], %broadcast_in_dim3A_17 {strides = array<i32>} : memref<7x4x8x131xf32, #tpu.memory_space<vmem>>, vector<16xf32>,
    } {sc.loop_unroll_factor = 2 : i64, sc.parallel_access}
    %scan3A_52 = arith.constant 0 : i32
    %scan3A_53 = arith.constant 0 : i32
    %scan3A_54 = arith.constant 32 : i32
    %scan3A_55 = arith.addi %scan3A_53, %scan3A_54 : i32
    %scan3A_56 = arith.constant 1 : i32
    %scan3A_57 = scf.for %scan3A_480 = %scan3A_53 to %scan3A_55 step %scan3A_56 iter_args(%scan3A_481 = %scan3A_52) -> (i32)  : i32 {
      %and3A_482 = arith.constant 7 : i32
      %and3A_483 = arith.andi %scan3A_480, %and3A_482 : i32
      %mul3A_484 = arith.constant 16 : i32
      %mul3A_485 = arith.muli %and3A_483, %mul3A_484 : i32
      %add3A_486 = vector.broadcast %mul3A_485 : i32 to vector<16xi32>
      %add3A_487 = arith.addi %add3A_486, %iota3A : vector<16xi32>
      %shift_right_arithmetic3A_488 = arith.constant 3 : i32
      %shift_right_arithmetic3A_489 = arith.shrsi %scan3A_480, %shift_right_arithmetic3A_488 : i32
      %mul3A_490 = arith.constant 128 : i32
      %mul3A_491 = arith.muli %shift_right_arithmetic3A_489, %mul3A_490 : i32
      %and3A_492 = arith.constant 7 : i32
      %and3A_493 = arith.andi %scan3A_480, %and3A_492 : i32
      %mul3A_494 = arith.constant 16 : i32
      %mul3A_495 = arith.muli %and3A_493, %mul3A_494 : i32
      %add3A_496 = arith.addi %mul3A_491, %mul3A_495 : i32
      %get3A = arith.index_cast %add3A_496 : i32 to index
      %get3A_497 = tpu.vector_load %arg14[%get3A] {strides = array<i32>} : memref<512xi32, #tpu.memory_space<vmem>>, vector<16xi32>,
      %add3A_498 = arith.constant 131 : i32
      %add3A_499 = vector.broadcast %add3A_498 : i32 to vector<16xi32>
      %add3A_500 = arith.addi %add3A_499, %get3A_497 : vector<16xi32>
      %get3A_501 = arith.index_cast %add3A_496 : i32 to index
      %get3A_502 = tpu.vector_load %arg15[%get3A_501] {strides = array<i32>} : memref<512xi32, #tpu.memory_space<vmem>>, vector<16xi32>,
      %add3A_503 = arith.constant 259 : i32
      %add3A_504 = vector.broadcast %add3A_503 : i32 to vector<16xi32>
      %add3A_505 = arith.addi %add3A_504, %get3A_502 : vector<16xi32>
      %broadcast_in_dim3A_506 = vector.broadcast %shift_right_arithmetic3A_489 : i32 to vector<16xi32>
      %sub3A_507 = arith.constant 224 : i32
      %sub3A_508 = vector.broadcast %sub3A_507 : i32 to vector<16xi32>
      %sub3A_509 = arith.subi %add3A_500, %sub3A_508 : vector<16xi32>
      %shift_right_arithmetic3A_510 = arith.constant 3 : i32
      %shift_right_arithmetic3A_511 = vector.broadcast %shift_right_arithmetic3A_510 : i32 to vector<16xi32>
      %shift_right_arithmetic3A_512 = arith.shrsi %sub3A_509, %shift_right_arithmetic3A_511 : vector<16xi32>
      %and3A_513 = arith.constant 7 : i32
      %and3A_514 = vector.broadcast %and3A_513 : i32 to vector<16xi32>
      %and3A_515 = arith.andi %add3A_500, %and3A_514 : vector<16xi32>
      %ge3A_516 = arith.constant 224 : i32
      %ge3A_517 = vector.broadcast %ge3A_516 : i32 to vector<16xi32>
      %ge3A_518 = arith.cmpi sge, %add3A_500, %ge3A_517 : vector<16xi32>
      %lt3A_519 = arith.constant 280 : i32
      %lt3A_520 = vector.broadcast %lt3A_519 : i32 to vector<16xi32>
      %lt3A_521 = arith.cmpi slt, %add3A_500, %lt3A_520 : vector<16xi32>
      %and3A_522 = arith.andi %ge3A_518, %lt3A_521 : vector<16xi1>
      tpu.vector_store_idx %arg18[%shift_right_arithmetic3A_512, %broadcast_in_dim3A_506, %and3A_515, %add3A_487], %broadcast_in_dim3A_19 masked %and3A_522 : memref<7x4x8x131xf32, #tpu.memory_space<vmem>>[vector<16xi32>, vector<16xi32>, vector<16xi32>, vector<16xi32>], vector<16xf32>, vector<16xi1>
      %sub3A_523 = arith.constant 224 : i32
      %sub3A_524 = vector.broadcast %sub3A_523 : i32 to vector<16xi32>
      %sub3A_525 = arith.subi %add3A_505, %sub3A_524 : vector<16xi32>
      %shift_right_arithmetic3A_526 = arith.constant 3 : i32
      %shift_right_arithmetic3A_527 = vector.broadcast %shift_right_arithmetic3A_526 : i32 to vector<16xi32>
      %shift_right_arithmetic3A_528 = arith.shrsi %sub3A_525, %shift_right_arithmetic3A_527 : vector<16xi32>
      %and3A_529 = arith.constant 7 : i32
      %and3A_530 = vector.broadcast %and3A_529 : i32 to vector<16xi32>
      %and3A_531 = arith.andi %add3A_505, %and3A_530 : vector<16xi32>
      %ge3A_532 = arith.constant 224 : i32
      %ge3A_533 = vector.broadcast %ge3A_532 : i32 to vector<16xi32>
      %ge3A_534 = arith.cmpi sge, %add3A_505, %ge3A_533 : vector<16xi32>
      %lt3A_535 = arith.constant 280 : i32
      %lt3A_536 = vector.broadcast %lt3A_535 : i32 to vector<16xi32>
      %lt3A_537 = arith.cmpi slt, %add3A_505, %lt3A_536 : vector<16xi32>
      %and3A_538 = arith.andi %ge3A_534, %lt3A_537 : vector<16xi1>
      tpu.vector_store_idx %arg18[%shift_right_arithmetic3A_528, %broadcast_in_dim3A_506, %and3A_531, %add3A_487], %broadcast_in_dim3A_19 masked %and3A_538 : memref<7x4x8x131xf32, #tpu.memory_space<vmem>>[vector<16xi32>, vector<16xi32>, vector<16xi32>, vector<16xi32>], vector<16xf32>, vector<16xi1>
      %scan3A_539 = arith.constant 0 : i32
      scf.yield %scan3A_539 : i32
    }
    %scan3A_58 = arith.constant 32 : i32
    %dma_start3A_59 = arith.constant 0 : i32
    %dma_start3A_60 = arith.constant 0 : i32
    %dma_start3A_61 = arith.constant 0 : i32
    %dma_start3A_62 = arith.constant 0 : i32
    %dma_start3A_63 = tpu.memref_slice %arg18[%dma_start3A_59, %dma_start3A_60, %dma_start3A_61, %dma_start3A_62] : memref<7x4x8x131xf32, #tpu.memory_space<vmem>> -> memref<7x4x8x128xf32, #tpu.memory_space<vmem>>
    %dma_start3A_64 = arith.constant 28 : i32
    %dma_start3A_65 = arith.constant 0 : i32
    %dma_start3A_66 = arith.constant 0 : i32
    %dma_start3A_67 = tpu.memref_slice %arg9[%dma_start3A_64, %mul3A_4, %dma_start3A_65, %dma_start3A_66] : memref<49x128x8x128xf32, #tpu.memory_space<hbm>> -> memref<7x4x8x128xf32, #tpu.memory_space<hbm>>
    %dma_start3A_68 = arith.constant 28 : i32
    %dma_start3A_69 = arith.constant 0 : i32
    %dma_start3A_70 = arith.constant 0 : i32
    %dma_start3A_71 = tpu.memref_slice %arg9[%dma_start3A_68, %mul3A_4, %dma_start3A_69, %dma_start3A_70] : memref<49x128x8x128xf32, #tpu.memory_space<hbm>> -> memref<7x4x8x128xf32, #tpu.memory_space<hbm>>
    %dma_start3A_72 = arith.constant 0 : i32
    %dma_start3A_73 = arith.constant 0 : i32
    %dma_start3A_74 = arith.constant 0 : i32
    %dma_start3A_75 = arith.constant 0 : i32
    %dma_start3A_76 = tpu.memref_slice %arg18[%dma_start3A_72, %dma_start3A_73, %dma_start3A_74, %dma_start3A_75] : memref<7x4x8x131xf32, #tpu.memory_space<vmem>> -> memref<7x4x8x128xf32, #tpu.memory_space<vmem>>
    tpu.enqueue_dma source(%dma_start3A_76 : memref<7x4x8x128xf32, #tpu.memory_space<vmem>>) target(%dma_start3A_71 : memref<7x4x8x128xf32, #tpu.memory_space<hbm>>) target_semaphore(%arg22 : memref<!tpu.dma_semaphore, #tpu.memory_space<semaphore_mem>>)
    %dma_wait3A_77 = arith.constant 0 : i32
    %dma_wait3A_78 = arith.constant 0 : i32
    %dma_wait3A_79 = arith.constant 0 : i32
    %dma_wait3A_80 = arith.constant 0 : i32
    %dma_wait3A_81 = tpu.memref_slice %arg17[%dma_wait3A_77, %dma_wait3A_78, %dma_wait3A_79, %dma_wait3A_80] : memref<7x4x8x131xf32, #tpu.memory_space<vmem>> -> memref<7x4x8x128xf32, #tpu.memory_space<vmem>>
    %dma_wait3A_82 = arith.constant 21 : i32
    %dma_wait3A_83 = arith.constant 0 : i32
    %dma_wait3A_84 = arith.constant 0 : i32
    %dma_wait3A_85 = tpu.memref_slice %arg9[%dma_wait3A_82, %mul3A_4, %dma_wait3A_83, %dma_wait3A_84] : memref<49x128x8x128xf32, #tpu.memory_space<hbm>> -> memref<7x4x8x128xf32, #tpu.memory_space<hbm>>
    %dma_wait3A_86 = arith.constant 21 : i32
    %dma_wait3A_87 = arith.constant 0 : i32
    %dma_wait3A_88 = arith.constant 0 : i32
    %dma_wait3A_89 = tpu.memref_slice %arg9[%dma_wait3A_86, %mul3A_4, %dma_wait3A_87, %dma_wait3A_88] : memref<49x128x8x128xf32, #tpu.memory_space<hbm>> -> memref<7x4x8x128xf32, #tpu.memory_space<hbm>>
    %dma_wait3A_90 = arith.constant 0 : i32
    %dma_wait3A_91 = arith.constant 0 : i32
    %dma_wait3A_92 = arith.constant 0 : i32
    %dma_wait3A_93 = arith.constant 0 : i32
    %dma_wait3A_94 = tpu.memref_slice %arg17[%dma_wait3A_90, %dma_wait3A_91, %dma_wait3A_92, %dma_wait3A_93] : memref<7x4x8x131xf32, #tpu.memory_space<vmem>> -> memref<7x4x8x128xf32, #tpu.memory_space<vmem>>
    tpu.wait_dma2 semaphore(%arg21 : memref<!tpu.dma_semaphore, #tpu.memory_space<semaphore_mem>>) src(%dma_wait3A_94 : memref<7x4x8x128xf32, #tpu.memory_space<vmem>>) dst(%dma_wait3A_89 : memref<7x4x8x128xf32, #tpu.memory_space<hbm>>)
    %scan3A_95 = arith.constant 0 : i32
    %scan3A_96 = arith.constant 0 : i32
    %scan3A_97 = arith.constant 32 : i32
    %scan3A_98 = arith.addi %scan3A_96, %scan3A_97 : i32
    %scan3A_99 = arith.constant 1 : i32
    %scan3A_100 = scf.for %scan3A_480 = %scan3A_96 to %scan3A_98 step %scan3A_99 iter_args(%scan3A_481 = %scan3A_95) -> (i32)  : i32 {
      %and3A_482 = arith.constant 7 : i32
      %and3A_483 = arith.andi %scan3A_480, %and3A_482 : i32
      %mul3A_484 = arith.constant 16 : i32
      %mul3A_485 = arith.muli %and3A_483, %mul3A_484 : i32
      %add3A_486 = vector.broadcast %mul3A_485 : i32 to vector<16xi32>
      %add3A_487 = arith.addi %add3A_486, %iota3A : vector<16xi32>
      %shift_right_arithmetic3A_488 = arith.constant 3 : i32
      %shift_right_arithmetic3A_489 = arith.shrsi %scan3A_480, %shift_right_arithmetic3A_488 : i32
      %mul3A_490 = arith.constant 128 : i32
      %mul3A_491 = arith.muli %shift_right_arithmetic3A_489, %mul3A_490 : i32
      %and3A_492 = arith.constant 7 : i32
      %and3A_493 = arith.andi %scan3A_480, %and3A_492 : i32
      %mul3A_494 = arith.constant 16 : i32
      %mul3A_495 = arith.muli %and3A_493, %mul3A_494 : i32
      %add3A_496 = arith.addi %mul3A_491, %mul3A_495 : i32
      %get3A = arith.index_cast %add3A_496 : i32 to index
      %get3A_497 = tpu.vector_load %arg14[%get3A] {strides = array<i32>} : memref<512xi32, #tpu.memory_space<vmem>>, vector<16xi32>,
      %add3A_498 = arith.constant 131 : i32
      %add3A_499 = vector.broadcast %add3A_498 : i32 to vector<16xi32>
      %add3A_500 = arith.addi %add3A_499, %get3A_497 : vector<16xi32>
      %get3A_501 = arith.index_cast %add3A_496 : i32 to index
      %get3A_502 = tpu.vector_load %arg15[%get3A_501] {strides = array<i32>} : memref<512xi32, #tpu.memory_space<vmem>>, vector<16xi32>,
      %add3A_503 = arith.constant 259 : i32
      %add3A_504 = vector.broadcast %add3A_503 : i32 to vector<16xi32>
      %add3A_505 = arith.addi %add3A_504, %get3A_502 : vector<16xi32>
      %broadcast_in_dim3A_506 = vector.broadcast %shift_right_arithmetic3A_489 : i32 to vector<16xi32>
      %sub3A_507 = arith.constant 168 : i32
      %sub3A_508 = vector.broadcast %sub3A_507 : i32 to vector<16xi32>
      %sub3A_509 = arith.subi %add3A_500, %sub3A_508 : vector<16xi32>
      %shift_right_arithmetic3A_510 = arith.constant 3 : i32
      %shift_right_arithmetic3A_511 = vector.broadcast %shift_right_arithmetic3A_510 : i32 to vector<16xi32>
      %shift_right_arithmetic3A_512 = arith.shrsi %sub3A_509, %shift_right_arithmetic3A_511 : vector<16xi32>
      %and3A_513 = arith.constant 7 : i32
      %and3A_514 = vector.broadcast %and3A_513 : i32 to vector<16xi32>
      %and3A_515 = arith.andi %add3A_500, %and3A_514 : vector<16xi32>
      %ge3A_516 = arith.constant 168 : i32
      %ge3A_517 = vector.broadcast %ge3A_516 : i32 to vector<16xi32>
      %ge3A_518 = arith.cmpi sge, %add3A_500, %ge3A_517 : vector<16xi32>
      %lt3A_519 = arith.constant 224 : i32
      %lt3A_520 = vector.broadcast %lt3A_519 : i32 to vector<16xi32>
      %lt3A_521 = arith.cmpi slt, %add3A_500, %lt3A_520 : vector<16xi32>
      %and3A_522 = arith.andi %ge3A_518, %lt3A_521 : vector<16xi1>
      tpu.vector_store_idx %arg17[%shift_right_arithmetic3A_512, %broadcast_in_dim3A_506, %and3A_515, %add3A_487], %broadcast_in_dim3A_17 masked %and3A_522 : memref<7x4x8x131xf32, #tpu.memory_space<vmem>>[vector<16xi32>, vector<16xi32>, vector<16xi32>, vector<16xi32>], vector<16xf32>, vector<16xi1>
      %scan3A_523 = arith.constant 0 : i32
      scf.yield %scan3A_523 : i32
    }
    %scan3A_101 = arith.constant 32 : i32
    %scan3A_102 = arith.constant 0 : i32
    %scan3A_103 = arith.constant 0 : i32
    %scan3A_104 = arith.constant 32 : i32
    %scan3A_105 = arith.addi %scan3A_103, %scan3A_104 : i32
    %scan3A_106 = arith.constant 1 : i32
    %scan3A_107 = scf.for %scan3A_480 = %scan3A_103 to %scan3A_105 step %scan3A_106 iter_args(%scan3A_481 = %scan3A_102) -> (i32)  : i32 {
      %and3A_482 = arith.constant 7 : i32
      %and3A_483 = arith.andi %scan3A_480, %and3A_482 : i32
      %mul3A_484 = arith.constant 16 : i32
      %mul3A_485 = arith.muli %and3A_483, %mul3A_484 : i32
      %add3A_486 = vector.broadcast %mul3A_485 : i32 to vector<16xi32>
      %add3A_487 = arith.addi %add3A_486, %iota3A : vector<16xi32>
      %shift_right_arithmetic3A_488 = arith.constant 3 : i32
      %shift_right_arithmetic3A_489 = arith.shrsi %scan3A_480, %shift_right_arithmetic3A_488 : i32
      %mul3A_490 = arith.constant 128 : i32
      %mul3A_491 = arith.muli %shift_right_arithmetic3A_489, %mul3A_490 : i32
      %and3A_492 = arith.constant 7 : i32
      %and3A_493 = arith.andi %scan3A_480, %and3A_492 : i32
      %mul3A_494 = arith.constant 16 : i32
      %mul3A_495 = arith.muli %and3A_493, %mul3A_494 : i32
      %add3A_496 = arith.addi %mul3A_491, %mul3A_495 : i32
      %get3A = arith.index_cast %add3A_496 : i32 to index
      %get3A_497 = tpu.vector_load %arg14[%get3A] {strides = array<i32>} : memref<512xi32, #tpu.memory_space<vmem>>, vector<16xi32>,
      %add3A_498 = arith.constant 131 : i32
      %add3A_499 = vector.broadcast %add3A_498 : i32 to vector<16xi32>
      %add3A_500 = arith.addi %add3A_499, %get3A_497 : vector<16xi32>
      %get3A_501 = arith.index_cast %add3A_496 : i32 to index
      %get3A_502 = tpu.vector_load %arg15[%get3A_501] {strides = array<i32>} : memref<512xi32, #tpu.memory_space<vmem>>, vector<16xi32>,
      %add3A_503 = arith.constant 259 : i32
      %add3A_504 = vector.broadcast %add3A_503 : i32 to vector<16xi32>
      %add3A_505 = arith.addi %add3A_504, %get3A_502 : vector<16xi32>
      %broadcast_in_dim3A_506 = vector.broadcast %shift_right_arithmetic3A_489 : i32 to vector<16xi32>
      %sub3A_507 = arith.constant 280 : i32
      %sub3A_508 = vector.broadcast %sub3A_507 : i32 to vector<16xi32>
      %sub3A_509 = arith.subi %add3A_505, %sub3A_508 : vector<16xi32>
      %shift_right_arithmetic3A_510 = arith.constant 3 : i32
      %shift_right_arithmetic3A_511 = vector.broadcast %shift_right_arithmetic3A_510 : i32 to vector<16xi32>
      %shift_right_arithmetic3A_512 = arith.shrsi %sub3A_509, %shift_right_arithmetic3A_511 : vector<16xi32>
      %and3A_513 = arith.constant 7 : i32
      %and3A_514 = vector.broadcast %and3A_513 : i32 to vector<16xi32>
      %and3A_515 = arith.andi %add3A_505, %and3A_514 : vector<16xi32>
      %ge3A_516 = arith.constant 280 : i32
      %ge3A_517 = vector.broadcast %ge3A_516 : i32 to vector<16xi32>
      %ge3A_518 = arith.cmpi sge, %add3A_505, %ge3A_517 : vector<16xi32>
      %lt3A_519 = arith.constant 336 : i32
      %lt3A_520 = vector.broadcast %lt3A_519 : i32 to vector<16xi32>
      %lt3A_521 = arith.cmpi slt, %add3A_505, %lt3A_520 : vector<16xi32>
      %and3A_522 = arith.andi %ge3A_518, %lt3A_521 : vector<16xi1>
      tpu.vector_store_idx %arg17[%shift_right_arithmetic3A_512, %broadcast_in_dim3A_506, %and3A_515, %add3A_487], %broadcast_in_dim3A_19 masked %and3A_522 : memref<7x4x8x131xf32, #tpu.memory_space<vmem>>[vector<16xi32>, vector<16xi32>, vector<16xi32>, vector<16xi32>], vector<16xf32>, vector<16xi1>
      %scan3A_523 = arith.constant 0 : i32
      scf.yield %scan3A_523 : i32
    }
    %scan3A_108 = arith.constant 32 : i32
    %dma_start3A_109 = arith.constant 0 : i32
    %dma_start3A_110 = arith.constant 0 : i32
    %dma_start3A_111 = arith.constant 0 : i32
    %dma_start3A_112 = arith.constant 0 : i32
    %dma_start3A_113 = tpu.memref_slice %arg17[%dma_start3A_109, %dma_start3A_110, %dma_start3A_111, %dma_start3A_112] : memref<7x4x8x131xf32, #tpu.memory_space<vmem>> -> memref<7x4x8x128xf32, #tpu.memory_space<vmem>>
    %dma_start3A_114 = arith.constant 35 : i32
    %dma_start3A_115 = arith.constant 0 : i32
    %dma_start3A_116 = arith.constant 0 : i32
    %dma_start3A_117 = tpu.memref_slice %arg9[%dma_start3A_114, %mul3A_4, %dma_start3A_115, %dma_start3A_116] : memref<49x128x8x128xf32, #tpu.memory_space<hbm>> -> memref<7x4x8x128xf32, #tpu.memory_space<hbm>>
    %dma_start3A_118 = arith.constant 35 : i32
    %dma_start3A_119 = arith.constant 0 : i32
    %dma_start3A_120 = arith.constant 0 : i32
    %dma_start3A_121 = tpu.memref_slice %arg9[%dma_start3A_118, %mul3A_4, %dma_start3A_119, %dma_start3A_120] : memref<49x128x8x128xf32, #tpu.memory_space<hbm>> -> memref<7x4x8x128xf32, #tpu.memory_space<hbm>>
    %dma_start3A_122 = arith.constant 0 : i32
    %dma_start3A_123 = arith.constant 0 : i32
    %dma_start3A_124 = arith.constant 0 : i32
    %dma_start3A_125 = arith.constant 0 : i32
    %dma_start3A_126 = tpu.memref_slice %arg17[%dma_start3A_122, %dma_start3A_123, %dma_start3A_124, %dma_start3A_125] : memref<7x4x8x131xf32, #tpu.memory_space<vmem>> -> memref<7x4x8x128xf32, #tpu.memory_space<vmem>>
    tpu.enqueue_dma source(%dma_start3A_126 : memref<7x4x8x128xf32, #tpu.memory_space<vmem>>) target(%dma_start3A_121 : memref<7x4x8x128xf32, #tpu.memory_space<hbm>>) target_semaphore(%arg21 : memref<!tpu.dma_semaphore, #tpu.memory_space<semaphore_mem>>)
    %dma_wait3A_127 = arith.constant 0 : i32
    %dma_wait3A_128 = arith.constant 0 : i32
    %dma_wait3A_129 = arith.constant 0 : i32
    %dma_wait3A_130 = arith.constant 0 : i32
    %dma_wait3A_131 = tpu.memref_slice %arg18[%dma_wait3A_127, %dma_wait3A_128, %dma_wait3A_129, %dma_wait3A_130] : memref<7x4x8x131xf32, #tpu.memory_space<vmem>> -> memref<7x4x8x128xf32, #tpu.memory_space<vmem>>
    %dma_wait3A_132 = arith.constant 28 : i32
    %dma_wait3A_133 = arith.constant 0 : i32
    %dma_wait3A_134 = arith.constant 0 : i32
    %dma_wait3A_135 = tpu.memref_slice %arg9[%dma_wait3A_132, %mul3A_4, %dma_wait3A_133, %dma_wait3A_134] : memref<49x128x8x128xf32, #tpu.memory_space<hbm>> -> memref<7x4x8x128xf32, #tpu.memory_space<hbm>>
    %dma_wait3A_136 = arith.constant 28 : i32
    %dma_wait3A_137 = arith.constant 0 : i32
    %dma_wait3A_138 = arith.constant 0 : i32
    %dma_wait3A_139 = tpu.memref_slice %arg9[%dma_wait3A_136, %mul3A_4, %dma_wait3A_137, %dma_wait3A_138] : memref<49x128x8x128xf32, #tpu.memory_space<hbm>> -> memref<7x4x8x128xf32, #tpu.memory_space<hbm>>
    %dma_wait3A_140 = arith.constant 0 : i32
    %dma_wait3A_141 = arith.constant 0 : i32
    %dma_wait3A_142 = arith.constant 0 : i32
    %dma_wait3A_143 = arith.constant 0 : i32
    %dma_wait3A_144 = tpu.memref_slice %arg18[%dma_wait3A_140, %dma_wait3A_141, %dma_wait3A_142, %dma_wait3A_143] : memref<7x4x8x131xf32, #tpu.memory_space<vmem>> -> memref<7x4x8x128xf32, #tpu.memory_space<vmem>>
    tpu.wait_dma2 semaphore(%arg22 : memref<!tpu.dma_semaphore, #tpu.memory_space<semaphore_mem>>) src(%dma_wait3A_144 : memref<7x4x8x128xf32, #tpu.memory_space<vmem>>) dst(%dma_wait3A_139 : memref<7x4x8x128xf32, #tpu.memory_space<hbm>>)
    %scan3A_145 = arith.constant 0 : i32
    %scan3A_146 = arith.constant 0 : i32
    %scan3A_147 = arith.constant 32 : i32
    %scan3A_148 = arith.addi %scan3A_146, %scan3A_147 : i32
    %scan3A_149 = arith.constant 1 : i32
    %scan3A_150 = scf.for %scan3A_480 = %scan3A_146 to %scan3A_148 step %scan3A_149 iter_args(%scan3A_481 = %scan3A_145) -> (i32)  : i32 {
      %and3A_482 = arith.constant 7 : i32
      %and3A_483 = arith.andi %scan3A_480, %and3A_482 : i32
      %mul3A_484 = arith.constant 16 : i32
      %mul3A_485 = arith.muli %and3A_483, %mul3A_484 : i32
      %add3A_486 = vector.broadcast %mul3A_485 : i32 to vector<16xi32>
      %add3A_487 = arith.addi %add3A_486, %iota3A : vector<16xi32>
      %shift_right_arithmetic3A_488 = arith.constant 3 : i32
      %shift_right_arithmetic3A_489 = arith.shrsi %scan3A_480, %shift_right_arithmetic3A_488 : i32
      %mul3A_490 = arith.constant 128 : i32
      %mul3A_491 = arith.muli %shift_right_arithmetic3A_489, %mul3A_490 : i32
      %and3A_492 = arith.constant 7 : i32
      %and3A_493 = arith.andi %scan3A_480, %and3A_492 : i32
      %mul3A_494 = arith.constant 16 : i32
      %mul3A_495 = arith.muli %and3A_493, %mul3A_494 : i32
      %add3A_496 = arith.addi %mul3A_491, %mul3A_495 : i32
      %get3A = arith.index_cast %add3A_496 : i32 to index
      %get3A_497 = tpu.vector_load %arg14[%get3A] {strides = array<i32>} : memref<512xi32, #tpu.memory_space<vmem>>, vector<16xi32>,
      %add3A_498 = arith.constant 131 : i32
      %add3A_499 = vector.broadcast %add3A_498 : i32 to vector<16xi32>
      %add3A_500 = arith.addi %add3A_499, %get3A_497 : vector<16xi32>
      %get3A_501 = arith.index_cast %add3A_496 : i32 to index
      %get3A_502 = tpu.vector_load %arg15[%get3A_501] {strides = array<i32>} : memref<512xi32, #tpu.memory_space<vmem>>, vector<16xi32>,
      %add3A_503 = arith.constant 259 : i32
      %add3A_504 = vector.broadcast %add3A_503 : i32 to vector<16xi32>
      %add3A_505 = arith.addi %add3A_504, %get3A_502 : vector<16xi32>
      %broadcast_in_dim3A_506 = vector.broadcast %shift_right_arithmetic3A_489 : i32 to vector<16xi32>
      %sub3A_507 = arith.constant 224 : i32
      %sub3A_508 = vector.broadcast %sub3A_507 : i32 to vector<16xi32>
      %sub3A_509 = arith.subi %add3A_500, %sub3A_508 : vector<16xi32>
      %shift_right_arithmetic3A_510 = arith.constant 3 : i32
      %shift_right_arithmetic3A_511 = vector.broadcast %shift_right_arithmetic3A_510 : i32 to vector<16xi32>
      %shift_right_arithmetic3A_512 = arith.shrsi %sub3A_509, %shift_right_arithmetic3A_511 : vector<16xi32>
      %and3A_513 = arith.constant 7 : i32
      %and3A_514 = vector.broadcast %and3A_513 : i32 to vector<16xi32>
      %and3A_515 = arith.andi %add3A_500, %and3A_514 : vector<16xi32>
      %ge3A_516 = arith.constant 224 : i32
      %ge3A_517 = vector.broadcast %ge3A_516 : i32 to vector<16xi32>
      %ge3A_518 = arith.cmpi sge, %add3A_500, %ge3A_517 : vector<16xi32>
      %lt3A_519 = arith.constant 280 : i32
      %lt3A_520 = vector.broadcast %lt3A_519 : i32 to vector<16xi32>
      %lt3A_521 = arith.cmpi slt, %add3A_500, %lt3A_520 : vector<16xi32>
      %and3A_522 = arith.andi %ge3A_518, %lt3A_521 : vector<16xi1>
      tpu.vector_store_idx %arg18[%shift_right_arithmetic3A_512, %broadcast_in_dim3A_506, %and3A_515, %add3A_487], %broadcast_in_dim3A_17 masked %and3A_522 : memref<7x4x8x131xf32, #tpu.memory_space<vmem>>[vector<16xi32>, vector<16xi32>, vector<16xi32>, vector<16xi32>], vector<16xf32>, vector<16xi1>
      %sub3A_523 = arith.constant 224 : i32
      %sub3A_524 = vector.broadcast %sub3A_523 : i32 to vector<16xi32>
      %sub3A_525 = arith.subi %add3A_505, %sub3A_524 : vector<16xi32>
      %shift_right_arithmetic3A_526 = arith.constant 3 : i32
      %shift_right_arithmetic3A_527 = vector.broadcast %shift_right_arithmetic3A_526 : i32 to vector<16xi32>
      %shift_right_arithmetic3A_528 = arith.shrsi %sub3A_525, %shift_right_arithmetic3A_527 : vector<16xi32>
      %and3A_529 = arith.constant 7 : i32
      %and3A_530 = vector.broadcast %and3A_529 : i32 to vector<16xi32>
      %and3A_531 = arith.andi %add3A_505, %and3A_530 : vector<16xi32>
      %ge3A_532 = arith.constant 224 : i32
      %ge3A_533 = vector.broadcast %ge3A_532 : i32 to vector<16xi32>
      %ge3A_534 = arith.cmpi sge, %add3A_505, %ge3A_533 : vector<16xi32>
      %lt3A_535 = arith.constant 280 : i32
      %lt3A_536 = vector.broadcast %lt3A_535 : i32 to vector<16xi32>
      %lt3A_537 = arith.cmpi slt, %add3A_505, %lt3A_536 : vector<16xi32>
      %and3A_538 = arith.andi %ge3A_534, %lt3A_537 : vector<16xi1>
      tpu.vector_store_idx %arg18[%shift_right_arithmetic3A_528, %broadcast_in_dim3A_506, %and3A_531, %add3A_487], %broadcast_in_dim3A_17 masked %and3A_538 : memref<7x4x8x131xf32, #tpu.memory_space<vmem>>[vector<16xi32>, vector<16xi32>, vector<16xi32>, vector<16xi32>], vector<16xf32>, vector<16xi1>
      %scan3A_539 = arith.constant 0 : i32
      scf.yield %scan3A_539 : i32
    }
    %scan3A_151 = arith.constant 32 : i32
    %scan3A_152 = arith.constant 0 : i32
    %scan3A_153 = arith.constant 0 : i32
    %scan3A_154 = arith.constant 32 : i32
    %scan3A_155 = arith.addi %scan3A_153, %scan3A_154 : i32
    %scan3A_156 = arith.constant 1 : i32
    %scan3A_157 = scf.for %scan3A_480 = %scan3A_153 to %scan3A_155 step %scan3A_156 iter_args(%scan3A_481 = %scan3A_152) -> (i32)  : i32 {
      %and3A_482 = arith.constant 7 : i32
      %and3A_483 = arith.andi %scan3A_480, %and3A_482 : i32
      %mul3A_484 = arith.constant 16 : i32
      %mul3A_485 = arith.muli %and3A_483, %mul3A_484 : i32
      %add3A_486 = vector.broadcast %mul3A_485 : i32 to vector<16xi32>
      %add3A_487 = arith.addi %add3A_486, %iota3A : vector<16xi32>
      %shift_right_arithmetic3A_488 = arith.constant 3 : i32
      %shift_right_arithmetic3A_489 = arith.shrsi %scan3A_480, %shift_right_arithmetic3A_488 : i32
      %mul3A_490 = arith.constant 128 : i32
      %mul3A_491 = arith.muli %shift_right_arithmetic3A_489, %mul3A_490 : i32
      %and3A_492 = arith.constant 7 : i32
      %and3A_493 = arith.andi %scan3A_480, %and3A_492 : i32
      %mul3A_494 = arith.constant 16 : i32
      %mul3A_495 = arith.muli %and3A_493, %mul3A_494 : i32
      %add3A_496 = arith.addi %mul3A_491, %mul3A_495 : i32
      %get3A = arith.index_cast %add3A_496 : i32 to index
      %get3A_497 = tpu.vector_load %arg14[%get3A] {strides = array<i32>} : memref<512xi32, #tpu.memory_space<vmem>>, vector<16xi32>,
      %add3A_498 = arith.constant 131 : i32
      %add3A_499 = vector.broadcast %add3A_498 : i32 to vector<16xi32>
      %add3A_500 = arith.addi %add3A_499, %get3A_497 : vector<16xi32>
      %get3A_501 = arith.index_cast %add3A_496 : i32 to index
      %get3A_502 = tpu.vector_load %arg15[%get3A_501] {strides = array<i32>} : memref<512xi32, #tpu.memory_space<vmem>>, vector<16xi32>,
      %add3A_503 = arith.constant 259 : i32
      %add3A_504 = vector.broadcast %add3A_503 : i32 to vector<16xi32>
      %add3A_505 = arith.addi %add3A_504, %get3A_502 : vector<16xi32>
      %broadcast_in_dim3A_506 = vector.broadcast %shift_right_arithmetic3A_489 : i32 to vector<16xi32>
      %sub3A_507 = arith.constant 336 : i32
      %sub3A_508 = vector.broadcast %sub3A_507 : i32 to vector<16xi32>
      %sub3A_509 = arith.subi %add3A_505, %sub3A_508 : vector<16xi32>
      %shift_right_arithmetic3A_510 = arith.constant 3 : i32
      %shift_right_arithmetic3A_511 = vector.broadcast %shift_right_arithmetic3A_510 : i32 to vector<16xi32>
      %shift_right_arithmetic3A_512 = arith.shrsi %sub3A_509, %shift_right_arithmetic3A_511 : vector<16xi32>
      %and3A_513 = arith.constant 7 : i32
      %and3A_514 = vector.broadcast %and3A_513 : i32 to vector<16xi32>
      %and3A_515 = arith.andi %add3A_505, %and3A_514 : vector<16xi32>
      %ge3A_516 = arith.constant 336 : i32
      %ge3A_517 = vector.broadcast %ge3A_516 : i32 to vector<16xi32>
      %ge3A_518 = arith.cmpi sge, %add3A_505, %ge3A_517 : vector<16xi32>
      %lt3A_519 = arith.constant 392 : i32
      %lt3A_520 = vector.broadcast %lt3A_519 : i32 to vector<16xi32>
      %lt3A_521 = arith.cmpi slt, %add3A_505, %lt3A_520 : vector<16xi32>
      %and3A_522 = arith.andi %ge3A_518, %lt3A_521 : vector<16xi1>
      tpu.vector_store_idx %arg18[%shift_right_arithmetic3A_512, %broadcast_in_dim3A_506, %and3A_515, %add3A_487], %broadcast_in_dim3A_19 masked %and3A_522 : memref<7x4x8x131xf32, #tpu.memory_space<vmem>>[vector<16xi32>, vector<16xi32>, vector<16xi32>, vector<16xi32>], vector<16xf32>, vector<16xi1>
      %scan3A_523 = arith.constant 0 : i32
      scf.yield %scan3A_523 : i32
    }
    %scan3A_158 = arith.constant 32 : i32
    %dma_start3A_159 = arith.constant 0 : i32
    %dma_start3A_160 = arith.constant 0 : i32
    %dma_start3A_161 = arith.constant 0 : i32
    %dma_start3A_162 = arith.constant 0 : i32
    %dma_start3A_163 = tpu.memref_slice %arg18[%dma_start3A_159, %dma_start3A_160, %dma_start3A_161, %dma_start3A_162] : memref<7x4x8x131xf32, #tpu.memory_space<vmem>> -> memref<7x4x8x128xf32, #tpu.memory_space<vmem>>
    %dma_start3A_164 = arith.constant 42 : i32
    %dma_start3A_165 = arith.constant 0 : i32
    %dma_start3A_166 = arith.constant 0 : i32
    %dma_start3A_167 = tpu.memref_slice %arg9[%dma_start3A_164, %mul3A_4, %dma_start3A_165, %dma_start3A_166] : memref<49x128x8x128xf32, #tpu.memory_space<hbm>> -> memref<7x4x8x128xf32, #tpu.memory_space<hbm>>
    %dma_start3A_168 = arith.constant 42 : i32
    %dma_start3A_169 = arith.constant 0 : i32
    %dma_start3A_170 = arith.constant 0 : i32
    %dma_start3A_171 = tpu.memref_slice %arg9[%dma_start3A_168, %mul3A_4, %dma_start3A_169, %dma_start3A_170] : memref<49x128x8x128xf32, #tpu.memory_space<hbm>> -> memref<7x4x8x128xf32, #tpu.memory_space<hbm>>
    %dma_start3A_172 = arith.constant 0 : i32
    %dma_start3A_173 = arith.constant 0 : i32
    %dma_start3A_174 = arith.constant 0 : i32
    %dma_start3A_175 = arith.constant 0 : i32
    %dma_start3A_176 = tpu.memref_slice %arg18[%dma_start3A_172, %dma_start3A_173, %dma_start3A_174, %dma_start3A_175] : memref<7x4x8x131xf32, #tpu.memory_space<vmem>> -> memref<7x4x8x128xf32, #tpu.memory_space<vmem>>
    tpu.enqueue_dma source(%dma_start3A_176 : memref<7x4x8x128xf32, #tpu.memory_space<vmem>>) target(%dma_start3A_171 : memref<7x4x8x128xf32, #tpu.memory_space<hbm>>) target_semaphore(%arg22 : memref<!tpu.dma_semaphore, #tpu.memory_space<semaphore_mem>>)
    %dma_wait3A_177 = tpu.memref_slice %arg3[%mul3A_2] : memref<16384xf32, #tpu.memory_space<hbm>> -> memref<512xf32, #tpu.memory_space<hbm>>
    %dma_wait3A_178 = tpu.memref_slice %arg3[%mul3A_2] : memref<16384xf32, #tpu.memory_space<hbm>> -> memref<512xf32, #tpu.memory_space<hbm>>
    tpu.wait_dma2 semaphore(%arg20 : memref<!tpu.dma_semaphore, #tpu.memory_space<semaphore_mem>>) src(%dma_wait3A_178 : memref<512xf32, #tpu.memory_space<hbm>>) dst(%arg11 : memref<512xf32, #tpu.memory_space<vmem>>)
    %dma_wait3A_179 = tpu.memref_slice %arg4[%mul3A_2] : memref<16384xf32, #tpu.memory_space<hbm>> -> memref<512xf32, #tpu.memory_space<hbm>>
    %dma_wait3A_180 = tpu.memref_slice %arg4[%mul3A_2] : memref<16384xf32, #tpu.memory_space<hbm>> -> memref<512xf32, #tpu.memory_space<hbm>>
    tpu.wait_dma2 semaphore(%arg20 : memref<!tpu.dma_semaphore, #tpu.memory_space<semaphore_mem>>) src(%dma_wait3A_180 : memref<512xf32, #tpu.memory_space<hbm>>) dst(%arg12 : memref<512xf32, #tpu.memory_space<vmem>>)
    %dma_wait3A_181 = tpu.memref_slice %arg5[%mul3A_2] : memref<16384xf32, #tpu.memory_space<hbm>> -> memref<512xf32, #tpu.memory_space<hbm>>
    %dma_wait3A_182 = tpu.memref_slice %arg5[%mul3A_2] : memref<16384xf32, #tpu.memory_space<hbm>> -> memref<512xf32, #tpu.memory_space<hbm>>
    tpu.wait_dma2 semaphore(%arg20 : memref<!tpu.dma_semaphore, #tpu.memory_space<semaphore_mem>>) src(%dma_wait3A_182 : memref<512xf32, #tpu.memory_space<hbm>>) dst(%arg13 : memref<512xf32, #tpu.memory_space<vmem>>)
    %dma_wait3A_183 = arith.constant 0 : i32
    %dma_wait3A_184 = arith.constant 0 : i32
    %dma_wait3A_185 = tpu.memref_slice %arg8[%dma_wait3A_183, %dma_wait3A_184] : memref<100001x128xf32, #tpu.memory_space<hbm>> -> memref<100001x128xf32, #tpu.memory_space<hbm>>
    tpu.wait_indirect_dma semaphore(%arg19 : memref<!tpu.dma_semaphore, #tpu.memory_space<semaphore_mem>>) src(%dma_wait3A_185 : memref<100001x128xf32, #tpu.memory_space<hbm>>) dst(%arg16 : memref<512x128xf32, #tpu.memory_space<vmem>>)
    %dma_wait3A_186 = arith.constant 0 : i32
    %dma_wait3A_187 = arith.constant 0 : i32
    %dma_wait3A_188 = arith.constant 0 : i32
    %dma_wait3A_189 = arith.constant 0 : i32
    %dma_wait3A_190 = tpu.memref_slice %arg17[%dma_wait3A_186, %dma_wait3A_187, %dma_wait3A_188, %dma_wait3A_189] : memref<7x4x8x131xf32, #tpu.memory_space<vmem>> -> memref<7x4x8x128xf32, #tpu.memory_space<vmem>>
    %dma_wait3A_191 = arith.constant 35 : i32
    %dma_wait3A_192 = arith.constant 0 : i32
    %dma_wait3A_193 = arith.constant 0 : i32
    %dma_wait3A_194 = tpu.memref_slice %arg9[%dma_wait3A_191, %mul3A_4, %dma_wait3A_192, %dma_wait3A_193] : memref<49x128x8x128xf32, #tpu.memory_space<hbm>> -> memref<7x4x8x128xf32, #tpu.memory_space<hbm>>
    %dma_wait3A_195 = arith.constant 35 : i32
    %dma_wait3A_196 = arith.constant 0 : i32
    %dma_wait3A_197 = arith.constant 0 : i32
    %dma_wait3A_198 = tpu.memref_slice %arg9[%dma_wait3A_195, %mul3A_4, %dma_wait3A_196, %dma_wait3A_197] : memref<49x128x8x128xf32, #tpu.memory_space<hbm>> -> memref<7x4x8x128xf32, #tpu.memory_space<hbm>>
    %dma_wait3A_199 = arith.constant 0 : i32
    %dma_wait3A_200 = arith.constant 0 : i32
    %dma_wait3A_201 = arith.constant 0 : i32
    %dma_wait3A_202 = arith.constant 0 : i32
    %dma_wait3A_203 = tpu.memref_slice %arg17[%dma_wait3A_199, %dma_wait3A_200, %dma_wait3A_201, %dma_wait3A_202] : memref<7x4x8x131xf32, #tpu.memory_space<vmem>> -> memref<7x4x8x128xf32, #tpu.memory_space<vmem>>
    tpu.wait_dma2 semaphore(%arg21 : memref<!tpu.dma_semaphore, #tpu.memory_space<semaphore_mem>>) src(%dma_wait3A_203 : memref<7x4x8x128xf32, #tpu.memory_space<vmem>>) dst(%dma_wait3A_198 : memref<7x4x8x128xf32, #tpu.memory_space<hbm>>)
    %add3A_204 = arith.constant 0 : i32
    %add3A_205 = vector.broadcast %add3A_204 : i32 to vector<16xi32>
    %add3A_206 = arith.addi %add3A_205, %iota3A : vector<16xi32>
    %sub3A = arith.constant 0 : i32
    %sub3A_207 = vector.broadcast %sub3A : i32 to vector<16xi32>
    %sub3A_208 = arith.subi %add3A_206, %sub3A_207 : vector<16xi32>
    %shift_right_arithmetic3A = arith.constant 3 : i32
    %shift_right_arithmetic3A_209 = vector.broadcast %shift_right_arithmetic3A : i32 to vector<16xi32>
    %shift_right_arithmetic3A_210 = arith.shrsi %sub3A_208, %shift_right_arithmetic3A_209 : vector<16xi32>
    %and3A = arith.constant 7 : i32
    %and3A_211 = vector.broadcast %and3A : i32 to vector<16xi32>
    %and3A_212 = arith.andi %add3A_206, %and3A_211 : vector<16xi32>
    %add3A_213 = arith.constant 16 : i32
    %add3A_214 = vector.broadcast %add3A_213 : i32 to vector<16xi32>
    %add3A_215 = arith.addi %add3A_214, %iota3A : vector<16xi32>
    %sub3A_216 = arith.constant 0 : i32
    %sub3A_217 = vector.broadcast %sub3A_216 : i32 to vector<16xi32>
    %sub3A_218 = arith.subi %add3A_215, %sub3A_217 : vector<16xi32>
    %shift_right_arithmetic3A_219 = arith.constant 3 : i32
    %shift_right_arithmetic3A_220 = vector.broadcast %shift_right_arithmetic3A_219 : i32 to vector<16xi32>
    %shift_right_arithmetic3A_221 = arith.shrsi %sub3A_218, %shift_right_arithmetic3A_220 : vector<16xi32>
    %and3A_222 = arith.constant 7 : i32
    %and3A_223 = vector.broadcast %and3A_222 : i32 to vector<16xi32>
    %and3A_224 = arith.andi %add3A_215, %and3A_223 : vector<16xi32>
    %add3A_225 = arith.constant 32 : i32
    %add3A_226 = vector.broadcast %add3A_225 : i32 to vector<16xi32>
    %add3A_227 = arith.addi %add3A_226, %iota3A : vector<16xi32>
    %sub3A_228 = arith.constant 0 : i32
    %sub3A_229 = vector.broadcast %sub3A_228 : i32 to vector<16xi32>
    %sub3A_230 = arith.subi %add3A_227, %sub3A_229 : vector<16xi32>
    %shift_right_arithmetic3A_231 = arith.constant 3 : i32
    %shift_right_arithmetic3A_232 = vector.broadcast %shift_right_arithmetic3A_231 : i32 to vector<16xi32>
    %shift_right_arithmetic3A_233 = arith.shrsi %sub3A_230, %shift_right_arithmetic3A_232 : vector<16xi32>
    %and3A_234 = arith.constant 7 : i32
    %and3A_235 = vector.broadcast %and3A_234 : i32 to vector<16xi32>
    %and3A_236 = arith.andi %add3A_227, %and3A_235 : vector<16xi32>
    %add3A_237 = arith.constant 48 : i32
    %add3A_238 = vector.broadcast %add3A_237 : i32 to vector<16xi32>
    %add3A_239 = arith.addi %add3A_238, %iota3A : vector<16xi32>
    %sub3A_240 = arith.constant 0 : i32
    %sub3A_241 = vector.broadcast %sub3A_240 : i32 to vector<16xi32>
    %sub3A_242 = arith.subi %add3A_239, %sub3A_241 : vector<16xi32>
    %shift_right_arithmetic3A_243 = arith.constant 3 : i32
    %shift_right_arithmetic3A_244 = vector.broadcast %shift_right_arithmetic3A_243 : i32 to vector<16xi32>
    %shift_right_arithmetic3A_245 = arith.shrsi %sub3A_242, %shift_right_arithmetic3A_244 : vector<16xi32>
    %and3A_246 = arith.constant 7 : i32
    %and3A_247 = vector.broadcast %and3A_246 : i32 to vector<16xi32>
    %and3A_248 = arith.andi %add3A_239, %and3A_247 : vector<16xi32>
    %ge3A = arith.constant 0 : i32
    %ge3A_249 = vector.broadcast %ge3A : i32 to vector<16xi32>
    %ge3A_250 = arith.cmpi sge, %add3A_239, %ge3A_249 : vector<16xi32>
    %lt3A = arith.constant 56 : i32
    %lt3A_251 = vector.broadcast %lt3A : i32 to vector<16xi32>
    %lt3A_252 = arith.cmpi slt, %add3A_239, %lt3A_251 : vector<16xi32>
    %and3A_253 = arith.andi %ge3A_250, %lt3A_252 : vector<16xi1>
    %parallel_loop3A_254 = arith.constant 0 : i32
    %parallel_loop3A_255 = arith.constant 512 : i32
    %parallel_loop3A_256 = arith.constant 1 : i32
    scf.for %parallel_loop3A_480 = %parallel_loop3A_254 to %parallel_loop3A_255 step %parallel_loop3A_256  : i32 {
      %parallel_loop3A_481 = arith.constant 7 : i32
      %parallel_loop3A_482 = arith.shrsi %parallel_loop3A_480, %parallel_loop3A_481 : i32
      %parallel_loop3A_483 = vector.broadcast %parallel_loop3A_482 : i32 to vector<16xi32>
      %parallel_loop3A_484 = arith.constant 127 : i32
      %parallel_loop3A_485 = arith.andi %parallel_loop3A_480, %parallel_loop3A_484 : i32
      %parallel_loop3A_486 = vector.broadcast %parallel_loop3A_485 : i32 to vector<16xi32>
      %parallel_loop3A_487 = arith.index_cast %parallel_loop3A_480 : i32 to index
      %parallel_loop3A_488 = arith.constant 0 : index
      %parallel_loop3A_489 = tpu.vector_load %arg16[%parallel_loop3A_487, %parallel_loop3A_488] {strides = array<i32>} : memref<512x128xf32, #tpu.memory_space<vmem>>, vector<16xf32>,
      tpu.vector_store_idx %arg17[%shift_right_arithmetic3A_210, %parallel_loop3A_483, %and3A_212, %parallel_loop3A_486], %parallel_loop3A_489 : memref<7x4x8x131xf32, #tpu.memory_space<vmem>>[vector<16xi32>, vector<16xi32>, vector<16xi32>, vector<16xi32>], vector<16xf32>,
      %parallel_loop3A_490 = arith.index_cast %parallel_loop3A_480 : i32 to index
      %parallel_loop3A_491 = arith.constant 16 : index
      %parallel_loop3A_492 = tpu.vector_load %arg16[%parallel_loop3A_490, %parallel_loop3A_491] {strides = array<i32>} : memref<512x128xf32, #tpu.memory_space<vmem>>, vector<16xf32>,
      tpu.vector_store_idx %arg17[%shift_right_arithmetic3A_221, %parallel_loop3A_483, %and3A_224, %parallel_loop3A_486], %parallel_loop3A_492 : memref<7x4x8x131xf32, #tpu.memory_space<vmem>>[vector<16xi32>, vector<16xi32>, vector<16xi32>, vector<16xi32>], vector<16xf32>,
      %parallel_loop3A_493 = arith.index_cast %parallel_loop3A_480 : i32 to index
      %parallel_loop3A_494 = arith.constant 32 : index
      %parallel_loop3A_495 = tpu.vector_load %arg16[%parallel_loop3A_493, %parallel_loop3A_494] {strides = array<i32>} : memref<512x128xf32, #tpu.memory_space<vmem>>, vector<16xf32>,
      tpu.vector_store_idx %arg17[%shift_right_arithmetic3A_233, %parallel_loop3A_483, %and3A_236, %parallel_loop3A_486], %parallel_loop3A_495 : memref<7x4x8x131xf32, #tpu.memory_space<vmem>>[vector<16xi32>, vector<16xi32>, vector<16xi32>, vector<16xi32>], vector<16xf32>,
      %parallel_loop3A_496 = arith.index_cast %parallel_loop3A_480 : i32 to index
      %parallel_loop3A_497 = arith.constant 48 : index
      %parallel_loop3A_498 = tpu.vector_load %arg16[%parallel_loop3A_496, %parallel_loop3A_497] {strides = array<i32>} : memref<512x128xf32, #tpu.memory_space<vmem>>, vector<16xf32>,
      tpu.vector_store_idx %arg17[%shift_right_arithmetic3A_245, %parallel_loop3A_483, %and3A_248, %parallel_loop3A_486], %parallel_loop3A_498 masked %and3A_253 : memref<7x4x8x131xf32, #tpu.memory_space<vmem>>[vector<16xi32>, vector<16xi32>, vector<16xi32>, vector<16xi32>], vector<16xf32>, vector<16xi1>
    } {sc.loop_unroll_factor = 4 : i64, sc.parallel_access}
    %dma_start3A_257 = arith.constant 0 : i32
    %dma_start3A_258 = arith.constant 0 : i32
    %dma_start3A_259 = arith.constant 0 : i32
    %dma_start3A_260 = arith.constant 0 : i32
    %dma_start3A_261 = tpu.memref_slice %arg17[%dma_start3A_257, %dma_start3A_258, %dma_start3A_259, %dma_start3A_260] : memref<7x4x8x131xf32, #tpu.memory_space<vmem>> -> memref<7x4x8x128xf32, #tpu.memory_space<vmem>>
    %dma_start3A_262 = arith.constant 0 : i32
    %dma_start3A_263 = arith.constant 0 : i32
    %dma_start3A_264 = arith.constant 0 : i32
    %dma_start3A_265 = tpu.memref_slice %arg9[%dma_start3A_262, %mul3A_4, %dma_start3A_263, %dma_start3A_264] : memref<49x128x8x128xf32, #tpu.memory_space<hbm>> -> memref<7x4x8x128xf32, #tpu.memory_space<hbm>>
    %dma_start3A_266 = arith.constant 0 : i32
    %dma_start3A_267 = arith.constant 0 : i32
    %dma_start3A_268 = arith.constant 0 : i32
    %dma_start3A_269 = tpu.memref_slice %arg9[%dma_start3A_266, %mul3A_4, %dma_start3A_267, %dma_start3A_268] : memref<49x128x8x128xf32, #tpu.memory_space<hbm>> -> memref<7x4x8x128xf32, #tpu.memory_space<hbm>>
    %dma_start3A_270 = arith.constant 0 : i32
    %dma_start3A_271 = arith.constant 0 : i32
    %dma_start3A_272 = arith.constant 0 : i32
    %dma_start3A_273 = arith.constant 0 : i32
    %dma_start3A_274 = tpu.memref_slice %arg17[%dma_start3A_270, %dma_start3A_271, %dma_start3A_272, %dma_start3A_273] : memref<7x4x8x131xf32, #tpu.memory_space<vmem>> -> memref<7x4x8x128xf32, #tpu.memory_space<vmem>>
    tpu.enqueue_dma source(%dma_start3A_274 : memref<7x4x8x128xf32, #tpu.memory_space<vmem>>) target(%dma_start3A_269 : memref<7x4x8x128xf32, #tpu.memory_space<hbm>>) target_semaphore(%arg21 : memref<!tpu.dma_semaphore, #tpu.memory_space<semaphore_mem>>)
    %dma_wait3A_275 = arith.constant 0 : i32
    %dma_wait3A_276 = arith.constant 0 : i32
    %dma_wait3A_277 = arith.constant 0 : i32
    %dma_wait3A_278 = arith.constant 0 : i32
    %dma_wait3A_279 = tpu.memref_slice %arg18[%dma_wait3A_275, %dma_wait3A_276, %dma_wait3A_277, %dma_wait3A_278] : memref<7x4x8x131xf32, #tpu.memory_space<vmem>> -> memref<7x4x8x128xf32, #tpu.memory_space<vmem>>
    %dma_wait3A_280 = arith.constant 42 : i32
    %dma_wait3A_281 = arith.constant 0 : i32
    %dma_wait3A_282 = arith.constant 0 : i32
    %dma_wait3A_283 = tpu.memref_slice %arg9[%dma_wait3A_280, %mul3A_4, %dma_wait3A_281, %dma_wait3A_282] : memref<49x128x8x128xf32, #tpu.memory_space<hbm>> -> memref<7x4x8x128xf32, #tpu.memory_space<hbm>>
    %dma_wait3A_284 = arith.constant 42 : i32
    %dma_wait3A_285 = arith.constant 0 : i32
    %dma_wait3A_286 = arith.constant 0 : i32
    %dma_wait3A_287 = tpu.memref_slice %arg9[%dma_wait3A_284, %mul3A_4, %dma_wait3A_285, %dma_wait3A_286] : memref<49x128x8x128xf32, #tpu.memory_space<hbm>> -> memref<7x4x8x128xf32, #tpu.memory_space<hbm>>
    %dma_wait3A_288 = arith.constant 0 : i32
    %dma_wait3A_289 = arith.constant 0 : i32
    %dma_wait3A_290 = arith.constant 0 : i32
    %dma_wait3A_291 = arith.constant 0 : i32
    %dma_wait3A_292 = tpu.memref_slice %arg18[%dma_wait3A_288, %dma_wait3A_289, %dma_wait3A_290, %dma_wait3A_291] : memref<7x4x8x131xf32, #tpu.memory_space<vmem>> -> memref<7x4x8x128xf32, #tpu.memory_space<vmem>>
    tpu.wait_dma2 semaphore(%arg22 : memref<!tpu.dma_semaphore, #tpu.memory_space<semaphore_mem>>) src(%dma_wait3A_292 : memref<7x4x8x128xf32, #tpu.memory_space<vmem>>) dst(%dma_wait3A_287 : memref<7x4x8x128xf32, #tpu.memory_space<hbm>>)
    %add3A_293 = arith.constant 48 : i32
    %add3A_294 = vector.broadcast %add3A_293 : i32 to vector<16xi32>
    %add3A_295 = arith.addi %add3A_294, %iota3A : vector<16xi32>
    %sub3A_296 = arith.constant 56 : i32
    %sub3A_297 = vector.broadcast %sub3A_296 : i32 to vector<16xi32>
    %sub3A_298 = arith.subi %add3A_295, %sub3A_297 : vector<16xi32>
    %shift_right_arithmetic3A_299 = arith.constant 3 : i32
    %shift_right_arithmetic3A_300 = vector.broadcast %shift_right_arithmetic3A_299 : i32 to vector<16xi32>
    %shift_right_arithmetic3A_301 = arith.shrsi %sub3A_298, %shift_right_arithmetic3A_300 : vector<16xi32>
    %and3A_302 = arith.constant 7 : i32
    %and3A_303 = vector.broadcast %and3A_302 : i32 to vector<16xi32>
    %and3A_304 = arith.andi %add3A_295, %and3A_303 : vector<16xi32>
    %ge3A_305 = arith.constant 56 : i32
    %ge3A_306 = vector.broadcast %ge3A_305 : i32 to vector<16xi32>
    %ge3A_307 = arith.cmpi sge, %add3A_295, %ge3A_306 : vector<16xi32>
    %lt3A_308 = arith.constant 112 : i32
    %lt3A_309 = vector.broadcast %lt3A_308 : i32 to vector<16xi32>
    %lt3A_310 = arith.cmpi slt, %add3A_295, %lt3A_309 : vector<16xi32>
    %and3A_311 = arith.andi %ge3A_307, %lt3A_310 : vector<16xi1>
    %add3A_312 = arith.constant 64 : i32
    %add3A_313 = vector.broadcast %add3A_312 : i32 to vector<16xi32>
    %add3A_314 = arith.addi %add3A_313, %iota3A : vector<16xi32>
    %sub3A_315 = arith.constant 56 : i32
    %sub3A_316 = vector.broadcast %sub3A_315 : i32 to vector<16xi32>
    %sub3A_317 = arith.subi %add3A_314, %sub3A_316 : vector<16xi32>
    %shift_right_arithmetic3A_318 = arith.constant 3 : i32
    %shift_right_arithmetic3A_319 = vector.broadcast %shift_right_arithmetic3A_318 : i32 to vector<16xi32>
    %shift_right_arithmetic3A_320 = arith.shrsi %sub3A_317, %shift_right_arithmetic3A_319 : vector<16xi32>
    %and3A_321 = arith.constant 7 : i32
    %and3A_322 = vector.broadcast %and3A_321 : i32 to vector<16xi32>
    %and3A_323 = arith.andi %add3A_314, %and3A_322 : vector<16xi32>
    %add3A_324 = arith.constant 80 : i32
    %add3A_325 = vector.broadcast %add3A_324 : i32 to vector<16xi32>
    %add3A_326 = arith.addi %add3A_325, %iota3A : vector<16xi32>
    %sub3A_327 = arith.constant 56 : i32
    %sub3A_328 = vector.broadcast %sub3A_327 : i32 to vector<16xi32>
    %sub3A_329 = arith.subi %add3A_326, %sub3A_328 : vector<16xi32>
    %shift_right_arithmetic3A_330 = arith.constant 3 : i32
    %shift_right_arithmetic3A_331 = vector.broadcast %shift_right_arithmetic3A_330 : i32 to vector<16xi32>
    %shift_right_arithmetic3A_332 = arith.shrsi %sub3A_329, %shift_right_arithmetic3A_331 : vector<16xi32>
    %and3A_333 = arith.constant 7 : i32
    %and3A_334 = vector.broadcast %and3A_333 : i32 to vector<16xi32>
    %and3A_335 = arith.andi %add3A_326, %and3A_334 : vector<16xi32>
    %add3A_336 = arith.constant 96 : i32
    %add3A_337 = vector.broadcast %add3A_336 : i32 to vector<16xi32>
    %add3A_338 = arith.addi %add3A_337, %iota3A : vector<16xi32>
    %sub3A_339 = arith.constant 56 : i32
    %sub3A_340 = vector.broadcast %sub3A_339 : i32 to vector<16xi32>
    %sub3A_341 = arith.subi %add3A_338, %sub3A_340 : vector<16xi32>
    %shift_right_arithmetic3A_342 = arith.constant 3 : i32
    %shift_right_arithmetic3A_343 = vector.broadcast %shift_right_arithmetic3A_342 : i32 to vector<16xi32>
    %shift_right_arithmetic3A_344 = arith.shrsi %sub3A_341, %shift_right_arithmetic3A_343 : vector<16xi32>
    %and3A_345 = arith.constant 7 : i32
    %and3A_346 = vector.broadcast %and3A_345 : i32 to vector<16xi32>
    %and3A_347 = arith.andi %add3A_338, %and3A_346 : vector<16xi32>
    %parallel_loop3A_348 = arith.constant 0 : i32
    %parallel_loop3A_349 = arith.constant 512 : i32
    %parallel_loop3A_350 = arith.constant 1 : i32
    scf.for %parallel_loop3A_480 = %parallel_loop3A_348 to %parallel_loop3A_349 step %parallel_loop3A_350  : i32 {
      %parallel_loop3A_481 = arith.constant 7 : i32
      %parallel_loop3A_482 = arith.shrsi %parallel_loop3A_480, %parallel_loop3A_481 : i32
      %parallel_loop3A_483 = vector.broadcast %parallel_loop3A_482 : i32 to vector<16xi32>
      %parallel_loop3A_484 = arith.constant 127 : i32
      %parallel_loop3A_485 = arith.andi %parallel_loop3A_480, %parallel_loop3A_484 : i32
      %parallel_loop3A_486 = vector.broadcast %parallel_loop3A_485 : i32 to vector<16xi32>
      %parallel_loop3A_487 = arith.index_cast %parallel_loop3A_480 : i32 to index
      %parallel_loop3A_488 = arith.constant 48 : index
      %parallel_loop3A_489 = tpu.vector_load %arg16[%parallel_loop3A_487, %parallel_loop3A_488] {strides = array<i32>} : memref<512x128xf32, #tpu.memory_space<vmem>>, vector<16xf32>,
      tpu.vector_store_idx %arg18[%shift_right_arithmetic3A_301, %parallel_loop3A_483, %and3A_304, %parallel_loop3A_486], %parallel_loop3A_489 masked %and3A_311 : memref<7x4x8x131xf32, #tpu.memory_space<vmem>>[vector<16xi32>, vector<16xi32>, vector<16xi32>, vector<16xi32>], vector<16xf32>, vector<16xi1>
      %parallel_loop3A_490 = arith.index_cast %parallel_loop3A_480 : i32 to index
      %parallel_loop3A_491 = arith.constant 64 : index
      %parallel_loop3A_492 = tpu.vector_load %arg16[%parallel_loop3A_490, %parallel_loop3A_491] {strides = array<i32>} : memref<512x128xf32, #tpu.memory_space<vmem>>, vector<16xf32>,
      tpu.vector_store_idx %arg18[%shift_right_arithmetic3A_320, %parallel_loop3A_483, %and3A_323, %parallel_loop3A_486], %parallel_loop3A_492 : memref<7x4x8x131xf32, #tpu.memory_space<vmem>>[vector<16xi32>, vector<16xi32>, vector<16xi32>, vector<16xi32>], vector<16xf32>,
      %parallel_loop3A_493 = arith.index_cast %parallel_loop3A_480 : i32 to index
      %parallel_loop3A_494 = arith.constant 80 : index
      %parallel_loop3A_495 = tpu.vector_load %arg16[%parallel_loop3A_493, %parallel_loop3A_494] {strides = array<i32>} : memref<512x128xf32, #tpu.memory_space<vmem>>, vector<16xf32>,
      tpu.vector_store_idx %arg18[%shift_right_arithmetic3A_332, %parallel_loop3A_483, %and3A_335, %parallel_loop3A_486], %parallel_loop3A_495 : memref<7x4x8x131xf32, #tpu.memory_space<vmem>>[vector<16xi32>, vector<16xi32>, vector<16xi32>, vector<16xi32>], vector<16xf32>,
      %parallel_loop3A_496 = arith.index_cast %parallel_loop3A_480 : i32 to index
      %parallel_loop3A_497 = arith.constant 96 : index
      %parallel_loop3A_498 = tpu.vector_load %arg16[%parallel_loop3A_496, %parallel_loop3A_497] {strides = array<i32>} : memref<512x128xf32, #tpu.memory_space<vmem>>, vector<16xf32>,
      tpu.vector_store_idx %arg18[%shift_right_arithmetic3A_344, %parallel_loop3A_483, %and3A_347, %parallel_loop3A_486], %parallel_loop3A_498 : memref<7x4x8x131xf32, #tpu.memory_space<vmem>>[vector<16xi32>, vector<16xi32>, vector<16xi32>, vector<16xi32>], vector<16xf32>,
    } {sc.loop_unroll_factor = 4 : i64, sc.parallel_access}
    %dma_start3A_351 = arith.constant 0 : i32
    %dma_start3A_352 = arith.constant 0 : i32
    %dma_start3A_353 = arith.constant 0 : i32
    %dma_start3A_354 = arith.constant 0 : i32
    %dma_start3A_355 = tpu.memref_slice %arg18[%dma_start3A_351, %dma_start3A_352, %dma_start3A_353, %dma_start3A_354] : memref<7x4x8x131xf32, #tpu.memory_space<vmem>> -> memref<7x4x8x128xf32, #tpu.memory_space<vmem>>
    %dma_start3A_356 = arith.constant 7 : i32
    %dma_start3A_357 = arith.constant 0 : i32
    %dma_start3A_358 = arith.constant 0 : i32
    %dma_start3A_359 = tpu.memref_slice %arg9[%dma_start3A_356, %mul3A_4, %dma_start3A_357, %dma_start3A_358] : memref<49x128x8x128xf32, #tpu.memory_space<hbm>> -> memref<7x4x8x128xf32, #tpu.memory_space<hbm>>
    %dma_start3A_360 = arith.constant 7 : i32
    %dma_start3A_361 = arith.constant 0 : i32
    %dma_start3A_362 = arith.constant 0 : i32
    %dma_start3A_363 = tpu.memref_slice %arg9[%dma_start3A_360, %mul3A_4, %dma_start3A_361, %dma_start3A_362] : memref<49x128x8x128xf32, #tpu.memory_space<hbm>> -> memref<7x4x8x128xf32, #tpu.memory_space<hbm>>
    %dma_start3A_364 = arith.constant 0 : i32
    %dma_start3A_365 = arith.constant 0 : i32
    %dma_start3A_366 = arith.constant 0 : i32
    %dma_start3A_367 = arith.constant 0 : i32
    %dma_start3A_368 = tpu.memref_slice %arg18[%dma_start3A_364, %dma_start3A_365, %dma_start3A_366, %dma_start3A_367] : memref<7x4x8x131xf32, #tpu.memory_space<vmem>> -> memref<7x4x8x128xf32, #tpu.memory_space<vmem>>
    tpu.enqueue_dma source(%dma_start3A_368 : memref<7x4x8x128xf32, #tpu.memory_space<vmem>>) target(%dma_start3A_363 : memref<7x4x8x128xf32, #tpu.memory_space<hbm>>) target_semaphore(%arg22 : memref<!tpu.dma_semaphore, #tpu.memory_space<semaphore_mem>>)
    %dma_wait3A_369 = arith.constant 0 : i32
    %dma_wait3A_370 = arith.constant 0 : i32
    %dma_wait3A_371 = arith.constant 0 : i32
    %dma_wait3A_372 = arith.constant 0 : i32
    %dma_wait3A_373 = tpu.memref_slice %arg17[%dma_wait3A_369, %dma_wait3A_370, %dma_wait3A_371, %dma_wait3A_372] : memref<7x4x8x131xf32, #tpu.memory_space<vmem>> -> memref<7x4x8x128xf32, #tpu.memory_space<vmem>>
    %dma_wait3A_374 = arith.constant 0 : i32
    %dma_wait3A_375 = arith.constant 0 : i32
    %dma_wait3A_376 = arith.constant 0 : i32
    %dma_wait3A_377 = tpu.memref_slice %arg9[%dma_wait3A_374, %mul3A_4, %dma_wait3A_375, %dma_wait3A_376] : memref<49x128x8x128xf32, #tpu.memory_space<hbm>> -> memref<7x4x8x128xf32, #tpu.memory_space<hbm>>
    %dma_wait3A_378 = arith.constant 0 : i32
    %dma_wait3A_379 = arith.constant 0 : i32
    %dma_wait3A_380 = arith.constant 0 : i32
    %dma_wait3A_381 = tpu.memref_slice %arg9[%dma_wait3A_378, %mul3A_4, %dma_wait3A_379, %dma_wait3A_380] : memref<49x128x8x128xf32, #tpu.memory_space<hbm>> -> memref<7x4x8x128xf32, #tpu.memory_space<hbm>>
    %dma_wait3A_382 = arith.constant 0 : i32
    %dma_wait3A_383 = arith.constant 0 : i32
    %dma_wait3A_384 = arith.constant 0 : i32
    %dma_wait3A_385 = arith.constant 0 : i32
    %dma_wait3A_386 = tpu.memref_slice %arg17[%dma_wait3A_382, %dma_wait3A_383, %dma_wait3A_384, %dma_wait3A_385] : memref<7x4x8x131xf32, #tpu.memory_space<vmem>> -> memref<7x4x8x128xf32, #tpu.memory_space<vmem>>
    tpu.wait_dma2 semaphore(%arg21 : memref<!tpu.dma_semaphore, #tpu.memory_space<semaphore_mem>>) src(%dma_wait3A_386 : memref<7x4x8x128xf32, #tpu.memory_space<vmem>>) dst(%dma_wait3A_381 : memref<7x4x8x128xf32, #tpu.memory_space<hbm>>)
    %add3A_387 = arith.constant 112 : i32
    %add3A_388 = vector.broadcast %add3A_387 : i32 to vector<16xi32>
    %add3A_389 = arith.addi %add3A_388, %iota3A : vector<16xi32>
    %sub3A_390 = arith.constant 112 : i32
    %sub3A_391 = vector.broadcast %sub3A_390 : i32 to vector<16xi32>
    %sub3A_392 = arith.subi %add3A_389, %sub3A_391 : vector<16xi32>
    %shift_right_arithmetic3A_393 = arith.constant 3 : i32
    %shift_right_arithmetic3A_394 = vector.broadcast %shift_right_arithmetic3A_393 : i32 to vector<16xi32>
    %shift_right_arithmetic3A_395 = arith.shrsi %sub3A_392, %shift_right_arithmetic3A_394 : vector<16xi32>
    %and3A_396 = arith.constant 7 : i32
    %and3A_397 = vector.broadcast %and3A_396 : i32 to vector<16xi32>
    %and3A_398 = arith.andi %add3A_389, %and3A_397 : vector<16xi32>
    %parallel_loop3A_399 = arith.constant 0 : i32
    %parallel_loop3A_400 = arith.constant 512 : i32
    %parallel_loop3A_401 = arith.constant 1 : i32
    scf.for %parallel_loop3A_480 = %parallel_loop3A_399 to %parallel_loop3A_400 step %parallel_loop3A_401  : i32 {
      %parallel_loop3A_481 = arith.constant 7 : i32
      %parallel_loop3A_482 = arith.shrsi %parallel_loop3A_480, %parallel_loop3A_481 : i32
      %parallel_loop3A_483 = vector.broadcast %parallel_loop3A_482 : i32 to vector<16xi32>
      %parallel_loop3A_484 = arith.constant 127 : i32
      %parallel_loop3A_485 = arith.andi %parallel_loop3A_480, %parallel_loop3A_484 : i32
      %parallel_loop3A_486 = vector.broadcast %parallel_loop3A_485 : i32 to vector<16xi32>
      %parallel_loop3A_487 = arith.index_cast %parallel_loop3A_480 : i32 to index
      %parallel_loop3A_488 = arith.constant 112 : index
      %parallel_loop3A_489 = tpu.vector_load %arg16[%parallel_loop3A_487, %parallel_loop3A_488] {strides = array<i32>} : memref<512x128xf32, #tpu.memory_space<vmem>>, vector<16xf32>,
      tpu.vector_store_idx %arg17[%shift_right_arithmetic3A_395, %parallel_loop3A_483, %and3A_398, %parallel_loop3A_486], %parallel_loop3A_489 : memref<7x4x8x131xf32, #tpu.memory_space<vmem>>[vector<16xi32>, vector<16xi32>, vector<16xi32>, vector<16xi32>], vector<16xf32>,
    } {sc.loop_unroll_factor = 4 : i64, sc.parallel_access}
    %scan3A_402 = arith.constant 0 : i32
    %scan3A_403 = arith.constant 0 : i32
    %scan3A_404 = arith.constant 4 : i32
    %scan3A_405 = arith.addi %scan3A_403, %scan3A_404 : i32
    %scan3A_406 = arith.constant 1 : i32
    %scan3A_407 = scf.for %scan3A_480 = %scan3A_403 to %scan3A_405 step %scan3A_406 iter_args(%scan3A_481 = %scan3A_402) -> (i32)  : i32 {
      %mul3A_482 = arith.constant 128 : i32
      %mul3A_483 = arith.muli %scan3A_480, %mul3A_482 : i32
      %add3A_484 = arith.constant 0 : i32
      %add3A_485 = arith.addi %mul3A_483, %add3A_484 : i32
      %get3A = arith.index_cast %add3A_485 : i32 to index
      %get3A_486 = tpu.vector_load %arg11[%get3A] {strides = array<i32>} : memref<512xf32, #tpu.memory_space<vmem>>, vector<16xf32>,
      %swap3A = arith.constant 2 : i32
      %swap3A_487 = arith.constant 0 : i32
      %swap3A_488 = arith.index_cast %swap3A : i32 to index
      %swap3A_489 = arith.index_cast %scan3A_480 : i32 to index
      %swap3A_490 = arith.index_cast %swap3A_487 : i32 to index
      %swap3A_491 = arith.constant 0 : index
      %swap3A_492 = tpu.vector_load %arg17[%swap3A_488, %swap3A_489, %swap3A_490, %swap3A_491] {strides = array<i32>} : memref<7x4x8x131xf32, #tpu.memory_space<vmem>>, vector<16xf32>,
      tpu.vector_store %arg17[%swap3A_488, %swap3A_489, %swap3A_490, %swap3A_491], %get3A_486 {strides = array<i32>} : memref<7x4x8x131xf32, #tpu.memory_space<vmem>>, vector<16xf32>,
      %get3A_493 = arith.index_cast %add3A_485 : i32 to index
      %get3A_494 = tpu.vector_load %arg12[%get3A_493] {strides = array<i32>} : memref<512xf32, #tpu.memory_space<vmem>>, vector<16xf32>,
      %swap3A_495 = arith.constant 2 : i32
      %swap3A_496 = arith.constant 1 : i32
      %swap3A_497 = arith.index_cast %swap3A_495 : i32 to index
      %swap3A_498 = arith.index_cast %scan3A_480 : i32 to index
      %swap3A_499 = arith.index_cast %swap3A_496 : i32 to index
      %swap3A_500 = arith.constant 0 : index
      %swap3A_501 = tpu.vector_load %arg17[%swap3A_497, %swap3A_498, %swap3A_499, %swap3A_500] {strides = array<i32>} : memref<7x4x8x131xf32, #tpu.memory_space<vmem>>, vector<16xf32>,
      tpu.vector_store %arg17[%swap3A_497, %swap3A_498, %swap3A_499, %swap3A_500], %get3A_494 {strides = array<i32>} : memref<7x4x8x131xf32, #tpu.memory_space<vmem>>, vector<16xf32>,
      %get3A_502 = arith.index_cast %add3A_485 : i32 to index
      %get3A_503 = tpu.vector_load %arg13[%get3A_502] {strides = array<i32>} : memref<512xf32, #tpu.memory_space<vmem>>, vector<16xf32>,
      %swap3A_504 = arith.constant 2 : i32
      %swap3A_505 = arith.constant 2 : i32
      %swap3A_506 = arith.index_cast %swap3A_504 : i32 to index
      %swap3A_507 = arith.index_cast %scan3A_480 : i32 to index
      %swap3A_508 = arith.index_cast %swap3A_505 : i32 to index
      %swap3A_509 = arith.constant 0 : index
      %swap3A_510 = tpu.vector_load %arg17[%swap3A_506, %swap3A_507, %swap3A_508, %swap3A_509] {strides = array<i32>} : memref<7x4x8x131xf32, #tpu.memory_space<vmem>>, vector<16xf32>,
      tpu.vector_store %arg17[%swap3A_506, %swap3A_507, %swap3A_508, %swap3A_509], %get3A_503 {strides = array<i32>} : memref<7x4x8x131xf32, #tpu.memory_space<vmem>>, vector<16xf32>,
      %mul3A_511 = arith.constant 128 : i32
      %mul3A_512 = arith.muli %scan3A_480, %mul3A_511 : i32
      %add3A_513 = arith.constant 16 : i32
      %add3A_514 = arith.addi %mul3A_512, %add3A_513 : i32
      %get3A_515 = arith.index_cast %add3A_514 : i32 to index
      %get3A_516 = tpu.vector_load %arg11[%get3A_515] {strides = array<i32>} : memref<512xf32, #tpu.memory_space<vmem>>, vector<16xf32>,
      %swap3A_517 = arith.constant 2 : i32
      %swap3A_518 = arith.constant 0 : i32
      %swap3A_519 = arith.index_cast %swap3A_517 : i32 to index
      %swap3A_520 = arith.index_cast %scan3A_480 : i32 to index
      %swap3A_521 = arith.index_cast %swap3A_518 : i32 to index
      %swap3A_522 = arith.constant 16 : index
      %swap3A_523 = tpu.vector_load %arg17[%swap3A_519, %swap3A_520, %swap3A_521, %swap3A_522] {strides = array<i32>} : memref<7x4x8x131xf32, #tpu.memory_space<vmem>>, vector<16xf32>,
      tpu.vector_store %arg17[%swap3A_519, %swap3A_520, %swap3A_521, %swap3A_522], %get3A_516 {strides = array<i32>} : memref<7x4x8x131xf32, #tpu.memory_space<vmem>>, vector<16xf32>,
      %get3A_524 = arith.index_cast %add3A_514 : i32 to index
      %get3A_525 = tpu.vector_load %arg12[%get3A_524] {strides = array<i32>} : memref<512xf32, #tpu.memory_space<vmem>>, vector<16xf32>,
      %swap3A_526 = arith.constant 2 : i32
      %swap3A_527 = arith.constant 1 : i32
      %swap3A_528 = arith.index_cast %swap3A_526 : i32 to index
      %swap3A_529 = arith.index_cast %scan3A_480 : i32 to index
      %swap3A_530 = arith.index_cast %swap3A_527 : i32 to index
      %swap3A_531 = arith.constant 16 : index
      %swap3A_532 = tpu.vector_load %arg17[%swap3A_528, %swap3A_529, %swap3A_530, %swap3A_531] {strides = array<i32>} : memref<7x4x8x131xf32, #tpu.memory_space<vmem>>, vector<16xf32>,
      tpu.vector_store %arg17[%swap3A_528, %swap3A_529, %swap3A_530, %swap3A_531], %get3A_525 {strides = array<i32>} : memref<7x4x8x131xf32, #tpu.memory_space<vmem>>, vector<16xf32>,
      %get3A_533 = arith.index_cast %add3A_514 : i32 to index
      %get3A_534 = tpu.vector_load %arg13[%get3A_533] {strides = array<i32>} : memref<512xf32, #tpu.memory_space<vmem>>, vector<16xf32>,
      %swap3A_535 = arith.constant 2 : i32
      %swap3A_536 = arith.constant 2 : i32
      %swap3A_537 = arith.index_cast %swap3A_535 : i32 to index
      %swap3A_538 = arith.index_cast %scan3A_480 : i32 to index
      %swap3A_539 = arith.index_cast %swap3A_536 : i32 to index
      %swap3A_540 = arith.constant 16 : index
      %swap3A_541 = tpu.vector_load %arg17[%swap3A_537, %swap3A_538, %swap3A_539, %swap3A_540] {strides = array<i32>} : memref<7x4x8x131xf32, #tpu.memory_space<vmem>>, vector<16xf32>,
      tpu.vector_store %arg17[%swap3A_537, %swap3A_538, %swap3A_539, %swap3A_540], %get3A_534 {strides = array<i32>} : memref<7x4x8x131xf32, #tpu.memory_space<vmem>>, vector<16xf32>,
      %mul3A_542 = arith.constant 128 : i32
      %mul3A_543 = arith.muli %scan3A_480, %mul3A_542 : i32
      %add3A_544 = arith.constant 32 : i32
      %add3A_545 = arith.addi %mul3A_543, %add3A_544 : i32
      %get3A_546 = arith.index_cast %add3A_545 : i32 to index
      %get3A_547 = tpu.vector_load %arg11[%get3A_546] {strides = array<i32>} : memref<512xf32, #tpu.memory_space<vmem>>, vector<16xf32>,
      %swap3A_548 = arith.constant 2 : i32
      %swap3A_549 = arith.constant 0 : i32
      %swap3A_550 = arith.index_cast %swap3A_548 : i32 to index
      %swap3A_551 = arith.index_cast %scan3A_480 : i32 to index
      %swap3A_552 = arith.index_cast %swap3A_549 : i32 to index
      %swap3A_553 = arith.constant 32 : index
      %swap3A_554 = tpu.vector_load %arg17[%swap3A_550, %swap3A_551, %swap3A_552, %swap3A_553] {strides = array<i32>} : memref<7x4x8x131xf32, #tpu.memory_space<vmem>>, vector<16xf32>,
      tpu.vector_store %arg17[%swap3A_550, %swap3A_551, %swap3A_552, %swap3A_553], %get3A_547 {strides = array<i32>} : memref<7x4x8x131xf32, #tpu.memory_space<vmem>>, vector<16xf32>,
      %get3A_555 = arith.index_cast %add3A_545 : i32 to index
      %get3A_556 = tpu.vector_load %arg12[%get3A_555] {strides = array<i32>} : memref<512xf32, #tpu.memory_space<vmem>>, vector<16xf32>,
      %swap3A_557 = arith.constant 2 : i32
      %swap3A_558 = arith.constant 1 : i32
      %swap3A_559 = arith.index_cast %swap3A_557 : i32 to index
      %swap3A_560 = arith.index_cast %scan3A_480 : i32 to index
      %swap3A_561 = arith.index_cast %swap3A_558 : i32 to index
      %swap3A_562 = arith.constant 32 : index
      %swap3A_563 = tpu.vector_load %arg17[%swap3A_559, %swap3A_560, %swap3A_561, %swap3A_562] {strides = array<i32>} : memref<7x4x8x131xf32, #tpu.memory_space<vmem>>, vector<16xf32>,
      tpu.vector_store %arg17[%swap3A_559, %swap3A_560, %swap3A_561, %swap3A_562], %get3A_556 {strides = array<i32>} : memref<7x4x8x131xf32, #tpu.memory_space<vmem>>, vector<16xf32>,
      %get3A_564 = arith.index_cast %add3A_545 : i32 to index
      %get3A_565 = tpu.vector_load %arg13[%get3A_564] {strides = array<i32>} : memref<512xf32, #tpu.memory_space<vmem>>, vector<16xf32>,
      %swap3A_566 = arith.constant 2 : i32
      %swap3A_567 = arith.constant 2 : i32
      %swap3A_568 = arith.index_cast %swap3A_566 : i32 to index
      %swap3A_569 = arith.index_cast %scan3A_480 : i32 to index
      %swap3A_570 = arith.index_cast %swap3A_567 : i32 to index
      %swap3A_571 = arith.constant 32 : index
      %swap3A_572 = tpu.vector_load %arg17[%swap3A_568, %swap3A_569, %swap3A_570, %swap3A_571] {strides = array<i32>} : memref<7x4x8x131xf32, #tpu.memory_space<vmem>>, vector<16xf32>,
      tpu.vector_store %arg17[%swap3A_568, %swap3A_569, %swap3A_570, %swap3A_571], %get3A_565 {strides = array<i32>} : memref<7x4x8x131xf32, #tpu.memory_space<vmem>>, vector<16xf32>,
      %mul3A_573 = arith.constant 128 : i32
      %mul3A_574 = arith.muli %scan3A_480, %mul3A_573 : i32
      %add3A_575 = arith.constant 48 : i32
      %add3A_576 = arith.addi %mul3A_574, %add3A_575 : i32
      %get3A_577 = arith.index_cast %add3A_576 : i32 to index
      %get3A_578 = tpu.vector_load %arg11[%get3A_577] {strides = array<i32>} : memref<512xf32, #tpu.memory_space<vmem>>, vector<16xf32>,
      %swap3A_579 = arith.constant 2 : i32
      %swap3A_580 = arith.constant 0 : i32
      %swap3A_581 = arith.index_cast %swap3A_579 : i32 to index
      %swap3A_582 = arith.index_cast %scan3A_480 : i32 to index
      %swap3A_583 = arith.index_cast %swap3A_580 : i32 to index
      %swap3A_584 = arith.constant 48 : index
      %swap3A_585 = tpu.vector_load %arg17[%swap3A_581, %swap3A_582, %swap3A_583, %swap3A_584] {strides = array<i32>} : memref<7x4x8x131xf32, #tpu.memory_space<vmem>>, vector<16xf32>,
      tpu.vector_store %arg17[%swap3A_581, %swap3A_582, %swap3A_583, %swap3A_584], %get3A_578 {strides = array<i32>} : memref<7x4x8x131xf32, #tpu.memory_space<vmem>>, vector<16xf32>,
      %get3A_586 = arith.index_cast %add3A_576 : i32 to index
      %get3A_587 = tpu.vector_load %arg12[%get3A_586] {strides = array<i32>} : memref<512xf32, #tpu.memory_space<vmem>>, vector<16xf32>,
      %swap3A_588 = arith.constant 2 : i32
      %swap3A_589 = arith.constant 1 : i32
      %swap3A_590 = arith.index_cast %swap3A_588 : i32 to index
      %swap3A_591 = arith.index_cast %scan3A_480 : i32 to index
      %swap3A_592 = arith.index_cast %swap3A_589 : i32 to index
      %swap3A_593 = arith.constant 48 : index
      %swap3A_594 = tpu.vector_load %arg17[%swap3A_590, %swap3A_591, %swap3A_592, %swap3A_593] {strides = array<i32>} : memref<7x4x8x131xf32, #tpu.memory_space<vmem>>, vector<16xf32>,
      tpu.vector_store %arg17[%swap3A_590, %swap3A_591, %swap3A_592, %swap3A_593], %get3A_587 {strides = array<i32>} : memref<7x4x8x131xf32, #tpu.memory_space<vmem>>, vector<16xf32>,
      %get3A_595 = arith.index_cast %add3A_576 : i32 to index
      %get3A_596 = tpu.vector_load %arg13[%get3A_595] {strides = array<i32>} : memref<512xf32, #tpu.memory_space<vmem>>, vector<16xf32>,
      %swap3A_597 = arith.constant 2 : i32
      %swap3A_598 = arith.constant 2 : i32
      %swap3A_599 = arith.index_cast %swap3A_597 : i32 to index
      %swap3A_600 = arith.index_cast %scan3A_480 : i32 to index
      %swap3A_601 = arith.index_cast %swap3A_598 : i32 to index
      %swap3A_602 = arith.constant 48 : index
      %swap3A_603 = tpu.vector_load %arg17[%swap3A_599, %swap3A_600, %swap3A_601, %swap3A_602] {strides = array<i32>} : memref<7x4x8x131xf32, #tpu.memory_space<vmem>>, vector<16xf32>,
      tpu.vector_store %arg17[%swap3A_599, %swap3A_600, %swap3A_601, %swap3A_602], %get3A_596 {strides = array<i32>} : memref<7x4x8x131xf32, #tpu.memory_space<vmem>>, vector<16xf32>,
      %mul3A_604 = arith.constant 128 : i32
      %mul3A_605 = arith.muli %scan3A_480, %mul3A_604 : i32
      %add3A_606 = arith.constant 64 : i32
      %add3A_607 = arith.addi %mul3A_605, %add3A_606 : i32
      %get3A_608 = arith.index_cast %add3A_607 : i32 to index
      %get3A_609 = tpu.vector_load %arg11[%get3A_608] {strides = array<i32>} : memref<512xf32, #tpu.memory_space<vmem>>, vector<16xf32>,
      %swap3A_610 = arith.constant 2 : i32
      %swap3A_611 = arith.constant 0 : i32
      %swap3A_612 = arith.index_cast %swap3A_610 : i32 to index
      %swap3A_613 = arith.index_cast %scan3A_480 : i32 to index
      %swap3A_614 = arith.index_cast %swap3A_611 : i32 to index
      %swap3A_615 = arith.constant 64 : index
      %swap3A_616 = tpu.vector_load %arg17[%swap3A_612, %swap3A_613, %swap3A_614, %swap3A_615] {strides = array<i32>} : memref<7x4x8x131xf32, #tpu.memory_space<vmem>>, vector<16xf32>,
      tpu.vector_store %arg17[%swap3A_612, %swap3A_613, %swap3A_614, %swap3A_615], %get3A_609 {strides = array<i32>} : memref<7x4x8x131xf32, #tpu.memory_space<vmem>>, vector<16xf32>,
      %get3A_617 = arith.index_cast %add3A_607 : i32 to index
      %get3A_618 = tpu.vector_load %arg12[%get3A_617] {strides = array<i32>} : memref<512xf32, #tpu.memory_space<vmem>>, vector<16xf32>,
      %swap3A_619 = arith.constant 2 : i32
      %swap3A_620 = arith.constant 1 : i32
      %swap3A_621 = arith.index_cast %swap3A_619 : i32 to index
      %swap3A_622 = arith.index_cast %scan3A_480 : i32 to index
      %swap3A_623 = arith.index_cast %swap3A_620 : i32 to index
      %swap3A_624 = arith.constant 64 : index
      %swap3A_625 = tpu.vector_load %arg17[%swap3A_621, %swap3A_622, %swap3A_623, %swap3A_624] {strides = array<i32>} : memref<7x4x8x131xf32, #tpu.memory_space<vmem>>, vector<16xf32>,
      tpu.vector_store %arg17[%swap3A_621, %swap3A_622, %swap3A_623, %swap3A_624], %get3A_618 {strides = array<i32>} : memref<7x4x8x131xf32, #tpu.memory_space<vmem>>, vector<16xf32>,
      %get3A_626 = arith.index_cast %add3A_607 : i32 to index
      %get3A_627 = tpu.vector_load %arg13[%get3A_626] {strides = array<i32>} : memref<512xf32, #tpu.memory_space<vmem>>, vector<16xf32>,
      %swap3A_628 = arith.constant 2 : i32
      %swap3A_629 = arith.constant 2 : i32
      %swap3A_630 = arith.index_cast %swap3A_628 : i32 to index
      %swap3A_631 = arith.index_cast %scan3A_480 : i32 to index
      %swap3A_632 = arith.index_cast %swap3A_629 : i32 to index
      %swap3A_633 = arith.constant 64 : index
      %swap3A_634 = tpu.vector_load %arg17[%swap3A_630, %swap3A_631, %swap3A_632, %swap3A_633] {strides = array<i32>} : memref<7x4x8x131xf32, #tpu.memory_space<vmem>>, vector<16xf32>,
      tpu.vector_store %arg17[%swap3A_630, %swap3A_631, %swap3A_632, %swap3A_633], %get3A_627 {strides = array<i32>} : memref<7x4x8x131xf32, #tpu.memory_space<vmem>>, vector<16xf32>,
      %mul3A_635 = arith.constant 128 : i32
      %mul3A_636 = arith.muli %scan3A_480, %mul3A_635 : i32
      %add3A_637 = arith.constant 80 : i32
      %add3A_638 = arith.addi %mul3A_636, %add3A_637 : i32
      %get3A_639 = arith.index_cast %add3A_638 : i32 to index
      %get3A_640 = tpu.vector_load %arg11[%get3A_639] {strides = array<i32>} : memref<512xf32, #tpu.memory_space<vmem>>, vector<16xf32>,
      %swap3A_641 = arith.constant 2 : i32
      %swap3A_642 = arith.constant 0 : i32
      %swap3A_643 = arith.index_cast %swap3A_641 : i32 to index
      %swap3A_644 = arith.index_cast %scan3A_480 : i32 to index
      %swap3A_645 = arith.index_cast %swap3A_642 : i32 to index
      %swap3A_646 = arith.constant 80 : index
      %swap3A_647 = tpu.vector_load %arg17[%swap3A_643, %swap3A_644, %swap3A_645, %swap3A_646] {strides = array<i32>} : memref<7x4x8x131xf32, #tpu.memory_space<vmem>>, vector<16xf32>,
      tpu.vector_store %arg17[%swap3A_643, %swap3A_644, %swap3A_645, %swap3A_646], %get3A_640 {strides = array<i32>} : memref<7x4x8x131xf32, #tpu.memory_space<vmem>>, vector<16xf32>,
      %get3A_648 = arith.index_cast %add3A_638 : i32 to index
      %get3A_649 = tpu.vector_load %arg12[%get3A_648] {strides = array<i32>} : memref<512xf32, #tpu.memory_space<vmem>>, vector<16xf32>,
      %swap3A_650 = arith.constant 2 : i32
      %swap3A_651 = arith.constant 1 : i32
      %swap3A_652 = arith.index_cast %swap3A_650 : i32 to index
      %swap3A_653 = arith.index_cast %scan3A_480 : i32 to index
      %swap3A_654 = arith.index_cast %swap3A_651 : i32 to index
      %swap3A_655 = arith.constant 80 : index
      %swap3A_656 = tpu.vector_load %arg17[%swap3A_652, %swap3A_653, %swap3A_654, %swap3A_655] {strides = array<i32>} : memref<7x4x8x131xf32, #tpu.memory_space<vmem>>, vector<16xf32>,
      tpu.vector_store %arg17[%swap3A_652, %swap3A_653, %swap3A_654, %swap3A_655], %get3A_649 {strides = array<i32>} : memref<7x4x8x131xf32, #tpu.memory_space<vmem>>, vector<16xf32>,
      %get3A_657 = arith.index_cast %add3A_638 : i32 to index
      %get3A_658 = tpu.vector_load %arg13[%get3A_657] {strides = array<i32>} : memref<512xf32, #tpu.memory_space<vmem>>, vector<16xf32>,
      %swap3A_659 = arith.constant 2 : i32
      %swap3A_660 = arith.constant 2 : i32
      %swap3A_661 = arith.index_cast %swap3A_659 : i32 to index
      %swap3A_662 = arith.index_cast %scan3A_480 : i32 to index
      %swap3A_663 = arith.index_cast %swap3A_660 : i32 to index
      %swap3A_664 = arith.constant 80 : index
      %swap3A_665 = tpu.vector_load %arg17[%swap3A_661, %swap3A_662, %swap3A_663, %swap3A_664] {strides = array<i32>} : memref<7x4x8x131xf32, #tpu.memory_space<vmem>>, vector<16xf32>,
      tpu.vector_store %arg17[%swap3A_661, %swap3A_662, %swap3A_663, %swap3A_664], %get3A_658 {strides = array<i32>} : memref<7x4x8x131xf32, #tpu.memory_space<vmem>>, vector<16xf32>,
      %mul3A_666 = arith.constant 128 : i32
      %mul3A_667 = arith.muli %scan3A_480, %mul3A_666 : i32
      %add3A_668 = arith.constant 96 : i32
      %add3A_669 = arith.addi %mul3A_667, %add3A_668 : i32
      %get3A_670 = arith.index_cast %add3A_669 : i32 to index
      %get3A_671 = tpu.vector_load %arg11[%get3A_670] {strides = array<i32>} : memref<512xf32, #tpu.memory_space<vmem>>, vector<16xf32>,
      %swap3A_672 = arith.constant 2 : i32
      %swap3A_673 = arith.constant 0 : i32
      %swap3A_674 = arith.index_cast %swap3A_672 : i32 to index
      %swap3A_675 = arith.index_cast %scan3A_480 : i32 to index
      %swap3A_676 = arith.index_cast %swap3A_673 : i32 to index
      %swap3A_677 = arith.constant 96 : index
      %swap3A_678 = tpu.vector_load %arg17[%swap3A_674, %swap3A_675, %swap3A_676, %swap3A_677] {strides = array<i32>} : memref<7x4x8x131xf32, #tpu.memory_space<vmem>>, vector<16xf32>,
      tpu.vector_store %arg17[%swap3A_674, %swap3A_675, %swap3A_676, %swap3A_677], %get3A_671 {strides = array<i32>} : memref<7x4x8x131xf32, #tpu.memory_space<vmem>>, vector<16xf32>,
      %get3A_679 = arith.index_cast %add3A_669 : i32 to index
      %get3A_680 = tpu.vector_load %arg12[%get3A_679] {strides = array<i32>} : memref<512xf32, #tpu.memory_space<vmem>>, vector<16xf32>,
      %swap3A_681 = arith.constant 2 : i32
      %swap3A_682 = arith.constant 1 : i32
      %swap3A_683 = arith.index_cast %swap3A_681 : i32 to index
      %swap3A_684 = arith.index_cast %scan3A_480 : i32 to index
      %swap3A_685 = arith.index_cast %swap3A_682 : i32 to index
      %swap3A_686 = arith.constant 96 : index
      %swap3A_687 = tpu.vector_load %arg17[%swap3A_683, %swap3A_684, %swap3A_685, %swap3A_686] {strides = array<i32>} : memref<7x4x8x131xf32, #tpu.memory_space<vmem>>, vector<16xf32>,
      tpu.vector_store %arg17[%swap3A_683, %swap3A_684, %swap3A_685, %swap3A_686], %get3A_680 {strides = array<i32>} : memref<7x4x8x131xf32, #tpu.memory_space<vmem>>, vector<16xf32>,
      %get3A_688 = arith.index_cast %add3A_669 : i32 to index
      %get3A_689 = tpu.vector_load %arg13[%get3A_688] {strides = array<i32>} : memref<512xf32, #tpu.memory_space<vmem>>, vector<16xf32>,
      %swap3A_690 = arith.constant 2 : i32
      %swap3A_691 = arith.constant 2 : i32
      %swap3A_692 = arith.index_cast %swap3A_690 : i32 to index
      %swap3A_693 = arith.index_cast %scan3A_480 : i32 to index
      %swap3A_694 = arith.index_cast %swap3A_691 : i32 to index
      %swap3A_695 = arith.constant 96 : index
      %swap3A_696 = tpu.vector_load %arg17[%swap3A_692, %swap3A_693, %swap3A_694, %swap3A_695] {strides = array<i32>} : memref<7x4x8x131xf32, #tpu.memory_space<vmem>>, vector<16xf32>,
      tpu.vector_store %arg17[%swap3A_692, %swap3A_693, %swap3A_694, %swap3A_695], %get3A_689 {strides = array<i32>} : memref<7x4x8x131xf32, #tpu.memory_space<vmem>>, vector<16xf32>,
      %mul3A_697 = arith.constant 128 : i32
      %mul3A_698 = arith.muli %scan3A_480, %mul3A_697 : i32
      %add3A_699 = arith.constant 112 : i32
      %add3A_700 = arith.addi %mul3A_698, %add3A_699 : i32
      %get3A_701 = arith.index_cast %add3A_700 : i32 to index
      %get3A_702 = tpu.vector_load %arg11[%get3A_701] {strides = array<i32>} : memref<512xf32, #tpu.memory_space<vmem>>, vector<16xf32>,
      %swap3A_703 = arith.constant 2 : i32
      %swap3A_704 = arith.constant 0 : i32
      %swap3A_705 = arith.index_cast %swap3A_703 : i32 to index
      %swap3A_706 = arith.index_cast %scan3A_480 : i32 to index
      %swap3A_707 = arith.index_cast %swap3A_704 : i32 to index
      %swap3A_708 = arith.constant 112 : index
      %swap3A_709 = tpu.vector_load %arg17[%swap3A_705, %swap3A_706, %swap3A_707, %swap3A_708] {strides = array<i32>} : memref<7x4x8x131xf32, #tpu.memory_space<vmem>>, vector<16xf32>,
      tpu.vector_store %arg17[%swap3A_705, %swap3A_706, %swap3A_707, %swap3A_708], %get3A_702 {strides = array<i32>} : memref<7x4x8x131xf32, #tpu.memory_space<vmem>>, vector<16xf32>,
      %get3A_710 = arith.index_cast %add3A_700 : i32 to index
      %get3A_711 = tpu.vector_load %arg12[%get3A_710] {strides = array<i32>} : memref<512xf32, #tpu.memory_space<vmem>>, vector<16xf32>,
      %swap3A_712 = arith.constant 2 : i32
      %swap3A_713 = arith.constant 1 : i32
      %swap3A_714 = arith.index_cast %swap3A_712 : i32 to index
      %swap3A_715 = arith.index_cast %scan3A_480 : i32 to index
      %swap3A_716 = arith.index_cast %swap3A_713 : i32 to index
      %swap3A_717 = arith.constant 112 : index
      %swap3A_718 = tpu.vector_load %arg17[%swap3A_714, %swap3A_715, %swap3A_716, %swap3A_717] {strides = array<i32>} : memref<7x4x8x131xf32, #tpu.memory_space<vmem>>, vector<16xf32>,
      tpu.vector_store %arg17[%swap3A_714, %swap3A_715, %swap3A_716, %swap3A_717], %get3A_711 {strides = array<i32>} : memref<7x4x8x131xf32, #tpu.memory_space<vmem>>, vector<16xf32>,
      %get3A_719 = arith.index_cast %add3A_700 : i32 to index
      %get3A_720 = tpu.vector_load %arg13[%get3A_719] {strides = array<i32>} : memref<512xf32, #tpu.memory_space<vmem>>, vector<16xf32>,
      %swap3A_721 = arith.constant 2 : i32
      %swap3A_722 = arith.constant 2 : i32
      %swap3A_723 = arith.index_cast %swap3A_721 : i32 to index
      %swap3A_724 = arith.index_cast %scan3A_480 : i32 to index
      %swap3A_725 = arith.index_cast %swap3A_722 : i32 to index
      %swap3A_726 = arith.constant 112 : index
      %swap3A_727 = tpu.vector_load %arg17[%swap3A_723, %swap3A_724, %swap3A_725, %swap3A_726] {strides = array<i32>} : memref<7x4x8x131xf32, #tpu.memory_space<vmem>>, vector<16xf32>,
      tpu.vector_store %arg17[%swap3A_723, %swap3A_724, %swap3A_725, %swap3A_726], %get3A_720 {strides = array<i32>} : memref<7x4x8x131xf32, #tpu.memory_space<vmem>>, vector<16xf32>,
      %scan3A_728 = arith.constant 0 : i32
      scf.yield %scan3A_728 : i32
    }
    %scan3A_408 = arith.constant 4 : i32
    %parallel_loop3A_409 = arith.constant 0 : i32
    %parallel_loop3A_410 = arith.constant 128 : i32
    %parallel_loop3A_411 = arith.constant 1 : i32
    scf.for %parallel_loop3A_480 = %parallel_loop3A_409 to %parallel_loop3A_410 step %parallel_loop3A_411  : i32 {
      %parallel_loop3A_481 = arith.constant 5 : i32
      %parallel_loop3A_482 = arith.shrsi %parallel_loop3A_480, %parallel_loop3A_481 : i32
      %parallel_loop3A_483 = arith.constant 3 : i32
      %parallel_loop3A_484 = arith.addi %parallel_loop3A_483, %parallel_loop3A_482 : i32
      %parallel_loop3A_485 = arith.constant 3 : i32
      %parallel_loop3A_486 = arith.shrsi %parallel_loop3A_480, %parallel_loop3A_485 : i32
      %parallel_loop3A_487 = arith.constant 3 : i32
      %parallel_loop3A_488 = arith.andi %parallel_loop3A_486, %parallel_loop3A_487 : i32
      %parallel_loop3A_489 = arith.constant 7 : i32
      %parallel_loop3A_490 = arith.andi %parallel_loop3A_480, %parallel_loop3A_489 : i32
      %parallel_loop3A_491 = arith.index_cast %parallel_loop3A_484 : i32 to index
      %parallel_loop3A_492 = arith.index_cast %parallel_loop3A_488 : i32 to index
      %parallel_loop3A_493 = arith.index_cast %parallel_loop3A_490 : i32 to index
      %parallel_loop3A_494 = arith.constant 0 : index
      %parallel_loop3A_495 = tpu.vector_load %arg17[%parallel_loop3A_491, %parallel_loop3A_492, %parallel_loop3A_493, %parallel_loop3A_494] {strides = array<i32>} : memref<7x4x8x131xf32, #tpu.memory_space<vmem>>, vector<16xf32>,
      tpu.vector_store %arg17[%parallel_loop3A_491, %parallel_loop3A_492, %parallel_loop3A_493, %parallel_loop3A_494], %broadcast_in_dim3A_17 {strides = array<i32>} : memref<7x4x8x131xf32, #tpu.memory_space<vmem>>, vector<16xf32>,
      %parallel_loop3A_496 = arith.index_cast %parallel_loop3A_484 : i32 to index
      %parallel_loop3A_497 = arith.index_cast %parallel_loop3A_488 : i32 to index
      %parallel_loop3A_498 = arith.index_cast %parallel_loop3A_490 : i32 to index
      %parallel_loop3A_499 = arith.constant 16 : index
      %parallel_loop3A_500 = tpu.vector_load %arg17[%parallel_loop3A_496, %parallel_loop3A_497, %parallel_loop3A_498, %parallel_loop3A_499] {strides = array<i32>} : memref<7x4x8x131xf32, #tpu.memory_space<vmem>>, vector<16xf32>,
      tpu.vector_store %arg17[%parallel_loop3A_496, %parallel_loop3A_497, %parallel_loop3A_498, %parallel_loop3A_499], %broadcast_in_dim3A_17 {strides = array<i32>} : memref<7x4x8x131xf32, #tpu.memory_space<vmem>>, vector<16xf32>,
      %parallel_loop3A_501 = arith.index_cast %parallel_loop3A_484 : i32 to index
      %parallel_loop3A_502 = arith.index_cast %parallel_loop3A_488 : i32 to index
      %parallel_loop3A_503 = arith.index_cast %parallel_loop3A_490 : i32 to index
      %parallel_loop3A_504 = arith.constant 32 : index
      %parallel_loop3A_505 = tpu.vector_load %arg17[%parallel_loop3A_501, %parallel_loop3A_502, %parallel_loop3A_503, %parallel_loop3A_504] {strides = array<i32>} : memref<7x4x8x131xf32, #tpu.memory_space<vmem>>, vector<16xf32>,
      tpu.vector_store %arg17[%parallel_loop3A_501, %parallel_loop3A_502, %parallel_loop3A_503, %parallel_loop3A_504], %broadcast_in_dim3A_17 {strides = array<i32>} : memref<7x4x8x131xf32, #tpu.memory_space<vmem>>, vector<16xf32>,
      %parallel_loop3A_506 = arith.index_cast %parallel_loop3A_484 : i32 to index
      %parallel_loop3A_507 = arith.index_cast %parallel_loop3A_488 : i32 to index
      %parallel_loop3A_508 = arith.index_cast %parallel_loop3A_490 : i32 to index
      %parallel_loop3A_509 = arith.constant 48 : index
      %parallel_loop3A_510 = tpu.vector_load %arg17[%parallel_loop3A_506, %parallel_loop3A_507, %parallel_loop3A_508, %parallel_loop3A_509] {strides = array<i32>} : memref<7x4x8x131xf32, #tpu.memory_space<vmem>>, vector<16xf32>,
      tpu.vector_store %arg17[%parallel_loop3A_506, %parallel_loop3A_507, %parallel_loop3A_508, %parallel_loop3A_509], %broadcast_in_dim3A_17 {strides = array<i32>} : memref<7x4x8x131xf32, #tpu.memory_space<vmem>>, vector<16xf32>,
      %parallel_loop3A_511 = arith.index_cast %parallel_loop3A_484 : i32 to index
      %parallel_loop3A_512 = arith.index_cast %parallel_loop3A_488 : i32 to index
      %parallel_loop3A_513 = arith.index_cast %parallel_loop3A_490 : i32 to index
      %parallel_loop3A_514 = arith.constant 64 : index
      %parallel_loop3A_515 = tpu.vector_load %arg17[%parallel_loop3A_511, %parallel_loop3A_512, %parallel_loop3A_513, %parallel_loop3A_514] {strides = array<i32>} : memref<7x4x8x131xf32, #tpu.memory_space<vmem>>, vector<16xf32>,
      tpu.vector_store %arg17[%parallel_loop3A_511, %parallel_loop3A_512, %parallel_loop3A_513, %parallel_loop3A_514], %broadcast_in_dim3A_17 {strides = array<i32>} : memref<7x4x8x131xf32, #tpu.memory_space<vmem>>, vector<16xf32>,
      %parallel_loop3A_516 = arith.index_cast %parallel_loop3A_484 : i32 to index
      %parallel_loop3A_517 = arith.index_cast %parallel_loop3A_488 : i32 to index
      %parallel_loop3A_518 = arith.index_cast %parallel_loop3A_490 : i32 to index
      %parallel_loop3A_519 = arith.constant 80 : index
      %parallel_loop3A_520 = tpu.vector_load %arg17[%parallel_loop3A_516, %parallel_loop3A_517, %parallel_loop3A_518, %parallel_loop3A_519] {strides = array<i32>} : memref<7x4x8x131xf32, #tpu.memory_space<vmem>>, vector<16xf32>,
      tpu.vector_store %arg17[%parallel_loop3A_516, %parallel_loop3A_517, %parallel_loop3A_518, %parallel_loop3A_519], %broadcast_in_dim3A_17 {strides = array<i32>} : memref<7x4x8x131xf32, #tpu.memory_space<vmem>>, vector<16xf32>,
      %parallel_loop3A_521 = arith.index_cast %parallel_loop3A_484 : i32 to index
      %parallel_loop3A_522 = arith.index_cast %parallel_loop3A_488 : i32 to index
      %parallel_loop3A_523 = arith.index_cast %parallel_loop3A_490 : i32 to index
      %parallel_loop3A_524 = arith.constant 96 : index
      %parallel_loop3A_525 = tpu.vector_load %arg17[%parallel_loop3A_521, %parallel_loop3A_522, %parallel_loop3A_523, %parallel_loop3A_524] {strides = array<i32>} : memref<7x4x8x131xf32, #tpu.memory_space<vmem>>, vector<16xf32>,
      tpu.vector_store %arg17[%parallel_loop3A_521, %parallel_loop3A_522, %parallel_loop3A_523, %parallel_loop3A_524], %broadcast_in_dim3A_17 {strides = array<i32>} : memref<7x4x8x131xf32, #tpu.memory_space<vmem>>, vector<16xf32>,
      %parallel_loop3A_526 = arith.index_cast %parallel_loop3A_484 : i32 to index
      %parallel_loop3A_527 = arith.index_cast %parallel_loop3A_488 : i32 to index
      %parallel_loop3A_528 = arith.index_cast %parallel_loop3A_490 : i32 to index
      %parallel_loop3A_529 = arith.constant 112 : index
      %parallel_loop3A_530 = tpu.vector_load %arg17[%parallel_loop3A_526, %parallel_loop3A_527, %parallel_loop3A_528, %parallel_loop3A_529] {strides = array<i32>} : memref<7x4x8x131xf32, #tpu.memory_space<vmem>>, vector<16xf32>,
      tpu.vector_store %arg17[%parallel_loop3A_526, %parallel_loop3A_527, %parallel_loop3A_528, %parallel_loop3A_529], %broadcast_in_dim3A_17 {strides = array<i32>} : memref<7x4x8x131xf32, #tpu.memory_space<vmem>>, vector<16xf32>,
    } {sc.loop_unroll_factor = 2 : i64, sc.parallel_access}
    %scan3A_412 = arith.constant 0 : i32
    %scan3A_413 = arith.constant 0 : i32
    %scan3A_414 = arith.constant 32 : i32
    %scan3A_415 = arith.addi %scan3A_413, %scan3A_414 : i32
    %scan3A_416 = arith.constant 1 : i32
    %scan3A_417 = scf.for %scan3A_480 = %scan3A_413 to %scan3A_415 step %scan3A_416 iter_args(%scan3A_481 = %scan3A_412) -> (i32)  : i32 {
      %shift_right_arithmetic3A_482 = arith.constant 3 : i32
      %shift_right_arithmetic3A_483 = arith.shrsi %scan3A_480, %shift_right_arithmetic3A_482 : i32
      %and3A_484 = arith.constant 7 : i32
      %and3A_485 = arith.andi %scan3A_480, %and3A_484 : i32
      %mul3A_486 = arith.constant 16 : i32
      %mul3A_487 = arith.muli %and3A_485, %mul3A_486 : i32
      %swap3A = arith.constant 2 : i32
      %swap3A_488 = arith.constant 3 : i32
      %swap3A_489 = arith.index_cast %swap3A : i32 to index
      %swap3A_490 = arith.index_cast %shift_right_arithmetic3A_483 : i32 to index
      %swap3A_491 = arith.index_cast %swap3A_488 : i32 to index
      %swap3A_492 = arith.index_cast %mul3A_487 : i32 to index
      %swap3A_493 = tpu.vector_load %arg17[%swap3A_489, %swap3A_490, %swap3A_491, %swap3A_492] {strides = array<i32>} : memref<7x4x8x131xf32, #tpu.memory_space<vmem>>, vector<16xf32>,
      tpu.vector_store %arg17[%swap3A_489, %swap3A_490, %swap3A_491, %swap3A_492], %broadcast_in_dim3A_17 {strides = array<i32>} : memref<7x4x8x131xf32, #tpu.memory_space<vmem>>, vector<16xf32>,
      %mul3A_494 = arith.constant 16 : i32
      %mul3A_495 = arith.muli %and3A_485, %mul3A_494 : i32
      %swap3A_496 = arith.constant 2 : i32
      %swap3A_497 = arith.constant 4 : i32
      %swap3A_498 = arith.index_cast %swap3A_496 : i32 to index
      %swap3A_499 = arith.index_cast %shift_right_arithmetic3A_483 : i32 to index
      %swap3A_500 = arith.index_cast %swap3A_497 : i32 to index
      %swap3A_501 = arith.index_cast %mul3A_495 : i32 to index
      %swap3A_502 = tpu.vector_load %arg17[%swap3A_498, %swap3A_499, %swap3A_500, %swap3A_501] {strides = array<i32>} : memref<7x4x8x131xf32, #tpu.memory_space<vmem>>, vector<16xf32>,
      tpu.vector_store %arg17[%swap3A_498, %swap3A_499, %swap3A_500, %swap3A_501], %broadcast_in_dim3A_17 {strides = array<i32>} : memref<7x4x8x131xf32, #tpu.memory_space<vmem>>, vector<16xf32>,
      %mul3A_503 = arith.constant 16 : i32
      %mul3A_504 = arith.muli %and3A_485, %mul3A_503 : i32
      %swap3A_505 = arith.constant 2 : i32
      %swap3A_506 = arith.constant 5 : i32
      %swap3A_507 = arith.index_cast %swap3A_505 : i32 to index
      %swap3A_508 = arith.index_cast %shift_right_arithmetic3A_483 : i32 to index
      %swap3A_509 = arith.index_cast %swap3A_506 : i32 to index
      %swap3A_510 = arith.index_cast %mul3A_504 : i32 to index
      %swap3A_511 = tpu.vector_load %arg17[%swap3A_507, %swap3A_508, %swap3A_509, %swap3A_510] {strides = array<i32>} : memref<7x4x8x131xf32, #tpu.memory_space<vmem>>, vector<16xf32>,
      tpu.vector_store %arg17[%swap3A_507, %swap3A_508, %swap3A_509, %swap3A_510], %broadcast_in_dim3A_17 {strides = array<i32>} : memref<7x4x8x131xf32, #tpu.memory_space<vmem>>, vector<16xf32>,
      %mul3A_512 = arith.constant 16 : i32
      %mul3A_513 = arith.muli %and3A_485, %mul3A_512 : i32
      %swap3A_514 = arith.constant 2 : i32
      %swap3A_515 = arith.constant 6 : i32
      %swap3A_516 = arith.index_cast %swap3A_514 : i32 to index
      %swap3A_517 = arith.index_cast %shift_right_arithmetic3A_483 : i32 to index
      %swap3A_518 = arith.index_cast %swap3A_515 : i32 to index
      %swap3A_519 = arith.index_cast %mul3A_513 : i32 to index
      %swap3A_520 = tpu.vector_load %arg17[%swap3A_516, %swap3A_517, %swap3A_518, %swap3A_519] {strides = array<i32>} : memref<7x4x8x131xf32, #tpu.memory_space<vmem>>, vector<16xf32>,
      tpu.vector_store %arg17[%swap3A_516, %swap3A_517, %swap3A_518, %swap3A_519], %broadcast_in_dim3A_17 {strides = array<i32>} : memref<7x4x8x131xf32, #tpu.memory_space<vmem>>, vector<16xf32>,
      %mul3A_521 = arith.constant 16 : i32
      %mul3A_522 = arith.muli %and3A_485, %mul3A_521 : i32
      %swap3A_523 = arith.constant 2 : i32
      %swap3A_524 = arith.constant 7 : i32
      %swap3A_525 = arith.index_cast %swap3A_523 : i32 to index
      %swap3A_526 = arith.index_cast %shift_right_arithmetic3A_483 : i32 to index
      %swap3A_527 = arith.index_cast %swap3A_524 : i32 to index
      %swap3A_528 = arith.index_cast %mul3A_522 : i32 to index
      %swap3A_529 = tpu.vector_load %arg17[%swap3A_525, %swap3A_526, %swap3A_527, %swap3A_528] {strides = array<i32>} : memref<7x4x8x131xf32, #tpu.memory_space<vmem>>, vector<16xf32>,
      tpu.vector_store %arg17[%swap3A_525, %swap3A_526, %swap3A_527, %swap3A_528], %broadcast_in_dim3A_17 {strides = array<i32>} : memref<7x4x8x131xf32, #tpu.memory_space<vmem>>, vector<16xf32>,
      %scan3A_530 = arith.constant 0 : i32
      scf.yield %scan3A_530 : i32
    }
    %scan3A_418 = arith.constant 32 : i32
    %scan3A_419 = arith.constant 0 : i32
    %scan3A_420 = arith.constant 0 : i32
    %scan3A_421 = arith.constant 32 : i32
    %scan3A_422 = arith.addi %scan3A_420, %scan3A_421 : i32
    %scan3A_423 = arith.constant 1 : i32
    %scan3A_424 = scf.for %scan3A_480 = %scan3A_420 to %scan3A_422 step %scan3A_423 iter_args(%scan3A_481 = %scan3A_419) -> (i32)  : i32 {
      %and3A_482 = arith.constant 7 : i32
      %and3A_483 = arith.andi %scan3A_480, %and3A_482 : i32
      %mul3A_484 = arith.constant 16 : i32
      %mul3A_485 = arith.muli %and3A_483, %mul3A_484 : i32
      %add3A_486 = vector.broadcast %mul3A_485 : i32 to vector<16xi32>
      %add3A_487 = arith.addi %add3A_486, %iota3A : vector<16xi32>
      %shift_right_arithmetic3A_488 = arith.constant 3 : i32
      %shift_right_arithmetic3A_489 = arith.shrsi %scan3A_480, %shift_right_arithmetic3A_488 : i32
      %mul3A_490 = arith.constant 128 : i32
      %mul3A_491 = arith.muli %shift_right_arithmetic3A_489, %mul3A_490 : i32
      %and3A_492 = arith.constant 7 : i32
      %and3A_493 = arith.andi %scan3A_480, %and3A_492 : i32
      %mul3A_494 = arith.constant 16 : i32
      %mul3A_495 = arith.muli %and3A_493, %mul3A_494 : i32
      %add3A_496 = arith.addi %mul3A_491, %mul3A_495 : i32
      %get3A = arith.index_cast %add3A_496 : i32 to index
      %get3A_497 = tpu.vector_load %arg14[%get3A] {strides = array<i32>} : memref<512xi32, #tpu.memory_space<vmem>>, vector<16xi32>,
      %add3A_498 = arith.constant 131 : i32
      %add3A_499 = vector.broadcast %add3A_498 : i32 to vector<16xi32>
      %add3A_500 = arith.addi %add3A_499, %get3A_497 : vector<16xi32>
      %get3A_501 = arith.index_cast %add3A_496 : i32 to index
      %get3A_502 = tpu.vector_load %arg15[%get3A_501] {strides = array<i32>} : memref<512xi32, #tpu.memory_space<vmem>>, vector<16xi32>,
      %add3A_503 = arith.constant 259 : i32
      %add3A_504 = vector.broadcast %add3A_503 : i32 to vector<16xi32>
      %add3A_505 = arith.addi %add3A_504, %get3A_502 : vector<16xi32>
      %broadcast_in_dim3A_506 = vector.broadcast %shift_right_arithmetic3A_489 : i32 to vector<16xi32>
      %sub3A_507 = arith.constant 112 : i32
      %sub3A_508 = vector.broadcast %sub3A_507 : i32 to vector<16xi32>
      %sub3A_509 = arith.subi %add3A_500, %sub3A_508 : vector<16xi32>
      %shift_right_arithmetic3A_510 = arith.constant 3 : i32
      %shift_right_arithmetic3A_511 = vector.broadcast %shift_right_arithmetic3A_510 : i32 to vector<16xi32>
      %shift_right_arithmetic3A_512 = arith.shrsi %sub3A_509, %shift_right_arithmetic3A_511 : vector<16xi32>
      %and3A_513 = arith.constant 7 : i32
      %and3A_514 = vector.broadcast %and3A_513 : i32 to vector<16xi32>
      %and3A_515 = arith.andi %add3A_500, %and3A_514 : vector<16xi32>
      %ge3A_516 = arith.constant 112 : i32
      %ge3A_517 = vector.broadcast %ge3A_516 : i32 to vector<16xi32>
      %ge3A_518 = arith.cmpi sge, %add3A_500, %ge3A_517 : vector<16xi32>
      %lt3A_519 = arith.constant 168 : i32
      %lt3A_520 = vector.broadcast %lt3A_519 : i32 to vector<16xi32>
      %lt3A_521 = arith.cmpi slt, %add3A_500, %lt3A_520 : vector<16xi32>
      %and3A_522 = arith.andi %ge3A_518, %lt3A_521 : vector<16xi1>
      tpu.vector_store_idx %arg17[%shift_right_arithmetic3A_512, %broadcast_in_dim3A_506, %and3A_515, %add3A_487], %broadcast_in_dim3A_19 masked %and3A_522 : memref<7x4x8x131xf32, #tpu.memory_space<vmem>>[vector<16xi32>, vector<16xi32>, vector<16xi32>, vector<16xi32>], vector<16xf32>, vector<16xi1>
      %scan3A_523 = arith.constant 0 : i32
      scf.yield %scan3A_523 : i32
    }
    %scan3A_425 = arith.constant 32 : i32
    %dma_start3A_426 = arith.constant 0 : i32
    %dma_start3A_427 = arith.constant 0 : i32
    %dma_start3A_428 = arith.constant 0 : i32
    %dma_start3A_429 = arith.constant 0 : i32
    %dma_start3A_430 = tpu.memref_slice %arg17[%dma_start3A_426, %dma_start3A_427, %dma_start3A_428, %dma_start3A_429] : memref<7x4x8x131xf32, #tpu.memory_space<vmem>> -> memref<7x4x8x128xf32, #tpu.memory_space<vmem>>
    %dma_start3A_431 = arith.constant 14 : i32
    %dma_start3A_432 = arith.constant 0 : i32
    %dma_start3A_433 = arith.constant 0 : i32
    %dma_start3A_434 = tpu.memref_slice %arg9[%dma_start3A_431, %mul3A_4, %dma_start3A_432, %dma_start3A_433] : memref<49x128x8x128xf32, #tpu.memory_space<hbm>> -> memref<7x4x8x128xf32, #tpu.memory_space<hbm>>
    %dma_start3A_435 = arith.constant 14 : i32
    %dma_start3A_436 = arith.constant 0 : i32
    %dma_start3A_437 = arith.constant 0 : i32
    %dma_start3A_438 = tpu.memref_slice %arg9[%dma_start3A_435, %mul3A_4, %dma_start3A_436, %dma_start3A_437] : memref<49x128x8x128xf32, #tpu.memory_space<hbm>> -> memref<7x4x8x128xf32, #tpu.memory_space<hbm>>
    %dma_start3A_439 = arith.constant 0 : i32
    %dma_start3A_440 = arith.constant 0 : i32
    %dma_start3A_441 = arith.constant 0 : i32
    %dma_start3A_442 = arith.constant 0 : i32
    %dma_start3A_443 = tpu.memref_slice %arg17[%dma_start3A_439, %dma_start3A_440, %dma_start3A_441, %dma_start3A_442] : memref<7x4x8x131xf32, #tpu.memory_space<vmem>> -> memref<7x4x8x128xf32, #tpu.memory_space<vmem>>
    tpu.enqueue_dma source(%dma_start3A_443 : memref<7x4x8x128xf32, #tpu.memory_space<vmem>>) target(%dma_start3A_438 : memref<7x4x8x128xf32, #tpu.memory_space<hbm>>) target_semaphore(%arg21 : memref<!tpu.dma_semaphore, #tpu.memory_space<semaphore_mem>>)
    %dma_wait3A_444 = arith.constant 0 : i32
    %dma_wait3A_445 = arith.constant 0 : i32
    %dma_wait3A_446 = arith.constant 0 : i32
    %dma_wait3A_447 = arith.constant 0 : i32
    %dma_wait3A_448 = tpu.memref_slice %arg17[%dma_wait3A_444, %dma_wait3A_445, %dma_wait3A_446, %dma_wait3A_447] : memref<7x4x8x131xf32, #tpu.memory_space<vmem>> -> memref<7x4x8x128xf32, #tpu.memory_space<vmem>>
    %dma_wait3A_449 = arith.constant 14 : i32
    %dma_wait3A_450 = arith.constant 0 : i32
    %dma_wait3A_451 = arith.constant 0 : i32
    %dma_wait3A_452 = tpu.memref_slice %arg9[%dma_wait3A_449, %mul3A_4, %dma_wait3A_450, %dma_wait3A_451] : memref<49x128x8x128xf32, #tpu.memory_space<hbm>> -> memref<7x4x8x128xf32, #tpu.memory_space<hbm>>
    %dma_wait3A_453 = arith.constant 14 : i32
    %dma_wait3A_454 = arith.constant 0 : i32
    %dma_wait3A_455 = arith.constant 0 : i32
    %dma_wait3A_456 = tpu.memref_slice %arg9[%dma_wait3A_453, %mul3A_4, %dma_wait3A_454, %dma_wait3A_455] : memref<49x128x8x128xf32, #tpu.memory_space<hbm>> -> memref<7x4x8x128xf32, #tpu.memory_space<hbm>>
    %dma_wait3A_457 = arith.constant 0 : i32
    %dma_wait3A_458 = arith.constant 0 : i32
    %dma_wait3A_459 = arith.constant 0 : i32
    %dma_wait3A_460 = arith.constant 0 : i32
    %dma_wait3A_461 = tpu.memref_slice %arg17[%dma_wait3A_457, %dma_wait3A_458, %dma_wait3A_459, %dma_wait3A_460] : memref<7x4x8x131xf32, #tpu.memory_space<vmem>> -> memref<7x4x8x128xf32, #tpu.memory_space<vmem>>
    tpu.wait_dma2 semaphore(%arg21 : memref<!tpu.dma_semaphore, #tpu.memory_space<semaphore_mem>>) src(%dma_wait3A_461 : memref<7x4x8x128xf32, #tpu.memory_space<vmem>>) dst(%dma_wait3A_456 : memref<7x4x8x128xf32, #tpu.memory_space<hbm>>)
    %dma_wait3A_462 = arith.constant 0 : i32
    %dma_wait3A_463 = arith.constant 0 : i32
    %dma_wait3A_464 = arith.constant 0 : i32
    %dma_wait3A_465 = arith.constant 0 : i32
    %dma_wait3A_466 = tpu.memref_slice %arg18[%dma_wait3A_462, %dma_wait3A_463, %dma_wait3A_464, %dma_wait3A_465] : memref<7x4x8x131xf32, #tpu.memory_space<vmem>> -> memref<7x4x8x128xf32, #tpu.memory_space<vmem>>
    %dma_wait3A_467 = arith.constant 7 : i32
    %dma_wait3A_468 = arith.constant 0 : i32
    %dma_wait3A_469 = arith.constant 0 : i32
    %dma_wait3A_470 = tpu.memref_slice %arg9[%dma_wait3A_467, %mul3A_4, %dma_wait3A_468, %dma_wait3A_469] : memref<49x128x8x128xf32, #tpu.memory_space<hbm>> -> memref<7x4x8x128xf32, #tpu.memory_space<hbm>>
    %dma_wait3A_471 = arith.constant 7 : i32
    %dma_wait3A_472 = arith.constant 0 : i32
    %dma_wait3A_473 = arith.constant 0 : i32
    %dma_wait3A_474 = tpu.memref_slice %arg9[%dma_wait3A_471, %mul3A_4, %dma_wait3A_472, %dma_wait3A_473] : memref<49x128x8x128xf32, #tpu.memory_space<hbm>> -> memref<7x4x8x128xf32, #tpu.memory_space<hbm>>
    %dma_wait3A_475 = arith.constant 0 : i32
    %dma_wait3A_476 = arith.constant 0 : i32
    %dma_wait3A_477 = arith.constant 0 : i32
    %dma_wait3A_478 = arith.constant 0 : i32
    %dma_wait3A_479 = tpu.memref_slice %arg18[%dma_wait3A_475, %dma_wait3A_476, %dma_wait3A_477, %dma_wait3A_478] : memref<7x4x8x131xf32, #tpu.memory_space<vmem>> -> memref<7x4x8x128xf32, #tpu.memory_space<vmem>>
    tpu.wait_dma2 semaphore(%arg22 : memref<!tpu.dma_semaphore, #tpu.memory_space<semaphore_mem>>) src(%dma_wait3A_479 : memref<7x4x8x128xf32, #tpu.memory_space<vmem>>) dst(%dma_wait3A_474 : memref<7x4x8x128xf32, #tpu.memory_space<hbm>>)
    return
  }
}

</mosaic_0001>

<sc_bundles>
// kernel: kernel.3.cloned.1.call-start
scs
__scs_entry_jumppad:
0x0: {  	(pc) =	sbr.rel $0x88, $3  }
0x1: {  	(tag) =	ssettag $0x0;
	lr =	simm.s32 $0x1  }
0x2: {  	[smem:$0x3F9A] =	sst lr;
	_ =	strace $0xD0000000  }
0x3: {  	_ = 	snop  }
0x4: {  	_ = 	snop  }
0x5: {  	_ = 	snop  }
0x6: {  	_ = 	snop  }
0x7: {  	_ = 	snop  }
__scs_overlays_trampoline_lowered:
0x8: {  	[smem:$0x3FA9] =	sst s0  }
0x9: {  	[smem:$0x3FAA] =	sst s1  }
0xa: {  	[smem:$0x3FAB] =	sst s2  }
0xb: {  	[smem:$0x3FAC] =	sst s3  }
0xc: {  	[smem:$0x3FAD] =	sst s4  }
0xd: {  	[smem:$0x3FAE] =	sst s5  }
0xe: {  	[smem:$0x3FAF] =	sst s6  }
0xf: {  	[smem:$0x3FB0] =	sst s7  }
0x10: {  	[smem:$0x3FB1] =	sst s8  }
0x11: {  	[smem:$0x3FB2] =	sst s9;
	s0 =	simm.s32 @!p0 $0x0  }
0x12: {  	s1 =	sld [smem:$0x3F98];
	s0 =	simm.s32 @p0 $0x1  }
0x13: {  	[smem:$0x3FB3] =	sst s0;
	s0 =	simm.s32 @!p1 $0x0  }
0x14: {  	s2 =	sld [smem:$0x3F97];
	s0 =	simm.s32 @p1 $0x1  }
0x15: {  	[smem:$0x3FB4] =	sst s0;
	s0 =	simm.s32 @!p2 $0x0  }
0x16: {  	s3 =	sld [smem:$0x3FDB];
	s0 =	simm.s32 @p2 $0x1  }
0x17: {  	s4 =	simm.s32 $0x1BF5;
	[smem:$0x3FB6] =	sst s0  }
0x18: {  	s0 =	sld [smem:$0x3F99];
	_ =	swait.ge [sflag:s4], $0x0  }
0x19: {  	s7 =	sld [smem:$0x3F9A]  }
0x1a: {  	s8 =	sadd.s32 $0xFFFFE003, lr  }
0x1b: {  	s9 =	sadd.s32 $0xFFFFFEF7, lr;
	s5 =	simm.s32 $0xFFFFFFFF;
	p2 =	slt.u32 s8, $0xFFFFF086  }
0x1c: {  	p1 =	slt.u32 s9, $0xF7A;
	s5 =	simm.s32 @!p2 $0x0  }
0x1d: {  	s5 =	simm.s32 @p1 $0x1;
	p0 =	seq.s32 s7, s2  }
0x1e: {  	s7 =	smul.u32 @!p0 $0xF7A, s2;
	p2 =	seq.s32 @!p0 s5, $0x0  }
0x1f: {  	s9 =	smul.u32 $0xF7A, s1;
	s8 =	simm.s32 @!p0 $0x1BF5;
	p2 =	por !p2, p0  }
0x20: {  	[sflag:s8] =	ssyncset.s32 @!p0 $0xFFFFF086;
	s6 =	sadd.s32 @!p0 s3, s7;
	s7 =	simm.s32 @!p0 $0x108  }
0x21: {  	s3 =	sadd.s32 s3, s9;
	s6 =	sadd.s32 @!p0 $0x88, s6;
	s7 =	simm.s32 @p2 $0x1082  }
0x22: {  	[simem:s7], [sflag:s8] =	dma.local @!p0 [hbm:s6], $0xF7A  }
0x23: {  	s9 =	sor.u32 $0xD0000000, s2;
	s6 =	simm.s32 $0x108;
	_ =	swait.ge @!p0 [sflag:s8], $0x0  }
0x24: {  	s3 =	sadd.s32 $0x88, s3;
	s6 =	simm.s32 @!p1 $0x1082;
	[sflag:s4] =	ssyncset.s32 $0xFFFFF086  }
0x25: {  	[simem:s6], [sflag:s4] =	dma.local [hbm:s3], $0xF7A  }
0x26: {  	[smem:$0x3F9A] =	sst s1;
	(tag) =	ssettag s2;
	_ =	strace s9  }
0x27: {  	s1 =	sld [smem:$0x3FAA]  }
0x28: {  	s2 =	sld [smem:$0x3FAB]  }
0x29: {  	s4 =	sld [smem:$0x3FAD]  }
0x2a: {  	p0 =	seq.s32 s5, $0x0;
	s5 =	sld [smem:$0x3FAE]  }
0x2b: {  	s6 =	sld [smem:$0x3FAF]  }
0x2c: {  	s7 =	sld [smem:$0x3FB0]  }
0x2d: {  	s3 =	simm.s32 $0x108;
	s8 =	sld [smem:$0x3FB1]  }
0x2e: {  	s3 =	simm.s32 @!p0 $0x1082;
	s9 =	sld [smem:$0x3FB2]  }
0x2f: {  	lr =	sadd.s32 s0, s3;
	s0 =	sld [smem:$0x3FA9]  }
0x30: {  	s3 =	sld [smem:$0x3FAC]  }
0x31: {  	[smem:$0x3FB5] =	sst s10  }
0x32: {  	s10 =	sld [smem:$0x3FB3];
	_ =	sdelay $0x3  }
0x33: {  	p0 =	seq.s32 s10, $0x1;
	s10 =	sld [smem:$0x3FB5];
	_ =	sdelay $0x3  }
0x34: {  	[smem:$0x3FB5] =	sst s10  }
0x35: {  	s10 =	sld [smem:$0x3FB4];
	_ =	sdelay $0x3  }
0x36: {  	p1 =	seq.s32 s10, $0x1;
	s10 =	sld [smem:$0x3FB5];
	_ =	sdelay $0x3  }
0x37: {  	[smem:$0x3FB5] =	sst s10  }
0x38: {  	s10 =	sld [smem:$0x3FB6]  }
0x39: {  	_ = 	snop;
	(pc) =	sbr.ind lr, $3  }
0x3a: {  	_ = 	snop  }
0x3b: {  	_ = 	snop  }
0x3c: {  	p2 =	seq.s32 s10, $0x1;
	s10 =	sld [smem:$0x3FB5]  }
0x3d: {  	_ =	shalt  }
0x3e: {  	_ =	shalt  }
0x3f: {  	_ =	shalt  }
0x40: {  	_ =	shalt  }
0x41: {  	_ =	shalt  }
0x42: {  	_ =	shalt  }
0x43: {  	_ =	shalt  }
0x44: {  	_ =	shalt  }
0x45: {  	_ =	shalt  }
0x46: {  	_ =	shalt  }
0x47: {  	_ =	shalt  }
0x48: {  	_ =	shalt  }
0x49: {  	_ =	shalt  }
0x4a: {  	_ =	shalt  }
0x4b: {  	_ =	shalt  }
0x4c: {  	_ =	shalt  }
0x4d: {  	_ =	shalt  }
0x4e: {  	_ =	shalt  }
0x4f: {  	_ =	shalt  }
0x50: {  	_ =	shalt  }
0x51: {  	_ =	shalt  }
0x52: {  	_ =	shalt  }
0x53: {  	_ =	shalt  }
0x54: {  	_ =	shalt  }
0x55: {  	_ =	shalt  }
0x56: {  	_ =	shalt  }
0x57: {  	_ =	shalt  }
0x58: {  	_ =	shalt  }
0x59: {  	_ =	shalt  }
0x5a: {  	_ =	shalt  }
0x5b: {  	_ =	shalt  }
0x5c: {  	_ =	shalt  }
0x5d: {  	_ =	shalt  }
0x5e: {  	_ =	shalt  }
0x5f: {  	_ =	shalt  }
0x60: {  	_ =	shalt  }
0x61: {  	_ =	shalt  }
0x62: {  	_ =	shalt  }
0x63: {  	_ =	shalt  }
0x64: {  	_ =	shalt  }
0x65: {  	_ =	shalt  }
0x66: {  	_ =	shalt  }
0x67: {  	_ =	shalt  }
0x68: {  	_ =	shalt  }
0x69: {  	_ =	shalt  }
0x6a: {  	_ =	shalt  }
0x6b: {  	_ =	shalt  }
0x6c: {  	_ =	shalt  }
0x6d: {  	_ =	shalt  }
0x6e: {  	_ =	shalt  }
0x6f: {  	_ =	shalt  }
0x70: {  	_ =	shalt  }
0x71: {  	_ =	shalt  }
0x72: {  	_ =	shalt  }
0x73: {  	_ =	shalt  }
0x74: {  	_ =	shalt  }
0x75: {  	_ =	shalt  }
0x76: {  	_ =	shalt  }
0x77: {  	_ =	shalt  }
0x78: {  	_ =	shalt  }
0x79: {  	_ =	shalt  }
0x7a: {  	_ =	shalt  }
0x7b: {  	_ =	shalt  }
0x7c: {  	_ =	shalt  }
0x7d: {  	_ =	shalt  }
0x7e: {  	_ =	shalt  }
0x7f: {  	_ =	shalt  }
0x80: {  	_ =	shalt  }
0x81: {  	_ =	shalt  }
0x82: {  	_ =	shalt  }
0x83: {  	_ =	shalt  }
0x84: {  	_ =	shalt  }
0x85: {  	_ =	shalt  }
0x86: {  	_ =	shalt  }
0x87: {  	_ =	shalt  }
.Lfunc_end0:
.L_simem_size_0:
called_computation_lowered:
.L_overlay_start_0:
0x88: {  	s2 =	sld [smem:$0x3FD9]  }
0x89: {  	s3 =	sld [smem:$0x3FFE];
	_ =	sdelay $0x1  }
0x8a: {  	s1 =	srdreg.scid  }
0x8b: {  	s0 =	sand.u32 $0x1, s1  }
0x8c: {  	s18 =	sshll.u32 s0, $0xA;
	s2 =	sadd.s32 s3, s2  }
0x8d: {  	s2 =	sadd.s32 s2, s18  }
0x8e: {  	[smem:$0x3FC1] =	sst s2  }
0x8f: {  	_ = 	snop  }
0x90: {  	s2 =	sld [smem:$0x3FC9]  }
0x91: {  	s19 =	sld [smem:$0x3FC8]  }
0x92: {  	s4 =	sld [smem:$0x3FC7]  }
0x93: {  	s5 =	sld [smem:$0x3FC6]  }
0x94: {  	s6 =	sld [smem:$0x3FC5]  }
0x95: {  	s7 =	sld [smem:$0x3FC4]  }
0x96: {  	s8 =	sld [smem:$0x3FC3]  }
0x97: {  	s9 =	sld [smem:$0x3FD0];
	(tm) =	ssettm $0x1  }
0x98: {  	s10 =	sld [smem:$0x3FFB];
	_ =	sdelay $0x3  }
0x99: {  	_ =	strace s10  }
0x9a: {  	s10 =	sld [smem:$0x3FFC];
	_ =	sdelay $0x3  }
0x9b: {  	_ =	strace s10  }
0x9c: {  	s10 =	sld [smem:$0x3FFD];
	_ =	sdelay $0x3  }
0x9d: {  	_ =	strace s10  }
0x9e: {  	_ =	strace $0x8FFFFFFF  }
0x9f: {  	s20 =	sld [smem:$0x3FDB];
	_ =	sdelay $0x1  }
0xa0: {  	s11 =	simm.s32 $_scs_section_size  }
0xa1: {  	s12 =	simm.s32 $_size__tile_overlayer_lowered;
	s13 =	simm.s32 $_tile_overlayer_lowered  }
0xa2: {  	s23 =	simm.s32 $0x1BFF;
	s22 =	sshll.u32 s13, $0x1;
	s10 =	sadd.s32 s11, s20  }
0xa3: {  	s14 =	simm.s32 $0x0;
	s21 =	sshll.u32 s12, $0x1;
	s12 =	sadd.s32 s22, s10  }
0xa4: {  	[timem:s14], [sflag:s23] =	dma.local [hbm:s12], s21  }
0xa5: {  	_ =	swait.ge [sflag:s23], s21  }
0xa6: {  	s11 =	ssub.s32 $0x0, s21;
	[sflag:s23] =	ssyncset.done $0x0  }
0xa7: {  	[sflag:s23] =	ssyncadd.s32 s11;
	_ =	sdelay $0x1  }
0xa8: {  	s24 =	simm.s32 $0x1B8B  }
0xa9: {  	_ =	swait.ge [sflag:s24], $0x1  }
0xaa: {  	[sflag:s24] =	ssyncset.done $0x0  }
0xab: {  	s25 =	simm.s32 $0x1B8E;
	[sflag:s24] =	ssyncadd.s32 $0xFFFFFFFF  }
0xac: {  	s26 =	simm.s32 $execute0_lowered;
	[smem:$0x3FD2] =	sst s25  }
0xad: {  	s11 =	sshll.u32 s26, $0x1;
	_ =	strace $0x80000046;
	[dreg:$0x1] =	wrdreg $0xFFFFFFFF  }
0xae: {  	s28 =	simm.s32 $_size_execute0_lowered;
	s10 =	sadd.s32 s10, s11;
	[dreg:$0x0] =	wrdreg $0x0  }
0xaf: {  	s11 =	sshll.u32 s28, $0x1;
	[dreg:$0x2] =	wrdreg s10  }
0xb0: {  	[dreg:$0x3] =	wrdreg s11  }
0xb1: {  	[dreg:$0x4] =	wrdreg $0xC0  }
0xb2: {  	_ =	task [dreg:s14], $0x5FFFF  }
0xb3: {  	[dreg:$0x1] =	wrdreg $0xFFFFFFFF  }
0xb4: {  	[dreg:$0x0] =	wrdreg $0x60  }
0xb5: {  	[dreg:$0x2] =	wrdreg s2  }
0xb6: {  	[dreg:$0x3] =	wrdreg s19  }
0xb7: {  	[dreg:$0x4] =	wrdreg s4  }
0xb8: {  	[dreg:$0x5] =	wrdreg s5  }
0xb9: {  	[dreg:$0x6] =	wrdreg s6  }
0xba: {  	[dreg:$0x7] =	wrdreg s7  }
0xbb: {  	[dreg:$0x8] =	wrdreg s8  }
0xbc: {  	[dreg:$0x9] =	wrdreg s9  }
0xbd: {  	[dreg:$0xa] =	wrdreg $0x9  }
0xbe: {  	_ =	task.clear_ibuf [dreg:s14], $0xBFFFF;
	_ =	strace $0x90000046  }
0xbf: {  	s29 =	simm.s32 $0x9;
	_ =	strace $0x80000048  }
0xc0: {  	_ =	swait.ge [sflag:s29], $0x1  }
0xc1: {  	[sflag:s29] =	ssyncadd.s32 $0xFFFFFFFF  }
0xc2: {  	_ =	strace $0x90000048  }
0xc3: {  	_ =	sfence  }
0xc4: {  	s30 =	sld [smem:$0x0];
	_ =	sdelay $0x2  }
0xc5: {  	s31 =	sshll.u32 s1, $0xD;
	s1 =	sshrl.u32 s1, $0x2  }
0xc6: {  	s3 =	sand.u32 $0x4000, s31;
	s1 =	sadd.s32 s1, s30  }
0xc7: {  	s0 =	sor.u32 s3, s0;
	s1 =	sshll.u32 s1, $0x11  }
0xc8: {  	s0 =	sor.u32 s1, s0  }
0xc9: {  	s0 =	sadd.s32 $0x8F2B, s0  }
0xca: {  	[sflag:s0] =	ssyncadd.remote.s32 $0x1  }
0xcb: {  	_ =	sfence.sel $0xFFFF  }
0xcc: {  	[dreg:$0x0] =	wrdreg $0xFFFFFFFF;
	(pc) =	sbr.abs _section_cstart, $3  }
0xcd: {  	[dreg:$0x1] =	wrdreg $0xFFFFFFFF  }
0xce: {  	_ =	task.clear_ibuf [dreg:s14], $0x2FFFF;
	_ =	strace $0x9FFFFFFF  }
0xcf: {  	(tm) =	ssettm $0x7FFFFFFF  }
tec
execute0_lowered:
.L_overlay_start_1:
0x0: {  	(tag) =	ssettag $0x1  }
0x1: {  	v0 =	vlaneseq.u32;
	v1 =	vimm.f32 $0.0e+00;
	v2 =	vimm.f32 $1.000000000e+00  }
0x2: {  	v5 =	vimm.s32 $0x14B8;
	vm15 =	vcmask $0x300;
	v6 =	vimm.s32 $0x36B8  }
0x3: {  	vm14 =	vcmask $0x704;
	vm13 =	vcmask $0xB08;
	vm12 =	vcmask $0xF0C  }
0x4: {  	vm11 =	vcmask $0x1310;
	vm10 =	vcmask $0x1714;
	vm9 =	vcmask $0x1B18  }
0x5: {  	vm8 =	vcmask $0x1F1C;
	vm7 =	vcmask $0x2320;
	vm6 =	vcmask $0x2724  }
0x6: {  	vm5 =	vcmask $0x2B28;
	vm4 =	vcmask $0x2F2C;
	vm2 =	vcmask $0x3330  }
0x7: {  	vm3 =	vcmask $0x3734;
	vm1 =	vcmask $0x3B38;
	v7 =	vimm.s32 $0x58B8  }
0x8: {  	v8 =	vimm.s32 $0x7AB8;
	v9 =	vimm.s32 $0x3B8;
	vm0 =	vcmask $0x3F20  }
0x9: {  	v10 =	vimm.s32 $0x25B8;
	v11 =	vimm.s32 $0x47B8;
	v12 =	vimm.s32 $0x69B8  }
0xa: {  	v3 =	vshrl.u32 v0, $0x3;
	v4 =	vand.u32 $0x7, v0;
	v5 =	vsel vm15, $0x0, v5  }
0xb: {  	v6 =	vsel vm15, $0x2200, v6;
	v7 =	vsel vm15, $0x4400, v7;
	v8 =	vsel vm15, $0x6600, v8  }
0xc: {  	v9 =	vsel vm15, $0xFFFFEF00, v9;
	v10 =	vsel vm15, $0x1100, v10;
	v11 =	vsel vm15, $0x3300, v11  }
0xd: {  	v12 =	vsel vm15, $0x5500, v12;
	v3 =	vmul.u32 $0x8, v3;
	v5 =	vsel vm14, $0x88, v5  }
0xe: {  	v6 =	vsel vm14, $0x2288, v6;
	v7 =	vsel vm14, $0x4488, v7;
	v8 =	vsel vm14, $0x6688, v8  }
0xf: {  	v9 =	vsel vm14, $0xFFFFEF88, v9;
	v10 =	vsel vm14, $0x1188, v10;
	v11 =	vsel vm14, $0x3388, v11  }
0x10: {  	v12 =	vsel vm14, $0x5588, v12;
	v5 =	vsel vm13, $0x110, v5;
	v6 =	vsel vm13, $0x2310, v6  }
0x11: {  	v7 =	vsel vm13, $0x4510, v7;
	v8 =	vsel vm13, $0x6710, v8;
	v9 =	vsel vm13, $0xFFFFF010, v9  }
0x12: {  	v10 =	vsel vm13, $0x1210, v10;
	v11 =	vsel vm13, $0x3410, v11;
	v12 =	vsel vm13, $0x5610, v12  }
0x13: {  	v5 =	vsel vm12, $0x198, v5;
	v6 =	vsel vm12, $0x2398, v6;
	v7 =	vsel vm12, $0x4598, v7  }
0x14: {  	v8 =	vsel vm12, $0x6798, v8;
	v9 =	vsel vm12, $0xFFFFF098, v9;
	v10 =	vsel vm12, $0x1298, v10  }
0x15: {  	v11 =	vsel vm12, $0x3498, v11;
	v12 =	vsel vm12, $0x5698, v12;
	v5 =	vsel vm11, $0x220, v5  }
0x16: {  	v6 =	vsel vm11, $0x2420, v6;
	v7 =	vsel vm11, $0x4620, v7;
	v8 =	vsel vm11, $0x6820, v8  }
0x17: {  	v9 =	vsel vm11, $0xFFFFF120, v9;
	v10 =	vsel vm11, $0x1320, v10;
	v11 =	vsel vm11, $0x3520, v11  }
0x18: {  	v12 =	vsel vm11, $0x5720, v12;
	v5 =	vsel vm10, $0x2A8, v5;
	v6 =	vsel vm10, $0x24A8, v6  }
0x19: {  	v7 =	vsel vm10, $0x46A8, v7;
	v8 =	vsel vm10, $0x68A8, v8;
	v9 =	vsel vm10, $0xFFFFF1A8, v9  }
0x1a: {  	v10 =	vsel vm10, $0x13A8, v10;
	v11 =	vsel vm10, $0x35A8, v11;
	v12 =	vsel vm10, $0x57A8, v12  }
0x1b: {  	v5 =	vsel vm9, $0x330, v5;
	v6 =	vsel vm9, $0x2530, v6;
	v7 =	vsel vm9, $0x4730, v7  }
0x1c: {  	v8 =	vsel vm9, $0x6930, v8;
	v9 =	vsel vm9, $0xFFFFF230, v9;
	v10 =	vsel vm9, $0x1430, v10  }
0x1d: {  	v11 =	vsel vm9, $0x3630, v11;
	v12 =	vsel vm9, $0x5830, v12;
	v5 =	vsel vm8, $0x3B8, v5  }
0x1e: {  	v6 =	vsel vm8, $0x25B8, v6;
	v7 =	vsel vm8, $0x47B8, v7;
	v8 =	vsel vm8, $0x69B8, v8  }
0x1f: {  	v9 =	vsel vm8, $0xFFFFF2B8, v9;
	v10 =	vsel vm8, $0x14B8, v10;
	v11 =	vsel vm8, $0x36B8, v11  }
0x20: {  	s1 =	rddreg [dreg:$0x0];
	v12 =	vsel vm8, $0x58B8, v12;
	v5 =	vsel vm7, $0x1100, v5;
	v6 =	vsel vm7, $0x3300, v6  }
0x21: {  	s2 =	rddreg [dreg:$0x1];
	v7 =	vsel vm7, $0x5500, v7;
	v8 =	vsel vm7, $0x7700, v8;
	v9 =	vsel vm7, $0x0, v9  }
0x22: {  	s0 =	rddreg [dreg:$0x2];
	v10 =	vsel vm7, $0x2200, v10;
	v11 =	vsel vm7, $0x4400, v11;
	v12 =	vsel vm7, $0x6600, v12  }
0x23: {  	s9 =	rddreg [dreg:$0x3];
	v5 =	vsel vm6, $0x1188, v5;
	v6 =	vsel vm6, $0x3388, v6;
	v7 =	vsel vm6, $0x5588, v7  }
0x24: {  	s5 =	rddreg [dreg:$0x4];
	v8 =	vsel vm6, $0x7788, v8;
	v9 =	vsel vm6, $0x88, v9;
	v10 =	vsel vm6, $0x2288, v10  }
0x25: {  	s6 =	rddreg [dreg:$0x5];
	v11 =	vsel vm6, $0x4488, v11;
	v12 =	vsel vm6, $0x6688, v12;
	v5 =	vsel vm5, $0x1210, v5  }
0x26: {  	s10 =	rddreg [dreg:$0x7];
	v6 =	vsel vm5, $0x3410, v6;
	v7 =	vsel vm5, $0x5610, v7;
	v8 =	vsel vm5, $0x7810, v8  }
0x27: {  	s4 =	srdreg.scid;
	s7 =	stileid.u32;
	s3 =	simm.s32 $0x0;
	v9 =	vsel vm5, $0x110, v9;
	v10 =	vsel vm5, $0x2310, v10;
	v11 =	vsel vm5, $0x4510, v11  }
0x28: {  	s18 =	simm.s32 $0x5;
	s19 =	simm.s32 $0x200;
	s28 =	simm.s32 $0x18300;
	v12 =	vsel vm5, $0x6710, v12;
	v5 =	vsel vm4, $0x1298, v5;
	v6 =	vsel vm4, $0x3498, v6  }
0x29: {  	s29 =	simm.s32 $0x3;
	s30 =	simm.s32 $0x4;
	s31 =	simm.s32 $0x1;
	v7 =	vsel vm4, $0x5698, v7;
	v8 =	vsel vm4, $0x7898, v8;
	v9 =	vsel vm4, $0x198, v9  }
0x2a: {  	s4 =	sand.u32 $0x1, s4;
	s7 =	sshll.u32 s7, $0x1;
	[smem:$0x7FF] =	sst s3;
	v10 =	vsel vm4, $0x2398, v10;
	v11 =	vsel vm4, $0x4598, v11;
	v12 =	vsel vm4, $0x6798, v12  }
0x2b: {  	s8 =	ssub.s32 $0x2, s4;
	s11 =	sor.u32 s4, s7;
	_ =	strace $0x80000047;
	v5 =	vsel vm2, $0x1320, v5;
	v6 =	vsel vm2, $0x3520, v6;
	v7 =	vsel vm2, $0x5720, v7  }
0x2c: {  	s25 =	sshrl.u32 s8, $0x1;
	s12 =	sshll.u32 s11, $0x6;
	s26 =	sshll.u32 s11, $0x9;
	v8 =	vsel vm2, $0x7920, v8;
	v9 =	vsel vm2, $0x220, v9;
	v10 =	vsel vm2, $0x2420, v10  }
0x2d: {  	s17 =	ssub.s32 s8, s25;
	s4 =	sadd.s32 s1, s12;
	s5 =	sadd.s32 s5, s12;
	v11 =	vsel vm2, $0x4620, v11;
	v12 =	vsel vm2, $0x6820, v12;
	v5 =	vsel vm3, $0x13A8, v5  }
0x2e: {  	s6 =	sadd.s32 s6, s12;
	s7 =	sadd.s32 s2, s12;
	s8 =	sadd.s32 s0, s12;
	v6 =	vsel vm3, $0x35A8, v6;
	v7 =	vsel vm3, $0x57A8, v7;
	v8 =	vsel vm3, $0x79A8, v8  }
0x2f: {  	s9 =	sadd.s32 s9, s12;
	s10 =	sadd.s32 s10, s26;
	s25 =	simm.s32 $0x2;
	v9 =	vsel vm3, $0x2A8, v9;
	v10 =	vsel vm3, $0x24A8, v10;
	v11 =	vsel vm3, $0x46A8, v11  }
0x30: {  	s26 =	simm.s32 $0x10C00;
	s1 =	simm.s32 $0x0;
	s11 =	sadd.s32 $0x54000, s10;
	v12 =	vsel vm3, $0x68A8, v12;
	v5 =	vsel vm1, $0x1430, v5;
	v6 =	vsel vm1, $0x3630, v6  }
0x31: {  	s12 =	sadd.s32 $0x70000, s10;
	s13 =	sadd.s32 $0x8C000, s10;
	s14 =	sadd.s32 $0xA8000, s10;
	v7 =	vsel vm1, $0x5830, v7;
	v8 =	vsel vm1, $0x7A30, v8;
	v9 =	vsel vm1, $0x330, v9  }
0x32: {  	s15 =	sadd.s32 $0x1C000, s10;
	s16 =	sadd.s32 $0x38000, s10;
	s17 =	smax.u32 s17, $0x1;
	v10 =	vsel vm1, $0x2530, v10;
	v11 =	vsel vm1, $0x4730, v11;
	v12 =	vsel vm1, $0x6930, v12  }
.LBB2_1:
0x33: {  	[tilespmem:s3], [sflag:$0x5] =	stream.linear.gather [hbm4b:s4+s3], $0x200, $0x38;
	[tilespmem:$0x1FA00] =	vst v63  }
0x34: {  	_ =	swait.ge [sflag:s18], $0x200  }
0x35: {  	[sflag:s18] =	ssyncset.done $0x0  }
0x36: {  	[sflag:s18] =	ssyncadd.s32 $0xFFFFFE00  }
0x37: {  	s2 =	simm.s32 $0xC00;
	s0 =	rddreg [dreg:$0x6]  }
0x38: {  	[tilespmem:s2], [sflag:$0x1] =	stream.indirect.gather [hbm4b:s0+s19], $0x80, s3, s19, $0xb8;
	[tilespmem:$0x1FA00] =	vst v63  }
0x39: {  	s2 =	simm.s32 $0x800  }
0x3a: {  	[tilespmem:s2], [sflag:$0x2] =	stream.linear.gather [hbm4b:s5+s3], $0x200, $0x38;
	[tilespmem:$0x1FA00] =	vst v63  }
0x3b: {  	s20 =	simm.s32 $0xA00  }
0x3c: {  	[tilespmem:s20], [sflag:$0x2] =	stream.linear.gather [hbm4b:s6+s3], $0x200, $0x38;
	[tilespmem:$0x1FA00] =	vst v63  }
0x3d: {  	_ = 	snop  }
0x3e: {  	[tilespmem:s19], [sflag:$0x2] =	stream.linear.gather [hbm4b:s7+s3], $0x200, $0x38;
	[tilespmem:$0x1FA00] =	vst v63  }
0x3f: {  	s21 =	simm.s32 $0x400;
	s22 =	simm.s32 $0x600  }
0x40: {  	[tilespmem:s21], [sflag:$0x2] =	stream.linear.gather [hbm4b:s8+s3], $0x200, $0x38;
	[tilespmem:$0x1FA00] =	vst v63  }
0x41: {  	s23 =	simm.s32 $0x0;
	s0 =	simm.s32 $0x0;
	s20 =	simm.s32 $0x0  }
0x42: {  	[tilespmem:s22], [sflag:$0x2] =	stream.linear.gather [hbm4b:s9+s3], $0x200, $0x38;
	[tilespmem:$0x1FA00] =	vst v63  }
0x43: {  	s2 =	smul.u32 $0x4400, s23;
	s20 =	sand.u32 $0x3, s20;
	_ =	swait.ge [sflag:s25], $0x200  }
0x44: {  	s20 =	smul.u32 $0x1100, s20;
	s21 =	sand.u32 $0x6, s0;
	[sflag:s25] =	ssyncset.done $0x0  }
0x45: {  	s21 =	smul.u32 $0x220, s21;
	[sflag:s25] =	ssyncadd.s32 $0xFFFFFE00  }
0x46: {  	s2 =	sshra.s32 s2, $0x2;
	s20 =	sshrl.u32 s20, $0x2;
	_ =	swait.ge [sflag:s25], $0x200  }
0x47: {  	s2 =	sadd.s32 s2, s20;
	s24 =	sshrl.u32 s21, $0x2;
	[sflag:s25] =	ssyncset.done $0x0  }
0x48: {  	s20 =	sadd.s32 s24, s2;
	[sflag:s25] =	ssyncadd.s32 $0xFFFFFE00  }
0x49: {  	s2 =	sadd.s32 $0x10C00, s20;
	[tilespmem:s20+$0x10C00] =	vst v1  }
0x4a: {  	[tilespmem:s2+$0xF8] =	vst v1  }
0x4b: {  	[tilespmem:s2+$0x10] =	vst v1  }
0x4c: {  	[tilespmem:s2+$0x20] =	vst v1  }
0x4d: {  	[tilespmem:s2+$0x30] =	vst v1  }
0x4e: {  	[tilespmem:s2+$0x40] =	vst v1  }
0x4f: {  	[tilespmem:s2+$0x50] =	vst v1  }
0x50: {  	[tilespmem:s2+$0x60] =	vst v1  }
.LBB2_2:
0x51: {  	s0 =	sadd.s32 $0x2, s0;
	[tilespmem:s2+$0x70] =	vst v1  }
0x52: {  	s20 =	sshrl.u32 s0, $0x5;
	s21 =	sshrl.u32 s0, $0x3;
	p0 =	slt.u32 s0, $0xDE;
	[tilespmem:s2+$0x88] =	vst v1  }
0x53: {  	s21 =	sand.u32 $0x3, s21;
	s20 =	smul.u32 $0x4400, s20;
	[tilespmem:s2+$0x98] =	vst v1  }
0x54: {  	s22 =	sand.u32 $0x6, s0;
	s21 =	smul.u32 $0x1100, s21;
	[tilespmem:s2+$0xA8] =	vst v1  }
0x55: {  	s22 =	smul.u32 $0x220, s22;
	[tilespmem:s2+$0xB8] =	vst v1  }
0x56: {  	s20 =	sshra.s32 s20, $0x2;
	s21 =	sshrl.u32 s21, $0x2;
	[tilespmem:s2+$0xC8] =	vst v1  }
0x57: {  	s20 =	sadd.s32 s20, s21;
	s21 =	sshrl.u32 s22, $0x2;
	[tilespmem:s2+$0xD8] =	vst v1  }
0x58: {  	s20 =	sadd.s32 s21, s20;
	[tilespmem:s2+$0xE8] =	vst v1  }
0x59: {  	s2 =	sadd.s32 $0x10C00, s20;
	[tilespmem:s20+$0x10C00] =	vst v1  }
0x5a: {  	s20 =	simm.s32 $0x0;
	[tilespmem:s2+$0xF8] =	vst v1  }
0x5b: {  	[tilespmem:s2+$0x10] =	vst v1  }
.Ltmp0:
0x5c: {  	[tilespmem:s2+$0x20] =	vst v1;
	(pc) =	sbr.rel @p0 .LBB2_2-.Ltmp0, $4  }
0x5d: {  	[tilespmem:s2+$0x30] =	vst v1  }
0x5e: {  	[tilespmem:s2+$0x40] =	vst v1  }
0x5f: {  	[tilespmem:s2+$0x50] =	vst v1  }
0x60: {  	[tilespmem:s2+$0x60] =	vst v1  }
0x61: {  	[tilespmem:s2+$0x70] =	vst v1  }
0x62: {  	[tilespmem:s2+$0x88] =	vst v1  }
0x63: {  	[tilespmem:s2+$0x98] =	vst v1  }
0x64: {  	[tilespmem:s2+$0xA8] =	vst v1  }
0x65: {  	[tilespmem:s2+$0xB8] =	vst v1  }
0x66: {  	[tilespmem:s2+$0xC8] =	vst v1;
	s0 =	simm.s32 $0x0  }
0x67: {  	[tilespmem:s2+$0xD8] =	vst v1;
	s20 =	sand.u32 $0x70, s20;
	s0 =	sand.u32 $0x3FFFFF80, s0  }
0x68: {  	[tilespmem:s2+$0xE8] =	vst v1;
	s0 =	sor.u32 s20, s0  }
0x69: {  	v13 =	vld [tilespmem:s0+$0x800];
	_ =	sdelay $0x1  }
0x6a: {  	s24 =	simm.s32 $0x0  }
0x6b: {  	v14 =	vmov s24  }
0x6c: {  	v14 =	vmul.u32 $0x440, v14  }
0x6d: {  	v15 =	vadd.s32 $0xFFFFFFDB, v13  }
0x6e: {  	v14 =	vadd.s32 s20, v14;
	v13 =	vadd.s32 $0x3, v13;
	v16 =	vshrl.u32 v15, $0x3  }
0x6f: {  	v14 =	vbroadcast v14, $0x0;
	v13 =	vand.u32 $0x7, v13;
	v16 =	vmul.u32 $0x1100, v16  }
0x70: {  	v13 =	vmul.u32 $0x88, v13  }
0x71: {  	v14 =	vadd.s32 v14, v16  }
0x72: {  	vm1 =	vlt.u32 v15, $0x38;
	v13 =	vadd.s32 v13, v14  }
0x73: {  	v13 =	vadd.s32 v0, v13;
	_ =	sdelay $0x1  }
0x74: {  	s21 =	simm.s32 $0x10  }
0x75: {  	s2 =	simm.s32 $0x10;
	s0 =	simm.s32 $0x1;
	s20 =	simm.s32 $0x2  }
.LBB2_4:
0x76: {  	p0 =	sne.s32 s20, $0x1F;
	s22 =	sand.u32 $0x70, s2;
	s21 =	sand.u32 $0x3FFFFF80, s21  }
0x77: {  	s21 =	sor.u32 s22, s21;
	[tilespmem:v13+s26+$0x0] =	vst.idx.msk vm1, v2  }
0x78: {  	v13 =	vld [tilespmem:s21+$0x800];
	_ =	sdelay $0x1  }
0x79: {  	s21 =	sshrl.u32 s0, $0x3;
	s0 =	smov.u32 s20  }
0x7a: {  	v14 =	vmov s21  }
0x7b: {  	v14 =	vmul.u32 $0x440, v14  }
0x7c: {  	v15 =	vadd.s32 $0xFFFFFFDB, v13  }
0x7d: {  	v14 =	vadd.s32 s22, v14;
	v13 =	vadd.s32 $0x3, v13;
	v16 =	vshrl.u32 v15, $0x3  }
0x7e: {  	v14 =	vbroadcast v14, $0x0;
	v13 =	vand.u32 $0x7, v13;
	v16 =	vmul.u32 $0x1100, v16  }
0x7f: {  	v13 =	vmul.u32 $0x88, v13  }
0x80: {  	v14 =	vadd.s32 v14, v16  }
.Ltmp1:
0x81: {  	vm1 =	vlt.u32 v15, $0x38;
	v13 =	vadd.s32 v13, v14;
	(pc) =	sbr.rel @p0 .LBB2_4-.Ltmp1, $2  }
0x82: {  	v13 =	vadd.s32 v0, v13;
	_ =	sdelay $0x2  }
0x83: {  	s2 =	sadd.s32 $0x10, s2;
	s20 =	sadd.s32 $0x1, s20;
	s21 =	sshll.u32 s0, $0x4  }
0x84: {  	_ =	sdelay $0x3  }
0x85: {  	s2 =	sand.u32 $0x70, s2;
	s20 =	sand.u32 $0x3FFFFF80, s21  }
0x86: {  	[tilespmem:v13+s26+$0x0] =	vst.idx.msk vm1, v2;
	s20 =	sor.u32 s2, s20  }
0x87: {  	v13 =	vld [tilespmem:s20+$0x800];
	_ =	sdelay $0x1  }
0x88: {  	s0 =	sshrl.u32 s0, $0x3  }
0x89: {  	v14 =	vmov s0  }
0x8a: {  	v14 =	vmul.u32 $0x440, v14  }
0x8b: {  	v15 =	vadd.s32 $0xFFFFFFDB, v13  }
0x8c: {  	v14 =	vadd.s32 s2, v14;
	v13 =	vadd.s32 $0x3, v13;
	v16 =	vshrl.u32 v15, $0x3  }
0x8d: {  	v14 =	vbroadcast v14, $0x0;
	v13 =	vand.u32 $0x7, v13;
	v16 =	vmul.u32 $0x1100, v16  }
0x8e: {  	v13 =	vmul.u32 $0x88, v13  }
0x8f: {  	v14 =	vadd.s32 v14, v16  }
0x90: {  	vm1 =	vlt.u32 v15, $0x38;
	v13 =	vadd.s32 v13, v14  }
0x91: {  	v13 =	vadd.s32 v0, v13;
	_ =	sdelay $0x3  }
0x92: {  	s21 =	sadd.s32 $0x0, s11  }
0x93: {  	s0 =	simm.s32 $0x10C00;
	s20 =	simm.s32 $0x10C88;
	s2 =	simm.s32 $0x10;
	[tilespmem:v13+s26+$0x0] =	vst.idx.msk vm1, v2  }
.LBB2_6:
0x94: {  	[hbm4b:s21+s3] =	stream.linear.scatter [tilespmem:s0], [sflag:$0x3], $0x80, $0x38;
	[tilespmem:$0x1FA00] =	vst v63  }
0x95: {  	s21 =	smov.u32 s2;
	s0 =	smov.u32 s20;
	p0 =	sne.s32 s2, $0x1F0  }
.Ltmp2:
0x96: {  	s2 =	sadd.s32 $0x10, s2;
	(pc) =	sbr.rel @p0 .LBB2_6-.Ltmp2, $2  }
0x97: {  	_ =	sdelay $0x2  }
0x98: {  	s20 =	sadd.s32 $0x88, s20;
	s21 =	sadd.s32 s21, s11  }
0x99: {  	[hbm4b:s21+s3] =	stream.linear.scatter [tilespmem:s0], [sflag:$0x3], $0x80, $0x38;
	[tilespmem:$0x1FA00] =	vst v63  }
0x9a: {  	s0 =	sadd.s32 $0x4000, s11;
	s2 =	simm.s32 $0x11D00  }
0x9b: {  	s20 =	simm.s32 $0x10;
	s21 =	simm.s32 $0x11D88;
	s22 =	sadd.s32 $0x0, s0  }
.LBB2_8:
0x9c: {  	[hbm4b:s22+s3] =	stream.linear.scatter [tilespmem:s2], [sflag:$0x3], $0x80, $0x38;
	[tilespmem:$0x1FA00] =	vst v63  }
0x9d: {  	s22 =	smov.u32 s20;
	s2 =	smov.u32 s21;
	p0 =	sne.s32 s20, $0x1F0  }
.Ltmp3:
0x9e: {  	s20 =	sadd.s32 $0x10, s20;
	(pc) =	sbr.rel @p0 .LBB2_8-.Ltmp3, $2  }
0x9f: {  	_ =	sdelay $0x2  }
0xa0: {  	s21 =	sadd.s32 $0x88, s21;
	s22 =	sadd.s32 s22, s0  }
0xa1: {  	[hbm4b:s22+s3] =	stream.linear.scatter [tilespmem:s2], [sflag:$0x3], $0x80, $0x38;
	[tilespmem:$0x1FA00] =	vst v63  }
0xa2: {  	s0 =	sadd.s32 $0x8000, s11;
	s2 =	simm.s32 $0x12E00  }
0xa3: {  	s20 =	simm.s32 $0x10;
	s21 =	simm.s32 $0x12E88;
	s22 =	sadd.s32 $0x0, s0  }
.LBB2_10:
0xa4: {  	[hbm4b:s22+s3] =	stream.linear.scatter [tilespmem:s2], [sflag:$0x3], $0x80, $0x38;
	[tilespmem:$0x1FA00] =	vst v63  }
0xa5: {  	s22 =	smov.u32 s20;
	s2 =	smov.u32 s21;
	p0 =	sne.s32 s20, $0x1F0  }
.Ltmp4:
0xa6: {  	s20 =	sadd.s32 $0x10, s20;
	(pc) =	sbr.rel @p0 .LBB2_10-.Ltmp4, $2  }
0xa7: {  	_ =	sdelay $0x2  }
0xa8: {  	s21 =	sadd.s32 $0x88, s21;
	s22 =	sadd.s32 s22, s0  }
0xa9: {  	[hbm4b:s22+s3] =	stream.linear.scatter [tilespmem:s2], [sflag:$0x3], $0x80, $0x38;
	[tilespmem:$0x1FA00] =	vst v63  }
0xaa: {  	s0 =	sadd.s32 $0xC000, s11;
	s2 =	simm.s32 $0x13F00  }
0xab: {  	s20 =	simm.s32 $0x10;
	s21 =	simm.s32 $0x13F88;
	s22 =	sadd.s32 $0x0, s0  }
.LBB2_12:
0xac: {  	[hbm4b:s22+s3] =	stream.linear.scatter [tilespmem:s2], [sflag:$0x3], $0x80, $0x38;
	[tilespmem:$0x1FA00] =	vst v63  }
0xad: {  	s22 =	smov.u32 s20;
	s2 =	smov.u32 s21;
	p0 =	sne.s32 s20, $0x1F0  }
.Ltmp5:
0xae: {  	s20 =	sadd.s32 $0x10, s20;
	(pc) =	sbr.rel @p0 .LBB2_12-.Ltmp5, $2  }
0xaf: {  	_ =	sdelay $0x2  }
0xb0: {  	s21 =	sadd.s32 $0x88, s21;
	s22 =	sadd.s32 s22, s0  }
0xb1: {  	[hbm4b:s22+s3] =	stream.linear.scatter [tilespmem:s2], [sflag:$0x3], $0x80, $0x38;
	[tilespmem:$0x1FA00] =	vst v63  }
0xb2: {  	s0 =	sadd.s32 $0x10000, s11;
	s2 =	simm.s32 $0x15000  }
0xb3: {  	s20 =	simm.s32 $0x10;
	s21 =	simm.s32 $0x15088;
	s22 =	sadd.s32 $0x0, s0  }
.LBB2_14:
0xb4: {  	[hbm4b:s22+s3] =	stream.linear.scatter [tilespmem:s2], [sflag:$0x3], $0x80, $0x38;
	[tilespmem:$0x1FA00] =	vst v63  }
0xb5: {  	s22 =	smov.u32 s20;
	s2 =	smov.u32 s21;
	p0 =	sne.s32 s20, $0x1F0  }
.Ltmp6:
0xb6: {  	s20 =	sadd.s32 $0x10, s20;
	(pc) =	sbr.rel @p0 .LBB2_14-.Ltmp6, $2  }
0xb7: {  	_ =	sdelay $0x2  }
0xb8: {  	s21 =	sadd.s32 $0x88, s21;
	s22 =	sadd.s32 s22, s0  }
0xb9: {  	[hbm4b:s22+s3] =	stream.linear.scatter [tilespmem:s2], [sflag:$0x3], $0x80, $0x38;
	[tilespmem:$0x1FA00] =	vst v63  }
0xba: {  	s0 =	sadd.s32 $0x14000, s11;
	s2 =	simm.s32 $0x16100  }
0xbb: {  	s20 =	simm.s32 $0x10;
	s21 =	simm.s32 $0x16188;
	s22 =	sadd.s32 $0x0, s0  }
.LBB2_16:
0xbc: {  	[hbm4b:s22+s3] =	stream.linear.scatter [tilespmem:s2], [sflag:$0x3], $0x80, $0x38;
	[tilespmem:$0x1FA00] =	vst v63  }
0xbd: {  	s22 =	smov.u32 s20;
	s2 =	smov.u32 s21;
	p0 =	sne.s32 s20, $0x1F0  }
.Ltmp7:
0xbe: {  	s20 =	sadd.s32 $0x10, s20;
	(pc) =	sbr.rel @p0 .LBB2_16-.Ltmp7, $2  }
0xbf: {  	_ =	sdelay $0x2  }
0xc0: {  	s21 =	sadd.s32 $0x88, s21;
	s22 =	sadd.s32 s22, s0  }
0xc1: {  	[hbm4b:s22+s3] =	stream.linear.scatter [tilespmem:s2], [sflag:$0x3], $0x80, $0x38;
	[tilespmem:$0x1FA00] =	vst v63  }
0xc2: {  	s0 =	sadd.s32 $0x18000, s11;
	s2 =	simm.s32 $0x0;
	s20 =	simm.s32 $0x17200  }
.LBB2_18:
0xc3: {  	p0 =	sne.s32 s2, $0x1F0  }
.Ltmp8:
0xc4: {  	_ = 	snop;
	(pc) =	sbr.rel @p0 .LBB2_18-.Ltmp8, $4  }
0xc5: {  	_ = 	snop  }
0xc6: {  	s21 =	sadd.s32 s2, s0  }
0xc7: {  	[hbm4b:s21+s3] =	stream.linear.scatter [tilespmem:s20], [sflag:$0x3], $0x80, $0x38;
	[tilespmem:$0x1FA00] =	vst v63  }
0xc8: {  	s2 =	sadd.s32 $0x10, s2;
	s20 =	sadd.s32 $0x88, s20  }
0xc9: {  	s2 =	simm.s32 $0x0;
	s20 =	simm.s32 $0x0  }
0xca: {  	s0 =	simm.s32 $0x0;
	s20 =	sand.u32 $0x3, s20;
	s2 =	smul.u32 $0x4400, s2  }
0xcb: {  	s21 =	sand.u32 $0x6, s0;
	s20 =	smul.u32 $0x1100, s20  }
0xcc: {  	s21 =	smul.u32 $0x220, s21  }
0xcd: {  	s2 =	sshra.s32 s2, $0x2;
	s20 =	sshrl.u32 s20, $0x2  }
0xce: {  	s24 =	sshrl.u32 s21, $0x2;
	s2 =	sadd.s32 s2, s20  }
0xcf: {  	s20 =	sadd.s32 s24, s2  }
0xd0: {  	s2 =	sadd.s32 $0x18300, s20;
	[tilespmem:s20+$0x18300] =	vst v1  }
0xd1: {  	[tilespmem:s2+$0xF8] =	vst v1  }
0xd2: {  	[tilespmem:s2+$0x10] =	vst v1  }
0xd3: {  	[tilespmem:s2+$0x20] =	vst v1  }
0xd4: {  	[tilespmem:s2+$0x30] =	vst v1  }
0xd5: {  	[tilespmem:s2+$0x40] =	vst v1  }
0xd6: {  	[tilespmem:s2+$0x50] =	vst v1  }
0xd7: {  	[tilespmem:s2+$0x60] =	vst v1  }
.LBB2_20:
0xd8: {  	s0 =	sadd.s32 $0x2, s0;
	[tilespmem:s2+$0x70] =	vst v1  }
0xd9: {  	s20 =	sshrl.u32 s0, $0x5;
	s21 =	sshrl.u32 s0, $0x3;
	p0 =	slt.u32 s0, $0xDE;
	[tilespmem:s2+$0x88] =	vst v1  }
0xda: {  	s21 =	sand.u32 $0x3, s21;
	s20 =	smul.u32 $0x4400, s20;
	[tilespmem:s2+$0x98] =	vst v1  }
0xdb: {  	s22 =	sand.u32 $0x6, s0;
	s21 =	smul.u32 $0x1100, s21;
	[tilespmem:s2+$0xA8] =	vst v1  }
0xdc: {  	s22 =	smul.u32 $0x220, s22;
	[tilespmem:s2+$0xB8] =	vst v1  }
0xdd: {  	s20 =	sshra.s32 s20, $0x2;
	s21 =	sshrl.u32 s21, $0x2;
	[tilespmem:s2+$0xC8] =	vst v1  }
0xde: {  	s20 =	sadd.s32 s20, s21;
	s21 =	sshrl.u32 s22, $0x2;
	[tilespmem:s2+$0xD8] =	vst v1  }
0xdf: {  	s20 =	sadd.s32 s21, s20;
	[tilespmem:s2+$0xE8] =	vst v1  }
0xe0: {  	s2 =	sadd.s32 $0x18300, s20;
	[tilespmem:s20+$0x18300] =	vst v1  }
0xe1: {  	s20 =	simm.s32 $0x0;
	[tilespmem:s2+$0xF8] =	vst v1  }
0xe2: {  	[tilespmem:s2+$0x10] =	vst v1  }
.Ltmp9:
0xe3: {  	[tilespmem:s2+$0x20] =	vst v1;
	(pc) =	sbr.rel @p0 .LBB2_20-.Ltmp9, $4  }
0xe4: {  	[tilespmem:s2+$0x30] =	vst v1  }
0xe5: {  	[tilespmem:s2+$0x40] =	vst v1  }
0xe6: {  	[tilespmem:s2+$0x50] =	vst v1  }
0xe7: {  	[tilespmem:s2+$0x60] =	vst v1  }
0xe8: {  	[tilespmem:s2+$0x70] =	vst v1  }
0xe9: {  	[tilespmem:s2+$0x88] =	vst v1  }
0xea: {  	[tilespmem:s2+$0x98] =	vst v1  }
0xeb: {  	[tilespmem:s2+$0xA8] =	vst v1  }
0xec: {  	[tilespmem:s2+$0xB8] =	vst v1  }
0xed: {  	[tilespmem:s2+$0xC8] =	vst v1  }
0xee: {  	[tilespmem:s2+$0xD8] =	vst v1;
	s0 =	sand.u32 $0x70, s20;
	s21 =	simm.s32 $0x0  }
0xef: {  	[tilespmem:s2+$0xE8] =	vst v1;
	s22 =	sor.u32 s0, s21  }
0xf0: {  	s23 =	simm.s32 $0x0;
	v13 =	vld [tilespmem:s22+$0x800]  }
0xf1: {  	v14 =	vmov s23  }
0xf2: {  	v14 =	vmul.u32 $0x440, v14;
	_ =	sdelay $0x1  }
0xf3: {  	v15 =	vld [tilespmem:s22+$0xA00];
	v14 =	vadd.s32 s0, v14  }
0xf4: {  	v14 =	vbroadcast v14, $0x0;
	v16 =	vadd.s32 $0xFFFFFFA3, v13  }
0xf5: {  	v13 =	vadd.s32 $0x3, v13;
	v17 =	vshrl.u32 v16, $0x3  }
0xf6: {  	v14 =	vor.u32 v4, v14;
	v13 =	vand.u32 $0x7, v13;
	v17 =	vmul.u32 $0x1100, v17  }
0xf7: {  	v14 =	vor.u32 v3, v14;
	v13 =	vmul.u32 $0x88, v13  }
0xf8: {  	v63 =	vadd.s32 $0x23, v15;
	vm2 =	vlt.u32 v16, $0x38;
	v62 =	vadd.s32 v17, v14  }
0xf9: {  	v16 =	vadd.s32 v13, v62;
	v13 =	vadd.s32 $0x3, v15;
	v15 =	vshrl.u32 v63, $0x3  }
0xfa: {  	v13 =	vand.u32 $0x7, v13;
	v15 =	vmul.u32 $0x1100, v15  }
0xfb: {  	v13 =	vmul.u32 $0x88, v13  }
0xfc: {  	vm1 =	vlt.u32 v63, $0x38;
	v14 =	vadd.s32 v15, v14  }
0xfd: {  	v13 =	vadd.s32 v13, v14;
	_ =	sdelay $0x2  }
0xfe: {  	s24 =	simm.s32 $0x0;
	s0 =	simm.s32 $0x10  }
0xff: {  	s2 =	simm.s32 $0x2;
	s21 =	simm.s32 $0x0;
	s20 =	sand.u32 $0x70, s0;
	v14 =	vmov s24;
	[tilespmem:v16+s28+$0x0] =	vst.idx.msk vm2, v2  }
.LBB2_22:
0x100: {  	p0 =	sne.s32 s2, $0x1F;
	s21 =	sor.u32 s20, s21;
	v14 =	vmul.u32 $0x440, v14;
	[tilespmem:v13+s28+$0x0] =	vst.idx.msk vm1, v2  }
0x101: {  	v13 =	vld [tilespmem:s21+$0x800]  }
0x102: {  	v15 =	vld [tilespmem:s21+$0xA00];
	v14 =	vadd.s32 s20, v14  }
0x103: {  	v14 =	vbroadcast v14, $0x0;
	_ =	sdelay $0x1  }
0x104: {  	v14 =	vor.u32 v4, v14  }
0x105: {  	v16 =	vadd.s32 $0x3, v13;
	v13 =	vadd.s32 $0xFFFFFFA3, v13;
	v14 =	vor.u32 v3, v14  }
0x106: {  	v17 =	vshrl.u32 v13, $0x3;
	v16 =	vand.u32 $0x7, v16;
	v18 =	vadd.s32 $0x23, v15  }
0x107: {  	v15 =	vadd.s32 $0x3, v15;
	v17 =	vmul.u32 $0x1100, v17;
	v19 =	vshrl.u32 v18, $0x3  }
0x108: {  	v16 =	vmul.u32 $0x88, v16;
	v15 =	vand.u32 $0x7, v15;
	v19 =	vmul.u32 $0x1100, v19  }
0x109: {  	vm2 =	vlt.u32 v13, $0x38;
	v15 =	vmul.u32 $0x88, v15;
	v13 =	vadd.s32 v17, v14  }
0x10a: {  	vm1 =	vlt.u32 v18, $0x38;
	v16 =	vadd.s32 v16, v13;
	v13 =	vadd.s32 v19, v14  }
.Ltmp10:
0x10b: {  	v13 =	vadd.s32 v15, v13;
	(pc) =	sbr.rel @p0 .LBB2_22-.Ltmp10, $3  }
0x10c: {  	_ =	sdelay $0x1  }
0x10d: {  	s22 =	sshrl.u32 s2, $0x3;
	s0 =	sadd.s32 $0x10, s0  }
0x10e: {  	s2 =	sadd.s32 $0x1, s2;
	s20 =	sand.u32 $0x70, s0;
	s21 =	sshll.u32 s22, $0x7;
	v14 =	vmov s22;
	[tilespmem:v16+s28+$0x0] =	vst.idx.msk vm2, v2  }
0x10f: {  	_ =	sdelay $0x4  }
0x110: {  	s0 =	sor.u32 s20, s21;
	v14 =	vmul.u32 $0x440, v14;
	[tilespmem:v13+s28+$0x0] =	vst.idx.msk vm1, v2  }
0x111: {  	v13 =	vld [tilespmem:s0+$0x800]  }
0x112: {  	v15 =	vld [tilespmem:s0+$0xA00];
	v14 =	vadd.s32 s20, v14  }
0x113: {  	v14 =	vbroadcast v14, $0x0;
	_ =	sdelay $0x1  }
0x114: {  	v14 =	vor.u32 v4, v14  }
0x115: {  	v16 =	vadd.s32 $0x3, v13;
	v13 =	vadd.s32 $0xFFFFFFA3, v13;
	v14 =	vor.u32 v3, v14  }
0x116: {  	v18 =	vadd.s32 $0x23, v15;
	v15 =	vadd.s32 $0x3, v15;
	v17 =	vshrl.u32 v13, $0x3  }
0x117: {  	v16 =	vand.u32 $0x7, v16;
	v19 =	vshrl.u32 v18, $0x3;
	v17 =	vmul.u32 $0x1100, v17  }
0x118: {  	v15 =	vand.u32 $0x7, v15;
	v16 =	vmul.u32 $0x88, v16;
	v19 =	vmul.u32 $0x1100, v19  }
0x119: {  	vm1 =	vlt.u32 v13, $0x38;
	v15 =	vmul.u32 $0x88, v15;
	v13 =	vadd.s32 v17, v14  }
0x11a: {  	vm2 =	vlt.u32 v18, $0x38;
	v14 =	vadd.s32 v19, v14;
	v13 =	vadd.s32 v16, v13  }
0x11b: {  	v14 =	vadd.s32 v15, v14;
	_ =	sdelay $0x3  }
0x11c: {  	s2 =	simm.s32 $0x10;
	[tilespmem:v13+s28+$0x0] =	vst.idx.msk vm1, v2  }
0x11d: {  	s21 =	sadd.s32 $0x0, s12;
	s0 =	simm.s32 $0x18300;
	s20 =	simm.s32 $0x18388;
	[tilespmem:v14+s28+$0x0] =	vst.idx.msk vm2, v2  }
.LBB2_24:
0x11e: {  	[hbm4b:s21+s3] =	stream.linear.scatter [tilespmem:s0], [sflag:$0x4], $0x80, $0x38;
	[tilespmem:$0x1FA00] =	vst v63  }
0x11f: {  	s21 =	smov.u32 s2;
	s0 =	smov.u32 s20;
	p0 =	sne.s32 s2, $0x1F0  }
.Ltmp11:
0x120: {  	s2 =	sadd.s32 $0x10, s2;
	(pc) =	sbr.rel @p0 .LBB2_24-.Ltmp11, $2  }
0x121: {  	_ =	sdelay $0x2  }
0x122: {  	s20 =	sadd.s32 $0x88, s20;
	s21 =	sadd.s32 s21, s12  }
0x123: {  	[hbm4b:s21+s3] =	stream.linear.scatter [tilespmem:s0], [sflag:$0x4], $0x80, $0x38;
	[tilespmem:$0x1FA00] =	vst v63  }
0x124: {  	s0 =	sadd.s32 $0x4000, s12;
	s2 =	simm.s32 $0x19400  }
0x125: {  	s20 =	simm.s32 $0x10;
	s21 =	simm.s32 $0x19488;
	s22 =	sadd.s32 $0x0, s0  }
.LBB2_26:
0x126: {  	[hbm4b:s22+s3] =	stream.linear.scatter [tilespmem:s2], [sflag:$0x4], $0x80, $0x38;
	[tilespmem:$0x1FA00] =	vst v63  }
0x127: {  	s22 =	smov.u32 s20;
	s2 =	smov.u32 s21;
	p0 =	sne.s32 s20, $0x1F0  }
.Ltmp12:
0x128: {  	s20 =	sadd.s32 $0x10, s20;
	(pc) =	sbr.rel @p0 .LBB2_26-.Ltmp12, $2  }
0x129: {  	_ =	sdelay $0x2  }
0x12a: {  	s21 =	sadd.s32 $0x88, s21;
	s22 =	sadd.s32 s22, s0  }
0x12b: {  	[hbm4b:s22+s3] =	stream.linear.scatter [tilespmem:s2], [sflag:$0x4], $0x80, $0x38;
	[tilespmem:$0x1FA00] =	vst v63  }
0x12c: {  	s0 =	sadd.s32 $0x8000, s12;
	s2 =	simm.s32 $0x1A500  }
0x12d: {  	s20 =	simm.s32 $0x10;
	s21 =	simm.s32 $0x1A588;
	s22 =	sadd.s32 $0x0, s0  }
.LBB2_28:
0x12e: {  	[hbm4b:s22+s3] =	stream.linear.scatter [tilespmem:s2], [sflag:$0x4], $0x80, $0x38;
	[tilespmem:$0x1FA00] =	vst v63  }
0x12f: {  	s22 =	smov.u32 s20;
	s2 =	smov.u32 s21;
	p0 =	sne.s32 s20, $0x1F0  }
.Ltmp13:
0x130: {  	s20 =	sadd.s32 $0x10, s20;
	(pc) =	sbr.rel @p0 .LBB2_28-.Ltmp13, $2  }
0x131: {  	_ =	sdelay $0x2  }
0x132: {  	s21 =	sadd.s32 $0x88, s21;
	s22 =	sadd.s32 s22, s0  }
0x133: {  	[hbm4b:s22+s3] =	stream.linear.scatter [tilespmem:s2], [sflag:$0x4], $0x80, $0x38;
	[tilespmem:$0x1FA00] =	vst v63  }
0x134: {  	s0 =	sadd.s32 $0xC000, s12;
	s2 =	simm.s32 $0x1B600  }
0x135: {  	s20 =	simm.s32 $0x10;
	s21 =	simm.s32 $0x1B688;
	s22 =	sadd.s32 $0x0, s0  }
.LBB2_30:
0x136: {  	[hbm4b:s22+s3] =	stream.linear.scatter [tilespmem:s2], [sflag:$0x4], $0x80, $0x38;
	[tilespmem:$0x1FA00] =	vst v63  }
0x137: {  	s22 =	smov.u32 s20;
	s2 =	smov.u32 s21;
	p0 =	sne.s32 s20, $0x1F0  }
.Ltmp14:
0x138: {  	s20 =	sadd.s32 $0x10, s20;
	(pc) =	sbr.rel @p0 .LBB2_30-.Ltmp14, $2  }
0x139: {  	_ =	sdelay $0x2  }
0x13a: {  	s21 =	sadd.s32 $0x88, s21;
	s22 =	sadd.s32 s22, s0  }
0x13b: {  	[hbm4b:s22+s3] =	stream.linear.scatter [tilespmem:s2], [sflag:$0x4], $0x80, $0x38;
	[tilespmem:$0x1FA00] =	vst v63  }
0x13c: {  	s0 =	sadd.s32 $0x10000, s12;
	s2 =	simm.s32 $0x1C700  }
0x13d: {  	s20 =	simm.s32 $0x10;
	s21 =	simm.s32 $0x1C788;
	s22 =	sadd.s32 $0x0, s0  }
.LBB2_32:
0x13e: {  	[hbm4b:s22+s3] =	stream.linear.scatter [tilespmem:s2], [sflag:$0x4], $0x80, $0x38;
	[tilespmem:$0x1FA00] =	vst v63  }
0x13f: {  	s22 =	smov.u32 s20;
	s2 =	smov.u32 s21;
	p0 =	sne.s32 s20, $0x1F0  }
.Ltmp15:
0x140: {  	s20 =	sadd.s32 $0x10, s20;
	(pc) =	sbr.rel @p0 .LBB2_32-.Ltmp15, $2  }
0x141: {  	_ =	sdelay $0x2  }
0x142: {  	s21 =	sadd.s32 $0x88, s21;
	s22 =	sadd.s32 s22, s0  }
0x143: {  	[hbm4b:s22+s3] =	stream.linear.scatter [tilespmem:s2], [sflag:$0x4], $0x80, $0x38;
	[tilespmem:$0x1FA00] =	vst v63  }
0x144: {  	s0 =	sadd.s32 $0x14000, s12;
	s2 =	simm.s32 $0x1D800  }
0x145: {  	s20 =	simm.s32 $0x10;
	s21 =	simm.s32 $0x1D888;
	s22 =	sadd.s32 $0x0, s0  }
.LBB2_34:
0x146: {  	[hbm4b:s22+s3] =	stream.linear.scatter [tilespmem:s2], [sflag:$0x4], $0x80, $0x38;
	[tilespmem:$0x1FA00] =	vst v63  }
0x147: {  	s22 =	smov.u32 s20;
	s2 =	smov.u32 s21;
	p0 =	sne.s32 s20, $0x1F0  }
.Ltmp16:
0x148: {  	s20 =	sadd.s32 $0x10, s20;
	(pc) =	sbr.rel @p0 .LBB2_34-.Ltmp16, $2  }
0x149: {  	_ =	sdelay $0x2  }
0x14a: {  	s21 =	sadd.s32 $0x88, s21;
	s22 =	sadd.s32 s22, s0  }
0x14b: {  	[hbm4b:s22+s3] =	stream.linear.scatter [tilespmem:s2], [sflag:$0x4], $0x80, $0x38;
	[tilespmem:$0x1FA00] =	vst v63  }
0x14c: {  	s0 =	sadd.s32 $0x18000, s12;
	s2 =	simm.s32 $0x1E900  }
0x14d: {  	s20 =	simm.s32 $0x10;
	s21 =	simm.s32 $0x1E988;
	s22 =	sadd.s32 $0x0, s0  }
.LBB2_36:
0x14e: {  	[hbm4b:s22+s3] =	stream.linear.scatter [tilespmem:s2], [sflag:$0x4], $0x80, $0x38;
	[tilespmem:$0x1FA00] =	vst v63  }
0x14f: {  	s22 =	smov.u32 s20;
	s2 =	smov.u32 s21;
	p0 =	sne.s32 s20, $0x1F0  }
.Ltmp17:
0x150: {  	s20 =	sadd.s32 $0x10, s20;
	(pc) =	sbr.rel @p0 .LBB2_36-.Ltmp17, $2  }
0x151: {  	_ =	sdelay $0x2  }
0x152: {  	s21 =	sadd.s32 $0x88, s21;
	s22 =	sadd.s32 s22, s0  }
0x153: {  	[hbm4b:s22+s3] =	stream.linear.scatter [tilespmem:s2], [sflag:$0x4], $0x80, $0x38;
	[tilespmem:$0x1FA00] =	vst v63  }
0x154: {  	s0 =	simm.s32 $0x0;
	s24 =	simm.s32 $0x0;
	_ =	swait.ge [sflag:s29], $0x7000  }
0x155: {  	s0 =	sand.u32 $0x70, s0;
	s2 =	sand.u32 $0x3FFFFF80, s24;
	[sflag:s29] =	ssyncset.done $0x0  }
0x156: {  	s2 =	sor.u32 s0, s2;
	[sflag:s29] =	ssyncadd.s32 $0xFFFF9000  }
0x157: {  	v13 =	vld [tilespmem:s2+$0x800];
	_ =	sdelay $0x1  }
0x158: {  	s20 =	simm.s32 $0x0  }
0x159: {  	v14 =	vmov s20  }
0x15a: {  	v14 =	vmul.u32 $0x440, v14  }
0x15b: {  	v15 =	vadd.s32 $0xFFFFFFDB, v13  }
0x15c: {  	v14 =	vadd.s32 s0, v14;
	v13 =	vadd.s32 $0x3, v13;
	v16 =	vshrl.u32 v15, $0x3  }
0x15d: {  	v17 =	vand.u32 $0x7, v13;
	v13 =	vbroadcast v14, $0x0;
	v16 =	vmul.u32 $0x1100, v16  }
0x15e: {  	v14 =	vmul.u32 $0x88, v17  }
0x15f: {  	v16 =	vadd.s32 v13, v16  }
0x160: {  	vm1 =	vlt.u32 v15, $0x38;
	v14 =	vadd.s32 v14, v16  }
0x161: {  	v14 =	vadd.s32 v0, v14;
	_ =	sdelay $0x1  }
0x162: {  	s23 =	simm.s32 $0x10;
	s22 =	simm.s32 $0x2  }
0x163: {  	s21 =	simm.s32 $0x10;
	s20 =	simm.s32 $0x1;
	s0 =	simm.s32 $0x1  }
.LBB2_38:
0x164: {  	p0 =	sne.s32 s22, $0x1F;
	s24 =	sand.u32 $0x70, s21;
	s23 =	sand.u32 $0x3FFFFF80, s23  }
0x165: {  	s23 =	sor.u32 s24, s23;
	[tilespmem:v14+s26+$0x0] =	vst.idx.msk vm1, v1  }
0x166: {  	v14 =	vld [tilespmem:s23+$0x800];
	_ =	sdelay $0x1  }
0x167: {  	s23 =	sshrl.u32 s20, $0x3;
	s20 =	smov.u32 s22  }
0x168: {  	v15 =	vmov s23  }
0x169: {  	v15 =	vmul.u32 $0x440, v15  }
0x16a: {  	v16 =	vadd.s32 $0xFFFFFFDB, v14  }
0x16b: {  	v15 =	vadd.s32 s24, v15;
	v14 =	vadd.s32 $0x3, v14;
	v17 =	vshrl.u32 v16, $0x3  }
0x16c: {  	v15 =	vbroadcast v15, $0x0;
	v14 =	vand.u32 $0x7, v14;
	v17 =	vmul.u32 $0x1100, v17  }
0x16d: {  	v14 =	vmul.u32 $0x88, v14  }
0x16e: {  	v15 =	vadd.s32 v15, v17  }
.Ltmp18:
0x16f: {  	vm1 =	vlt.u32 v16, $0x38;
	v14 =	vadd.s32 v14, v15;
	(pc) =	sbr.rel @p0 .LBB2_38-.Ltmp18, $2  }
0x170: {  	v14 =	vadd.s32 v0, v14;
	_ =	sdelay $0x2  }
0x171: {  	s21 =	sadd.s32 $0x10, s21;
	s22 =	sadd.s32 $0x1, s22;
	s23 =	sshll.u32 s20, $0x4  }
0x172: {  	_ =	sdelay $0x3  }
0x173: {  	s21 =	sand.u32 $0x70, s21;
	s22 =	sand.u32 $0x3FFFFF80, s23  }
0x174: {  	[tilespmem:v14+s26+$0x0] =	vst.idx.msk vm1, v1;
	s22 =	sor.u32 s21, s22  }
0x175: {  	v14 =	vld [tilespmem:s22+$0x800];
	_ =	sdelay $0x1  }
0x176: {  	s20 =	sshrl.u32 s20, $0x3  }
0x177: {  	v15 =	vmov s20  }
0x178: {  	v15 =	vmul.u32 $0x440, v15  }
0x179: {  	v16 =	vadd.s32 $0xFFFFFFDB, v14  }
0x17a: {  	v15 =	vadd.s32 s21, v15;
	v14 =	vadd.s32 $0x3, v14;
	v17 =	vshrl.u32 v16, $0x3  }
0x17b: {  	v15 =	vbroadcast v15, $0x0;
	v14 =	vand.u32 $0x7, v14;
	v17 =	vmul.u32 $0x1100, v17  }
0x17c: {  	v14 =	vmul.u32 $0x88, v14  }
0x17d: {  	v15 =	vadd.s32 v15, v17  }
0x17e: {  	vm1 =	vlt.u32 v16, $0x38;
	v14 =	vadd.s32 v14, v15  }
0x17f: {  	v14 =	vadd.s32 v0, v14;
	_ =	sdelay $0x4  }
0x180: {  	[tilespmem:v14+s26+$0x0] =	vst.idx.msk vm1, v1  }
0x181: {  	v14 =	vld [tilespmem:s2+$0xA00];
	_ =	sdelay $0x4  }
0x182: {  	v15 =	vadd.s32 $0xFFFFFFEB, v14  }
0x183: {  	v14 =	vadd.s32 $0x3, v14;
	v63 =	vshrl.u32 v15, $0x3  }
0x184: {  	v14 =	vand.u32 $0x7, v14;
	v16 =	vmul.u32 $0x1100, v63  }
0x185: {  	v14 =	vmul.u32 $0x88, v14  }
0x186: {  	v13 =	vadd.s32 v13, v16  }
0x187: {  	vm1 =	vlt.u32 v15, $0x38;
	v13 =	vadd.s32 v14, v13  }
0x188: {  	v13 =	vadd.s32 v0, v13;
	_ =	sdelay $0x2  }
0x189: {  	s20 =	simm.s32 $0x2;
	s21 =	simm.s32 $0x10;
	s2 =	simm.s32 $0x10  }
.LBB2_40:
0x18a: {  	p0 =	sne.s32 s20, $0x1F;
	s22 =	sand.u32 $0x70, s2;
	s21 =	sand.u32 $0x3FFFFF80, s21  }
0x18b: {  	s21 =	sor.u32 s22, s21;
	[tilespmem:v13+s26+$0x0] =	vst.idx.msk vm1, v2  }
0x18c: {  	v13 =	vld [tilespmem:s21+$0xA00];
	_ =	sdelay $0x1  }
0x18d: {  	s21 =	sshrl.u32 s0, $0x3;
	s0 =	smov.u32 s20  }
0x18e: {  	v14 =	vmov s21  }
0x18f: {  	v14 =	vmul.u32 $0x440, v14  }
0x190: {  	v15 =	vadd.s32 $0xFFFFFFEB, v13  }
0x191: {  	v14 =	vadd.s32 s22, v14;
	v13 =	vadd.s32 $0x3, v13;
	v16 =	vshrl.u32 v15, $0x3  }
0x192: {  	v14 =	vbroadcast v14, $0x0;
	v13 =	vand.u32 $0x7, v13;
	v16 =	vmul.u32 $0x1100, v16  }
0x193: {  	v13 =	vmul.u32 $0x88, v13  }
0x194: {  	v14 =	vadd.s32 v14, v16  }
.Ltmp19:
0x195: {  	vm1 =	vlt.u32 v15, $0x38;
	v13 =	vadd.s32 v13, v14;
	(pc) =	sbr.rel @p0 .LBB2_40-.Ltmp19, $2  }
0x196: {  	v13 =	vadd.s32 v0, v13;
	_ =	sdelay $0x2  }
0x197: {  	s2 =	sadd.s32 $0x10, s2;
	s20 =	sadd.s32 $0x1, s20;
	s21 =	sshll.u32 s0, $0x4  }
0x198: {  	_ =	sdelay $0x3  }
0x199: {  	s2 =	sand.u32 $0x70, s2;
	s20 =	sand.u32 $0x3FFFFF80, s21  }
0x19a: {  	[tilespmem:v13+s26+$0x0] =	vst.idx.msk vm1, v2;
	s20 =	sor.u32 s2, s20  }
0x19b: {  	v13 =	vld [tilespmem:s20+$0xA00];
	_ =	sdelay $0x1  }
0x19c: {  	s0 =	sshrl.u32 s0, $0x3  }
0x19d: {  	v14 =	vmov s0  }
0x19e: {  	v14 =	vmul.u32 $0x440, v14  }
0x19f: {  	v15 =	vadd.s32 $0xFFFFFFEB, v13  }
0x1a0: {  	v14 =	vadd.s32 s2, v14;
	v13 =	vadd.s32 $0x3, v13;
	v16 =	vshrl.u32 v15, $0x3  }
0x1a1: {  	v14 =	vbroadcast v14, $0x0;
	v13 =	vand.u32 $0x7, v13;
	v16 =	vmul.u32 $0x1100, v16  }
0x1a2: {  	v13 =	vmul.u32 $0x88, v13  }
0x1a3: {  	v14 =	vadd.s32 v14, v16  }
0x1a4: {  	vm1 =	vlt.u32 v15, $0x38;
	v13 =	vadd.s32 v13, v14  }
0x1a5: {  	v13 =	vadd.s32 v0, v13;
	_ =	sdelay $0x3  }
0x1a6: {  	s21 =	sadd.s32 $0x0, s13  }
0x1a7: {  	s0 =	simm.s32 $0x10C00;
	s20 =	simm.s32 $0x10C88;
	s2 =	simm.s32 $0x10;
	[tilespmem:v13+s26+$0x0] =	vst.idx.msk vm1, v2  }
.LBB2_42:
0x1a8: {  	[hbm4b:s21+s3] =	stream.linear.scatter [tilespmem:s0], [sflag:$0x3], $0x80, $0x38;
	[tilespmem:$0x1FA00] =	vst v63  }
0x1a9: {  	s21 =	smov.u32 s2;
	s0 =	smov.u32 s20;
	p0 =	sne.s32 s2, $0x1F0  }
.Ltmp20:
0x1aa: {  	s2 =	sadd.s32 $0x10, s2;
	(pc) =	sbr.rel @p0 .LBB2_42-.Ltmp20, $2  }
0x1ab: {  	_ =	sdelay $0x2  }
0x1ac: {  	s20 =	sadd.s32 $0x88, s20;
	s21 =	sadd.s32 s21, s13  }
0x1ad: {  	[hbm4b:s21+s3] =	stream.linear.scatter [tilespmem:s0], [sflag:$0x3], $0x80, $0x38;
	[tilespmem:$0x1FA00] =	vst v63  }
0x1ae: {  	s0 =	sadd.s32 $0x4000, s13;
	s2 =	simm.s32 $0x11D00  }
0x1af: {  	s20 =	simm.s32 $0x10;
	s21 =	simm.s32 $0x11D88;
	s22 =	sadd.s32 $0x0, s0  }
.LBB2_44:
0x1b0: {  	[hbm4b:s22+s3] =	stream.linear.scatter [tilespmem:s2], [sflag:$0x3], $0x80, $0x38;
	[tilespmem:$0x1FA00] =	vst v63  }
0x1b1: {  	s22 =	smov.u32 s20;
	s2 =	smov.u32 s21;
	p0 =	sne.s32 s20, $0x1F0  }
.Ltmp21:
0x1b2: {  	s20 =	sadd.s32 $0x10, s20;
	(pc) =	sbr.rel @p0 .LBB2_44-.Ltmp21, $2  }
0x1b3: {  	_ =	sdelay $0x2  }
0x1b4: {  	s21 =	sadd.s32 $0x88, s21;
	s22 =	sadd.s32 s22, s0  }
0x1b5: {  	[hbm4b:s22+s3] =	stream.linear.scatter [tilespmem:s2], [sflag:$0x3], $0x80, $0x38;
	[tilespmem:$0x1FA00] =	vst v63  }
0x1b6: {  	s0 =	sadd.s32 $0x8000, s13;
	s2 =	simm.s32 $0x12E00  }
0x1b7: {  	s20 =	simm.s32 $0x10;
	s21 =	simm.s32 $0x12E88;
	s22 =	sadd.s32 $0x0, s0  }
.LBB2_46:
0x1b8: {  	[hbm4b:s22+s3] =	stream.linear.scatter [tilespmem:s2], [sflag:$0x3], $0x80, $0x38;
	[tilespmem:$0x1FA00] =	vst v63  }
0x1b9: {  	s22 =	smov.u32 s20;
	s2 =	smov.u32 s21;
	p0 =	sne.s32 s20, $0x1F0  }
.Ltmp22:
0x1ba: {  	s20 =	sadd.s32 $0x10, s20;
	(pc) =	sbr.rel @p0 .LBB2_46-.Ltmp22, $2  }
0x1bb: {  	_ =	sdelay $0x2  }
0x1bc: {  	s21 =	sadd.s32 $0x88, s21;
	s22 =	sadd.s32 s22, s0  }
0x1bd: {  	[hbm4b:s22+s3] =	stream.linear.scatter [tilespmem:s2], [sflag:$0x3], $0x80, $0x38;
	[tilespmem:$0x1FA00] =	vst v63  }
0x1be: {  	s0 =	sadd.s32 $0xC000, s13;
	s2 =	simm.s32 $0x13F00  }
0x1bf: {  	s20 =	simm.s32 $0x10;
	s21 =	simm.s32 $0x13F88;
	s22 =	sadd.s32 $0x0, s0  }
.LBB2_48:
0x1c0: {  	[hbm4b:s22+s3] =	stream.linear.scatter [tilespmem:s2], [sflag:$0x3], $0x80, $0x38;
	[tilespmem:$0x1FA00] =	vst v63  }
0x1c1: {  	s22 =	smov.u32 s20;
	s2 =	smov.u32 s21;
	p0 =	sne.s32 s20, $0x1F0  }
.Ltmp23:
0x1c2: {  	s20 =	sadd.s32 $0x10, s20;
	(pc) =	sbr.rel @p0 .LBB2_48-.Ltmp23, $2  }
0x1c3: {  	_ =	sdelay $0x2  }
0x1c4: {  	s21 =	sadd.s32 $0x88, s21;
	s22 =	sadd.s32 s22, s0  }
0x1c5: {  	[hbm4b:s22+s3] =	stream.linear.scatter [tilespmem:s2], [sflag:$0x3], $0x80, $0x38;
	[tilespmem:$0x1FA00] =	vst v63  }
0x1c6: {  	s0 =	sadd.s32 $0x10000, s13;
	s2 =	simm.s32 $0x15000  }
0x1c7: {  	s20 =	simm.s32 $0x10;
	s21 =	simm.s32 $0x15088;
	s22 =	sadd.s32 $0x0, s0  }
.LBB2_50:
0x1c8: {  	[hbm4b:s22+s3] =	stream.linear.scatter [tilespmem:s2], [sflag:$0x3], $0x80, $0x38;
	[tilespmem:$0x1FA00] =	vst v63  }
0x1c9: {  	s22 =	smov.u32 s20;
	s2 =	smov.u32 s21;
	p0 =	sne.s32 s20, $0x1F0  }
.Ltmp24:
0x1ca: {  	s20 =	sadd.s32 $0x10, s20;
	(pc) =	sbr.rel @p0 .LBB2_50-.Ltmp24, $2  }
0x1cb: {  	_ =	sdelay $0x2  }
0x1cc: {  	s21 =	sadd.s32 $0x88, s21;
	s22 =	sadd.s32 s22, s0  }
0x1cd: {  	[hbm4b:s22+s3] =	stream.linear.scatter [tilespmem:s2], [sflag:$0x3], $0x80, $0x38;
	[tilespmem:$0x1FA00] =	vst v63  }
0x1ce: {  	s0 =	sadd.s32 $0x14000, s13;
	s2 =	simm.s32 $0x16100  }
0x1cf: {  	s20 =	simm.s32 $0x10;
	s21 =	simm.s32 $0x16188;
	s22 =	sadd.s32 $0x0, s0  }
.LBB2_52:
0x1d0: {  	[hbm4b:s22+s3] =	stream.linear.scatter [tilespmem:s2], [sflag:$0x3], $0x80, $0x38;
	[tilespmem:$0x1FA00] =	vst v63  }
0x1d1: {  	s22 =	smov.u32 s20;
	s2 =	smov.u32 s21;
	p0 =	sne.s32 s20, $0x1F0  }
.Ltmp25:
0x1d2: {  	s20 =	sadd.s32 $0x10, s20;
	(pc) =	sbr.rel @p0 .LBB2_52-.Ltmp25, $2  }
0x1d3: {  	_ =	sdelay $0x2  }
0x1d4: {  	s21 =	sadd.s32 $0x88, s21;
	s22 =	sadd.s32 s22, s0  }
0x1d5: {  	[hbm4b:s22+s3] =	stream.linear.scatter [tilespmem:s2], [sflag:$0x3], $0x80, $0x38;
	[tilespmem:$0x1FA00] =	vst v63  }
0x1d6: {  	s0 =	sadd.s32 $0x18000, s13;
	s2 =	simm.s32 $0x17200  }
0x1d7: {  	s20 =	simm.s32 $0x10;
	s21 =	simm.s32 $0x17288;
	s22 =	sadd.s32 $0x0, s0  }
.LBB2_54:
0x1d8: {  	[hbm4b:s22+s3] =	stream.linear.scatter [tilespmem:s2], [sflag:$0x3], $0x80, $0x38;
	[tilespmem:$0x1FA00] =	vst v63  }
0x1d9: {  	s22 =	smov.u32 s20;
	s2 =	smov.u32 s21;
	p0 =	sne.s32 s20, $0x1F0  }
.Ltmp26:
0x1da: {  	s20 =	sadd.s32 $0x10, s20;
	(pc) =	sbr.rel @p0 .LBB2_54-.Ltmp26, $2  }
0x1db: {  	_ =	sdelay $0x2  }
0x1dc: {  	s21 =	sadd.s32 $0x88, s21;
	s22 =	sadd.s32 s22, s0  }
0x1dd: {  	[hbm4b:s22+s3] =	stream.linear.scatter [tilespmem:s2], [sflag:$0x3], $0x80, $0x38;
	[tilespmem:$0x1FA00] =	vst v63  }
0x1de: {  	s0 =	simm.s32 $0x0;
	_ =	swait.ge [sflag:s30], $0x7000  }
0x1df: {  	s24 =	simm.s32 $0x0;
	s2 =	sand.u32 $0x70, s0;
	[sflag:s30] =	ssyncset.done $0x0  }
0x1e0: {  	s0 =	sor.u32 s2, s24;
	[sflag:s30] =	ssyncadd.s32 $0xFFFF9000  }
0x1e1: {  	s20 =	simm.s32 $0x0;
	v13 =	vld [tilespmem:s0+$0x800]  }
0x1e2: {  	v14 =	vmov s20  }
0x1e3: {  	v14 =	vmul.u32 $0x440, v14;
	_ =	sdelay $0x1  }
0x1e4: {  	v14 =	vadd.s32 s2, v14;
	v15 =	vld [tilespmem:s0+$0xA00]  }
0x1e5: {  	v14 =	vbroadcast v14, $0x0;
	v16 =	vadd.s32 $0xFFFFFFA3, v13  }
0x1e6: {  	v13 =	vadd.s32 $0x3, v13;
	v17 =	vshrl.u32 v16, $0x3  }
0x1e7: {  	v14 =	vor.u32 v4, v14;
	v13 =	vand.u32 $0x7, v13;
	v17 =	vmul.u32 $0x1100, v17  }
0x1e8: {  	v14 =	vor.u32 v3, v14;
	v13 =	vmul.u32 $0x88, v13  }
0x1e9: {  	v63 =	vadd.s32 $0x23, v15;
	vm2 =	vlt.u32 v16, $0x38;
	v62 =	vadd.s32 v17, v14  }
0x1ea: {  	v16 =	vadd.s32 v13, v62;
	v13 =	vadd.s32 $0x3, v15;
	v15 =	vshrl.u32 v63, $0x3  }
0x1eb: {  	v13 =	vand.u32 $0x7, v13;
	v15 =	vmul.u32 $0x1100, v15  }
0x1ec: {  	v13 =	vmul.u32 $0x88, v13  }
0x1ed: {  	vm1 =	vlt.u32 v63, $0x38;
	v14 =	vadd.s32 v15, v14  }
0x1ee: {  	v13 =	vadd.s32 v13, v14;
	_ =	sdelay $0x2  }
0x1ef: {  	s21 =	simm.s32 $0x0;
	s23 =	simm.s32 $0x0;
	s20 =	simm.s32 $0x10  }
0x1f0: {  	s22 =	sand.u32 $0x70, s20;
	s0 =	simm.s32 $0x1;
	v14 =	vmov s21;
	s21 =	simm.s32 $0x2;
	[tilespmem:v16+s28+$0x0] =	vst.idx.msk vm2, v1  }
.LBB2_56:
0x1f1: {  	p0 =	sne.s32 s21, $0x1F;
	s23 =	sor.u32 s22, s23;
	v14 =	vmul.u32 $0x440, v14;
	[tilespmem:v13+s28+$0x0] =	vst.idx.msk vm1, v1  }
0x1f2: {  	v13 =	vld [tilespmem:s23+$0x800]  }
0x1f3: {  	v15 =	vld [tilespmem:s23+$0xA00];
	v14 =	vadd.s32 s22, v14  }
0x1f4: {  	v14 =	vbroadcast v14, $0x0;
	_ =	sdelay $0x1  }
0x1f5: {  	v14 =	vor.u32 v4, v14  }
0x1f6: {  	v16 =	vadd.s32 $0x3, v13;
	v13 =	vadd.s32 $0xFFFFFFA3, v13;
	v14 =	vor.u32 v3, v14  }
0x1f7: {  	v17 =	vshrl.u32 v13, $0x3;
	v16 =	vand.u32 $0x7, v16;
	v18 =	vadd.s32 $0x23, v15  }
0x1f8: {  	v15 =	vadd.s32 $0x3, v15;
	v17 =	vmul.u32 $0x1100, v17;
	v19 =	vshrl.u32 v18, $0x3  }
0x1f9: {  	v16 =	vmul.u32 $0x88, v16;
	v15 =	vand.u32 $0x7, v15;
	v19 =	vmul.u32 $0x1100, v19  }
0x1fa: {  	vm2 =	vlt.u32 v13, $0x38;
	v15 =	vmul.u32 $0x88, v15;
	v13 =	vadd.s32 v17, v14  }
0x1fb: {  	vm1 =	vlt.u32 v18, $0x38;
	v16 =	vadd.s32 v16, v13;
	v13 =	vadd.s32 v19, v14  }
.Ltmp27:
0x1fc: {  	v13 =	vadd.s32 v15, v13;
	(pc) =	sbr.rel @p0 .LBB2_56-.Ltmp27, $3  }
0x1fd: {  	_ =	sdelay $0x1  }
0x1fe: {  	s24 =	sshrl.u32 s21, $0x3;
	s20 =	sadd.s32 $0x10, s20  }
0x1ff: {  	s21 =	sadd.s32 $0x1, s21;
	s22 =	sand.u32 $0x70, s20;
	s23 =	sshll.u32 s24, $0x7;
	v14 =	vmov s24;
	[tilespmem:v16+s28+$0x0] =	vst.idx.msk vm2, v1  }
0x200: {  	_ =	sdelay $0x4  }
0x201: {  	s20 =	sor.u32 s22, s23;
	v14 =	vmul.u32 $0x440, v14;
	[tilespmem:v13+s28+$0x0] =	vst.idx.msk vm1, v1  }
0x202: {  	v13 =	vld [tilespmem:s20+$0x800]  }
0x203: {  	v15 =	vld [tilespmem:s20+$0xA00];
	v14 =	vadd.s32 s22, v14  }
0x204: {  	v14 =	vbroadcast v14, $0x0;
	_ =	sdelay $0x1  }
0x205: {  	v14 =	vor.u32 v4, v14  }
0x206: {  	v16 =	vadd.s32 $0x3, v13;
	v13 =	vadd.s32 $0xFFFFFFA3, v13;
	v14 =	vor.u32 v3, v14  }
0x207: {  	v18 =	vadd.s32 $0x23, v15;
	v15 =	vadd.s32 $0x3, v15;
	v17 =	vshrl.u32 v13, $0x3  }
0x208: {  	v16 =	vand.u32 $0x7, v16;
	v19 =	vshrl.u32 v18, $0x3;
	v17 =	vmul.u32 $0x1100, v17  }
0x209: {  	v15 =	vand.u32 $0x7, v15;
	v16 =	vmul.u32 $0x88, v16;
	v19 =	vmul.u32 $0x1100, v19  }
0x20a: {  	vm1 =	vlt.u32 v13, $0x38;
	v15 =	vmul.u32 $0x88, v15;
	v13 =	vadd.s32 v17, v14  }
0x20b: {  	vm2 =	vlt.u32 v18, $0x38;
	v14 =	vadd.s32 v19, v14;
	v13 =	vadd.s32 v16, v13  }
0x20c: {  	v14 =	vadd.s32 v15, v14;
	_ =	sdelay $0x2  }
0x20d: {  	s23 =	simm.s32 $0x0  }
0x20e: {  	s20 =	sand.u32 $0x3FFFFF80, s23;
	[tilespmem:v13+s28+$0x0] =	vst.idx.msk vm1, v1  }
0x20f: {  	s20 =	sor.u32 s2, s20;
	[tilespmem:v14+s28+$0x0] =	vst.idx.msk vm2, v1  }
0x210: {  	v13 =	vld [tilespmem:s20+$0xA00];
	_ =	sdelay $0x1  }
0x211: {  	s24 =	simm.s32 $0x0  }
0x212: {  	v14 =	vmov s24  }
0x213: {  	v14 =	vmul.u32 $0x440, v14  }
0x214: {  	v15 =	vadd.s32 $0xFFFFFFB3, v13  }
0x215: {  	v14 =	vadd.s32 s2, v14;
	v13 =	vadd.s32 $0x3, v13;
	v63 =	vshrl.u32 v15, $0x3  }
0x216: {  	v14 =	vbroadcast v14, $0x0;
	v13 =	vand.u32 $0x7, v13;
	v16 =	vmul.u32 $0x1100, v63  }
0x217: {  	v13 =	vmul.u32 $0x88, v13  }
0x218: {  	v14 =	vadd.s32 v14, v16  }
0x219: {  	vm1 =	vlt.u32 v15, $0x38;
	v13 =	vadd.s32 v13, v14  }
0x21a: {  	v13 =	vadd.s32 v0, v13;
	_ =	sdelay $0x2  }
0x21b: {  	s21 =	simm.s32 $0x10;
	s20 =	simm.s32 $0x2;
	s2 =	simm.s32 $0x10  }
.LBB2_58:
0x21c: {  	p0 =	sne.s32 s20, $0x1F;
	s22 =	sand.u32 $0x70, s2;
	s21 =	sand.u32 $0x3FFFFF80, s21  }
0x21d: {  	s21 =	sor.u32 s22, s21;
	[tilespmem:v13+s28+$0x0] =	vst.idx.msk vm1, v2  }
0x21e: {  	v13 =	vld [tilespmem:s21+$0xA00];
	_ =	sdelay $0x1  }
0x21f: {  	s21 =	sshrl.u32 s0, $0x3;
	s0 =	smov.u32 s20  }
0x220: {  	v14 =	vmov s21  }
0x221: {  	v14 =	vmul.u32 $0x440, v14  }
0x222: {  	v15 =	vadd.s32 $0xFFFFFFB3, v13  }
0x223: {  	v14 =	vadd.s32 s22, v14;
	v13 =	vadd.s32 $0x3, v13;
	v16 =	vshrl.u32 v15, $0x3  }
0x224: {  	v14 =	vbroadcast v14, $0x0;
	v13 =	vand.u32 $0x7, v13;
	v16 =	vmul.u32 $0x1100, v16  }
0x225: {  	v13 =	vmul.u32 $0x88, v13  }
0x226: {  	v14 =	vadd.s32 v14, v16  }
.Ltmp28:
0x227: {  	vm1 =	vlt.u32 v15, $0x38;
	v13 =	vadd.s32 v13, v14;
	(pc) =	sbr.rel @p0 .LBB2_58-.Ltmp28, $2  }
0x228: {  	v13 =	vadd.s32 v0, v13;
	_ =	sdelay $0x2  }
0x229: {  	s2 =	sadd.s32 $0x10, s2;
	s20 =	sadd.s32 $0x1, s20;
	s21 =	sshll.u32 s0, $0x4  }
0x22a: {  	_ =	sdelay $0x3  }
0x22b: {  	s2 =	sand.u32 $0x70, s2;
	s20 =	sand.u32 $0x3FFFFF80, s21  }
0x22c: {  	[tilespmem:v13+s28+$0x0] =	vst.idx.msk vm1, v2;
	s20 =	sor.u32 s2, s20  }
0x22d: {  	v13 =	vld [tilespmem:s20+$0xA00];
	_ =	sdelay $0x1  }
0x22e: {  	s0 =	sshrl.u32 s0, $0x3  }
0x22f: {  	v14 =	vmov s0  }
0x230: {  	v14 =	vmul.u32 $0x440, v14  }
0x231: {  	v15 =	vadd.s32 $0xFFFFFFB3, v13  }
0x232: {  	v14 =	vadd.s32 s2, v14;
	v13 =	vadd.s32 $0x3, v13;
	v16 =	vshrl.u32 v15, $0x3  }
0x233: {  	v14 =	vbroadcast v14, $0x0;
	v13 =	vand.u32 $0x7, v13;
	v16 =	vmul.u32 $0x1100, v16  }
0x234: {  	v13 =	vmul.u32 $0x88, v13  }
0x235: {  	v14 =	vadd.s32 v14, v16  }
0x236: {  	vm1 =	vlt.u32 v15, $0x38;
	v13 =	vadd.s32 v13, v14  }
0x237: {  	v13 =	vadd.s32 v0, v13;
	_ =	sdelay $0x3  }
0x238: {  	s21 =	sadd.s32 $0x0, s14  }
0x239: {  	s0 =	simm.s32 $0x18300;
	s20 =	simm.s32 $0x18388;
	s2 =	simm.s32 $0x10;
	[tilespmem:v13+s28+$0x0] =	vst.idx.msk vm1, v2  }
.LBB2_60:
0x23a: {  	[hbm4b:s21+s3] =	stream.linear.scatter [tilespmem:s0], [sflag:$0x4], $0x80, $0x38;
	[tilespmem:$0x1FA00] =	vst v63  }
0x23b: {  	s21 =	smov.u32 s2;
	s0 =	smov.u32 s20;
	p0 =	sne.s32 s2, $0x1F0  }
.Ltmp29:
0x23c: {  	s2 =	sadd.s32 $0x10, s2;
	(pc) =	sbr.rel @p0 .LBB2_60-.Ltmp29, $2  }
0x23d: {  	_ =	sdelay $0x2  }
0x23e: {  	s20 =	sadd.s32 $0x88, s20;
	s21 =	sadd.s32 s21, s14  }
0x23f: {  	[hbm4b:s21+s3] =	stream.linear.scatter [tilespmem:s0], [sflag:$0x4], $0x80, $0x38;
	[tilespmem:$0x1FA00] =	vst v63  }
0x240: {  	s0 =	sadd.s32 $0x4000, s14;
	s2 =	simm.s32 $0x19400  }
0x241: {  	s20 =	simm.s32 $0x10;
	s21 =	simm.s32 $0x19488;
	s22 =	sadd.s32 $0x0, s0  }
.LBB2_62:
0x242: {  	[hbm4b:s22+s3] =	stream.linear.scatter [tilespmem:s2], [sflag:$0x4], $0x80, $0x38;
	[tilespmem:$0x1FA00] =	vst v63  }
0x243: {  	s22 =	smov.u32 s20;
	s2 =	smov.u32 s21;
	p0 =	sne.s32 s20, $0x1F0  }
.Ltmp30:
0x244: {  	s20 =	sadd.s32 $0x10, s20;
	(pc) =	sbr.rel @p0 .LBB2_62-.Ltmp30, $2  }
0x245: {  	_ =	sdelay $0x2  }
0x246: {  	s21 =	sadd.s32 $0x88, s21;
	s22 =	sadd.s32 s22, s0  }
0x247: {  	[hbm4b:s22+s3] =	stream.linear.scatter [tilespmem:s2], [sflag:$0x4], $0x80, $0x38;
	[tilespmem:$0x1FA00] =	vst v63  }
0x248: {  	s0 =	sadd.s32 $0x8000, s14;
	s2 =	simm.s32 $0x1A500  }
0x249: {  	s20 =	simm.s32 $0x10;
	s21 =	simm.s32 $0x1A588;
	s22 =	sadd.s32 $0x0, s0  }
.LBB2_64:
0x24a: {  	[hbm4b:s22+s3] =	stream.linear.scatter [tilespmem:s2], [sflag:$0x4], $0x80, $0x38;
	[tilespmem:$0x1FA00] =	vst v63  }
0x24b: {  	s22 =	smov.u32 s20;
	s2 =	smov.u32 s21;
	p0 =	sne.s32 s20, $0x1F0  }
.Ltmp31:
0x24c: {  	s20 =	sadd.s32 $0x10, s20;
	(pc) =	sbr.rel @p0 .LBB2_64-.Ltmp31, $2  }
0x24d: {  	_ =	sdelay $0x2  }
0x24e: {  	s21 =	sadd.s32 $0x88, s21;
	s22 =	sadd.s32 s22, s0  }
0x24f: {  	[hbm4b:s22+s3] =	stream.linear.scatter [tilespmem:s2], [sflag:$0x4], $0x80, $0x38;
	[tilespmem:$0x1FA00] =	vst v63  }
0x250: {  	s0 =	sadd.s32 $0xC000, s14;
	s2 =	simm.s32 $0x1B600  }
0x251: {  	s20 =	simm.s32 $0x10;
	s21 =	simm.s32 $0x1B688;
	s22 =	sadd.s32 $0x0, s0  }
.LBB2_66:
0x252: {  	[hbm4b:s22+s3] =	stream.linear.scatter [tilespmem:s2], [sflag:$0x4], $0x80, $0x38;
	[tilespmem:$0x1FA00] =	vst v63  }
0x253: {  	s22 =	smov.u32 s20;
	s2 =	smov.u32 s21;
	p0 =	sne.s32 s20, $0x1F0  }
.Ltmp32:
0x254: {  	s20 =	sadd.s32 $0x10, s20;
	(pc) =	sbr.rel @p0 .LBB2_66-.Ltmp32, $2  }
0x255: {  	_ =	sdelay $0x2  }
0x256: {  	s21 =	sadd.s32 $0x88, s21;
	s22 =	sadd.s32 s22, s0  }
0x257: {  	[hbm4b:s22+s3] =	stream.linear.scatter [tilespmem:s2], [sflag:$0x4], $0x80, $0x38;
	[tilespmem:$0x1FA00] =	vst v63  }
0x258: {  	s0 =	sadd.s32 $0x10000, s14;
	s2 =	simm.s32 $0x1C700  }
0x259: {  	s20 =	simm.s32 $0x10;
	s21 =	simm.s32 $0x1C788;
	s22 =	sadd.s32 $0x0, s0  }
.LBB2_68:
0x25a: {  	[hbm4b:s22+s3] =	stream.linear.scatter [tilespmem:s2], [sflag:$0x4], $0x80, $0x38;
	[tilespmem:$0x1FA00] =	vst v63  }
0x25b: {  	s22 =	smov.u32 s20;
	s2 =	smov.u32 s21;
	p0 =	sne.s32 s20, $0x1F0  }
.Ltmp33:
0x25c: {  	s20 =	sadd.s32 $0x10, s20;
	(pc) =	sbr.rel @p0 .LBB2_68-.Ltmp33, $2  }
0x25d: {  	_ =	sdelay $0x2  }
0x25e: {  	s21 =	sadd.s32 $0x88, s21;
	s22 =	sadd.s32 s22, s0  }
0x25f: {  	[hbm4b:s22+s3] =	stream.linear.scatter [tilespmem:s2], [sflag:$0x4], $0x80, $0x38;
	[tilespmem:$0x1FA00] =	vst v63  }
0x260: {  	s0 =	sadd.s32 $0x14000, s14;
	s2 =	simm.s32 $0x1D800  }
0x261: {  	s20 =	simm.s32 $0x10;
	s21 =	simm.s32 $0x1D888;
	s22 =	sadd.s32 $0x0, s0  }
.LBB2_70:
0x262: {  	[hbm4b:s22+s3] =	stream.linear.scatter [tilespmem:s2], [sflag:$0x4], $0x80, $0x38;
	[tilespmem:$0x1FA00] =	vst v63  }
0x263: {  	s22 =	smov.u32 s20;
	s2 =	smov.u32 s21;
	p0 =	sne.s32 s20, $0x1F0  }
.Ltmp34:
0x264: {  	s20 =	sadd.s32 $0x10, s20;
	(pc) =	sbr.rel @p0 .LBB2_70-.Ltmp34, $2  }
0x265: {  	_ =	sdelay $0x2  }
0x266: {  	s21 =	sadd.s32 $0x88, s21;
	s22 =	sadd.s32 s22, s0  }
0x267: {  	[hbm4b:s22+s3] =	stream.linear.scatter [tilespmem:s2], [sflag:$0x4], $0x80, $0x38;
	[tilespmem:$0x1FA00] =	vst v63  }
0x268: {  	s0 =	sadd.s32 $0x18000, s14;
	s2 =	simm.s32 $0x1E900  }
0x269: {  	s20 =	simm.s32 $0x10;
	s21 =	simm.s32 $0x1E988;
	s22 =	sadd.s32 $0x0, s0  }
.LBB2_72:
0x26a: {  	[hbm4b:s22+s3] =	stream.linear.scatter [tilespmem:s2], [sflag:$0x4], $0x80, $0x38;
	[tilespmem:$0x1FA00] =	vst v63  }
0x26b: {  	s22 =	smov.u32 s20;
	s2 =	smov.u32 s21;
	p0 =	sne.s32 s20, $0x1F0  }
.Ltmp35:
0x26c: {  	s20 =	sadd.s32 $0x10, s20;
	(pc) =	sbr.rel @p0 .LBB2_72-.Ltmp35, $2  }
0x26d: {  	_ =	sdelay $0x2  }
0x26e: {  	s21 =	sadd.s32 $0x88, s21;
	s22 =	sadd.s32 s22, s0  }
0x26f: {  	[hbm4b:s22+s3] =	stream.linear.scatter [tilespmem:s2], [sflag:$0x4], $0x80, $0x38;
	[tilespmem:$0x1FA00] =	vst v63  }
0x270: {  	_ =	swait.ge [sflag:s25], $0x200  }
0x271: {  	[sflag:s25] =	ssyncset.done $0x0  }
0x272: {  	[sflag:s25] =	ssyncadd.s32 $0xFFFFFE00  }
0x273: {  	_ =	swait.ge [sflag:s25], $0x200  }
0x274: {  	[sflag:s25] =	ssyncset.done $0x0  }
0x275: {  	[sflag:s25] =	ssyncadd.s32 $0xFFFFFE00  }
0x276: {  	_ =	swait.ge [sflag:s25], $0x200  }
0x277: {  	s0 =	simm.s32 $0x0;
	[sflag:s25] =	ssyncset.done $0x0  }
0x278: {  	s21 =	simm.s32 $0x3;
	v13 =	vmov s0;
	[sflag:s25] =	ssyncadd.s32 $0xFFFFFE00  }
0x279: {  	v14 =	vmov s21;
	v13 =	vmul.u32 $0x440, v13;
	_ =	swait.ge [sflag:s31], $0x10000  }
0x27a: {  	s22 =	simm.s32 $0x1;
	v20 =	vand.u32 $0x78, v14;
	[sflag:s31] =	ssyncset.done $0x0  }
0x27b: {  	v25 =	vand.u32 $0x7, v14;
	v14 =	vmov s22;
	v16 =	vbroadcast v13, $0x0;
	[sflag:s31] =	ssyncadd.s32 $0xFFFF0000  }
0x27c: {  	s20 =	simm.s32 $0x0;
	v28 =	vand.u32 $0x5, v14;
	_ =	swait.ge [sflag:s29], $0x7000  }
0x27d: {  	v26 =	vand.u32 $0x78, v14;
	v13 =	vmov s20;
	v15 =	vadd.s32 v5, v16;
	[sflag:s29] =	ssyncset.done $0x0  }
0x27e: {  	s0 =	simm.s32 $0xD00;
	s20 =	simm.s32 $0x2;
	v18 =	vand.u32 $0x4, v13;
	v21 =	vand.u32 $0x78, v13;
	v13 =	vadd.s32 v20, v15;
	[sflag:s29] =	ssyncadd.s32 $0xFFFF9000  }
0x27f: {  	v17 =	vmov s20;
	v14 =	vadd.s32 v21, v15;
	v13 =	vor.u32 v25, v13;
	v19 =	vld [tilespmem:s0+$0x80]  }
0x280: {  	v27 =	vand.u32 $0x78, v17;
	v22 =	vadd.s32 v26, v15;
	v24 =	vor.u32 v18, v14;
	v23 =	vld [tilespmem:s0+$0xFFFFFF00]  }
0x281: {  	v31 =	vand.u32 $0x6, v17;
	v17 =	vor.u32 v28, v22;
	v14 =	vadd.s32 v27, v15;
	v15 =	vld [tilespmem:s0+$0xFFFFFF80]  }
0x282: {  	v30 =	vadd.s32 v6, v16;
	v36 =	vadd.s32 v7, v16;
	v22 =	vor.u32 v31, v14;
	v29 =	vld [tilespmem:s0+$0x0]  }
0x283: {  	v60 =	vadd.s32 v8, v16;
	v32 =	vadd.s32 v21, v30;
	v37 =	vadd.s32 v21, v36  }
0x284: {  	v55 =	vadd.s32 v20, v36;
	[tilespmem:v13+s26+$0x0] =	vst.idx.msk $0xffff, v19;
	v13 =	vadd.s32 v20, v30  }
0x285: {  	v38 =	vadd.s32 v26, v36;
	[tilespmem:v24+s26+$0x0] =	vst.idx.msk $0xffff, v23;
	v33 =	vld [tilespmem:s0+$0x90];
	v13 =	vor.u32 v25, v13  }
0x286: {  	s20 =	simm.s32 $0x6;
	v32 =	vor.u32 v18, v32;
	v23 =	vadd.s32 v26, v30;
	[tilespmem:v17+s26+$0x0] =	vst.idx.msk $0xffff, v15;
	v24 =	vld [tilespmem:s0+$0xFFFFFF10]  }
0x287: {  	s21 =	simm.s32 $0x0;
	v34 =	vmov s20;
	v15 =	vadd.s32 v27, v30;
	[tilespmem:v22+s26+$0x0] =	vst.idx.msk $0xffff, v29;
	v30 =	vld [tilespmem:s0+$0xFFFFFF90];
	v23 =	vor.u32 v28, v23  }
0x288: {  	s23 =	simm.s32 $0x4;
	s24 =	simm.s32 $0x5;
	v56 =	vor.u32 v18, v37;
	v22 =	vmov s21;
	v29 =	vor.u32 v31, v15;
	v35 =	vld [tilespmem:s0+$0x10]  }
0x289: {  	v19 =	vmov s23;
	v17 =	vmov s24;
	v22 =	vmul.u32 $0x440, v22  }
0x28a: {  	v20 =	vadd.s32 v20, v60;
	v14 =	vand.u32 $0x4, v19;
	v19 =	vand.u32 $0x78, v19;
	[tilespmem:v13+s26+$0x0] =	vst.idx.msk $0xffff, v33  }
0x28b: {  	s22 =	simm.s32 $0x7;
	v15 =	vand.u32 $0x5, v17;
	v22 =	vbroadcast v22, $0x0;
	v33 =	vor.u32 v25, v55;
	[tilespmem:v32+s26+$0x0] =	vst.idx.msk $0xffff, v24;
	v39 =	vld [tilespmem:s0+$0xA0]  }
0x28c: {  	v24 =	vadd.s32 v27, v36;
	[tilespmem:v23+s26+$0x0] =	vst.idx.msk $0xffff, v30;
	v23 =	vmov s22;
	v30 =	vor.u32 v28, v38;
	v57 =	vld [tilespmem:s0+$0xFFFFFF20]  }
0x28d: {  	[tilespmem:v29+s26+$0x0] =	vst.idx.msk $0xffff, v35;
	v29 =	vadd.s32 v5, v22;
	v40 =	vor.u32 v31, v24;
	v58 =	vld [tilespmem:s0+$0xFFFFFFA0];
	v24 =	vand.u32 $0x78, v23  }
0x28e: {  	s2 =	simm.s32 $0xF00;
	v17 =	vand.u32 $0x78, v17;
	v41 =	vld [tilespmem:s0+$0x20];
	v23 =	vand.u32 $0x7, v23;
	v59 =	vadd.s32 v24, v29  }
0x28f: {  	v61 =	vld [tilespmem:s2+$0x80];
	v20 =	vor.u32 v25, v20;
	v62 =	vadd.s32 v19, v29;
	v35 =	vor.u32 v23, v59  }
0x290: {  	v16 =	vand.u32 $0x78, v34;
	v43 =	vld [tilespmem:s2+$0xFFFFFF00];
	v63 =	vadd.s32 v17, v29;
	[tilespmem:v33+s26+$0x0] =	vst.idx.msk $0xffff, v39;
	v33 =	vor.u32 v14, v62  }
0x291: {  	v25 =	vadd.s32 v16, v29;
	v29 =	vld [tilespmem:s2+$0xFFFFFF80];
	v39 =	vor.u32 v15, v63;
	[tilespmem:v56+s26+$0x0] =	vst.idx.msk $0xffff, v57  }
0x292: {  	v21 =	vadd.s32 v21, v60;
	v13 =	vand.u32 $0x6, v34;
	[tilespmem:v30+s26+$0x0] =	vst.idx.msk $0xffff, v58;
	v42 =	vld [tilespmem:s0+$0xB0]  }
0x293: {  	s20 =	simm.s32 $0x8;
	v46 =	vadd.s32 v26, v60;
	v45 =	vld [tilespmem:s2+$0x0];
	v44 =	vor.u32 v13, v25;
	[tilespmem:v40+s26+$0x0] =	vst.idx.msk $0xffff, v41  }
0x294: {  	v49 =	vor.u32 v18, v21;
	v21 =	vmov s20;
	v26 =	vadd.s32 v6, v22;
	v48 =	vld [tilespmem:s0+$0xFFFFFF30];
	[tilespmem:v35+s26+$0x0] =	vst.idx.msk $0xffff, v61  }
0x295: {  	v47 =	vadd.s32 v27, v60;
	v18 =	vand.u32 $0x4, v21;
	v30 =	vadd.s32 v24, v26;
	v25 =	vld [tilespmem:s0+$0xFFFFFFB0];
	[tilespmem:v33+s26+$0x0] =	vst.idx.msk $0xffff, v43  }
0x296: {  	v21 =	vand.u32 $0x78, v21;
	s21 =	simm.s32 $0x9;
	v27 =	vadd.s32 v19, v26;
	v37 =	vor.u32 v23, v30;
	v33 =	vld [tilespmem:s2+$0x90];
	[tilespmem:v39+s26+$0x0] =	vst.idx.msk $0xffff, v29  }
0x297: {  	s24 =	simm.s32 $0x0;
	v38 =	vor.u32 v14, v27;
	v27 =	vmov s21;
	[tilespmem:v20+s26+$0x0] =	vst.idx.msk $0xff, v42;
	v20 =	vadd.s32 v17, v26;
	v34 =	vld [tilespmem:s2+$0xFFFFFF10]  }
0x298: {  	v40 =	vmov s24;
	[tilespmem:v44+s26+$0x0] =	vst.idx.msk $0xffff, v45;
	v26 =	vadd.s32 v16, v26;
	v32 =	vld [tilespmem:s2+$0xFFFFFF90];
	v36 =	vor.u32 v15, v20  }
0x299: {  	s23 =	simm.s32 $0xA;
	v35 =	vld [tilespmem:s2+$0x10];
	v29 =	vor.u32 v28, v46;
	v28 =	vor.u32 v31, v47;
	v30 =	vor.u32 v13, v26  }
0x29a: {  	s21 =	simm.s32 $0xC;
	v39 =	vadd.s32 v7, v22;
	v31 =	vld [tilespmem:s0+$0x30];
	s0 =	simm.s32 $0xF00;
	[tilespmem:v49+s26+$0x0] =	vst.idx.msk $0xff, v48;
	v26 =	vmov s23;
	v20 =	vand.u32 $0x5, v27  }
.LBB2_74:
0x29b: {  	p0 =	slt.u32 s21, $0x1FC;
	v40 =	vmul.u32 $0x440, v40;
	v41 =	vadd.s32 v19, v39;
	[tilespmem:v37+s26+$0x0] =	vst.idx.msk $0xffff, v33;
	v33 =	vadd.s32 v24, v39  }
0x29c: {  	v42 =	vand.u32 $0x6, v26;
	[tilespmem:v38+s26+$0x0] =	vst.idx.msk $0xffff, v34;
	v34 =	vadd.s32 v17, v39;
	v37 =	vld [tilespmem:s2+$0xA0];
	v33 =	vor.u32 v23, v33  }
0x29d: {  	s22 =	sadd.s32 $0x3, s20;
	s20 =	smov.u32 s21;
	v41 =	vor.u32 v14, v41;
	v38 =	vbroadcast v40, $0x0;
	v40 =	vld [tilespmem:s2+$0xFFFFFF20];
	[tilespmem:v36+s26+$0x0] =	vst.idx.msk $0xffff, v32;
	v32 =	vadd.s32 v16, v39  }
0x29e: {  	v36 =	vmov s22;
	v34 =	vor.u32 v15, v34;
	v39 =	vld [tilespmem:s2+$0xFFFFFFA0];
	[tilespmem:v30+s26+$0x0] =	vst.idx.msk $0xffff, v35;
	v43 =	vor.u32 v13, v32  }
0x29f: {  	v27 =	vand.u32 $0x78, v27;
	v32 =	vand.u32 $0x78, v36;
	v30 =	vadd.s32 v5, v38;
	v44 =	vld [tilespmem:s2+$0x20];
	[tilespmem:v29+s26+$0x0] =	vst.idx.msk $0xff, v25  }
0x2a0: {  	v35 =	vadd.s32 v8, v22;
	v25 =	vand.u32 $0x7, v36;
	s2 =	sadd.s32 $0x200, s2;
	v29 =	vadd.s32 v32, v30;
	[tilespmem:v28+s26+$0x0] =	vst.idx.msk $0xff, v31  }
0x2a1: {  	v26 =	vand.u32 $0x78, v26;
	v28 =	vld [tilespmem:s2+$0x80];
	v29 =	vor.u32 v25, v29;
	[tilespmem:v33+s26+$0x0] =	vst.idx.msk $0xffff, v37;
	v37 =	vadd.s32 v24, v35  }
0x2a2: {  	v22 =	vmovc v38;
	v45 =	vadd.s32 v21, v30;
	v31 =	vadd.s32 v27, v30;
	v33 =	vld [tilespmem:s0+$0xB0];
	v36 =	vor.u32 v23, v37  }
0x2a3: {  	v46 =	vadd.s32 v26, v30;
	v38 =	vor.u32 v18, v45;
	v31 =	vor.u32 v20, v31;
	v24 =	vmovc v32;
	v37 =	vld [tilespmem:s2+$0xFFFFFF00]  }
0x2a4: {  	v19 =	vadd.s32 v19, v35;
	v45 =	vor.u32 v42, v46;
	v23 =	vmov v25;
	v30 =	vld [tilespmem:s2+$0xFFFFFF80];
	[tilespmem:v41+s26+$0x0] =	vst.idx.msk $0xffff, v40  }
0x2a5: {  	v41 =	vadd.s32 v16, v35;
	v40 =	vld [tilespmem:s2+$0x0];
	[tilespmem:v34+s26+$0x0] =	vst.idx.msk $0xffff, v39;
	v39 =	vadd.s32 v17, v35;
	v17 =	vmov v27  }
0x2a6: {  	v47 =	vor.u32 v14, v19;
	v16 =	vmov v26;
	v27 =	vadd.s32 v6, v22;
	[tilespmem:v29+s26+$0x0] =	vst.idx.msk $0xffff, v28;
	v46 =	vld [tilespmem:s0+$0xFFFFFF30]  }
0x2a7: {  	v19 =	vmov s21;
	v14 =	vmovc v18;
	v26 =	vadd.s32 v21, v27;
	v28 =	vadd.s32 v24, v27;
	v25 =	vld [tilespmem:s0+$0xFFFFFFB0];
	[tilespmem:v36+s26+$0x0] =	vst.idx.msk $0xff, v33  }
.Ltmp36:
0x2a8: {  	v18 =	vand.u32 $0x4, v19;
	v29 =	vadd.s32 v17, v27;
	[tilespmem:v38+s26+$0x0] =	vst.idx.msk $0xffff, v37;
	v33 =	vld [tilespmem:s2+$0x90];
	v37 =	vor.u32 v23, v28;
	(pc) =	sbr.rel @p0 .LBB2_74-.Ltmp36, $4  }
0x2a9: {  	s22 =	sadd.s32 $0x1, s21;
	v48 =	vand.u32 $0x78, v19;
	v38 =	vor.u32 v14, v26;
	v26 =	vadd.s32 v16, v27;
	v34 =	vld [tilespmem:s2+$0xFFFFFF10];
	[tilespmem:v31+s26+$0x0] =	vst.idx.msk $0xffff, v30  }
0x2aa: {  	v19 =	vmovc v21;
	v36 =	vor.u32 v20, v29;
	v27 =	vmov s22;
	s22 =	sadd.s32 $0x2, s21;
	v30 =	vor.u32 v42, v26;
	v32 =	vld [tilespmem:s2+$0xFFFFFF90];
	[tilespmem:v45+s26+$0x0] =	vst.idx.msk $0xffff, v40  }
0x2ab: {  	s23 =	sshrl.u32 s21, $0x7;
	v29 =	vor.u32 v15, v39;
	v28 =	vor.u32 v13, v41;
	v13 =	vmovc v42;
	v26 =	vmov s22;
	v35 =	vld [tilespmem:s2+$0x10];
	[tilespmem:v43+s26+$0x0] =	vst.idx.msk $0xffff, v44  }
0x2ac: {  	v21 =	vmovc v48;
	v39 =	vadd.s32 v7, v22;
	v15 =	vmovc v20;
	s21 =	sadd.s32 $0x4, s21;
	v20 =	vand.u32 $0x5, v27;
	v40 =	vmov s23;
	[tilespmem:v47+s26+$0x0] =	vst.idx.msk $0xff, v46;
	v31 =	vld [tilespmem:s0+$0x30];
	s0 =	smov.u32 s2  }
0x2ad: {  	_ =	sdelay $0x2  }
0x2ae: {  	v40 =	vmul.u32 $0x440, v40  }
0x2af: {  	v41 =	vadd.s32 v19, v39;
	v42 =	vadd.s32 v24, v39;
	[tilespmem:v37+s26+$0x0] =	vst.idx.msk $0xffff, v33;
	v33 =	vand.u32 $0x6, v26  }
0x2b0: {  	v57 =	vadd.s32 v17, v39;
	s20 =	sadd.s32 $0x3, s20;
	v62 =	vadd.s32 v16, v39;
	v40 =	vbroadcast v40, $0x0  }
0x2b1: {  	v27 =	vand.u32 $0x78, v27;
	[tilespmem:v29+s26+$0x0] =	vst.idx.msk $0xff, v25;
	v22 =	vadd.s32 v8, v22;
	v60 =	vmov s20  }
0x2b2: {  	[tilespmem:v38+s26+$0x0] =	vst.idx.msk $0xffff, v34;
	v58 =	vor.u32 v23, v42;
	v61 =	vld [tilespmem:s2+$0xA0];
	v39 =	vand.u32 $0x78, v60;
	v63 =	vadd.s32 v5, v40  }
0x2b3: {  	s24 =	sadd.s32 $0x200, s2;
	v59 =	vor.u32 v14, v41;
	v43 =	vld [tilespmem:s2+$0xFFFFFF20];
	[tilespmem:v30+s26+$0x0] =	vst.idx.msk $0xffff, v35;
	v30 =	vand.u32 $0x7, v60;
	v45 =	vadd.s32 v39, v63  }
0x2b4: {  	v37 =	vor.u32 v15, v57;
	v46 =	vld [tilespmem:s24+$0x80];
	v48 =	vadd.s32 v21, v63;
	v47 =	vor.u32 v30, v45  }
0x2b5: {  	v26 =	vand.u32 $0x78, v26;
	v50 =	vld [tilespmem:s24+$0xFFFFFF00];
	[tilespmem:v36+s26+$0x0] =	vst.idx.msk $0xffff, v32;
	v49 =	vadd.s32 v27, v63;
	v35 =	vor.u32 v18, v48  }
0x2b6: {  	v51 =	vld [tilespmem:s24+$0xFFFFFF80];
	[tilespmem:v28+s26+$0x0] =	vst.idx.msk $0xff, v31;
	v36 =	vadd.s32 v26, v63;
	v28 =	vor.u32 v20, v49  }
0x2b7: {  	v53 =	vld [tilespmem:s24+$0x0];
	v55 =	vadd.s32 v24, v22;
	[tilespmem:v58+s26+$0x0] =	vst.idx.msk $0xffff, v61;
	v52 =	vor.u32 v33, v36  }
0x2b8: {  	v41 =	vadd.s32 v19, v22;
	v54 =	vld [tilespmem:s2+$0xFFFFFFA0];
	v56 =	vadd.s32 v6, v40;
	[tilespmem:v59+s26+$0x0] =	vst.idx.msk $0xffff, v43  }
0x2b9: {  	v32 =	vor.u32 v13, v62;
	v44 =	vld [tilespmem:s2+$0x20];
	v59 =	vadd.s32 v39, v56;
	[tilespmem:v47+s26+$0x0] =	vst.idx.msk $0xffff, v46  }
0x2ba: {  	v60 =	vadd.s32 v21, v56;
	v24 =	vor.u32 v30, v59;
	[tilespmem:v35+s26+$0x0] =	vst.idx.msk $0xffff, v50;
	v29 =	vld [tilespmem:s24+$0x90]  }
0x2bb: {  	v61 =	vadd.s32 v27, v56;
	v25 =	vor.u32 v18, v60;
	[tilespmem:v28+s26+$0x0] =	vst.idx.msk $0xffff, v51;
	v35 =	vld [tilespmem:s24+$0xFFFFFF10]  }
0x2bc: {  	v62 =	vadd.s32 v26, v56;
	v31 =	vor.u32 v20, v61;
	[tilespmem:v52+s26+$0x0] =	vst.idx.msk $0xffff, v53;
	v63 =	vld [tilespmem:s24+$0xFFFFFF90]  }
0x2bd: {  	v14 =	vor.u32 v14, v41;
	[tilespmem:v37+s26+$0x0] =	vst.idx.msk $0xffff, v54;
	v28 =	vor.u32 v33, v62;
	v34 =	vld [tilespmem:s24+$0x10]  }
0x2be: {  	v58 =	vor.u32 v23, v55;
	v57 =	vld [tilespmem:s0+$0xB0];
	[tilespmem:v32+s26+$0x0] =	vst.idx.msk $0xffff, v44;
	v46 =	vadd.s32 v7, v40  }
0x2bf: {  	v45 =	vadd.s32 v17, v22;
	v47 =	vld [tilespmem:s0+$0xFFFFFF30];
	v48 =	vadd.s32 v39, v46;
	[tilespmem:v24+s26+$0x0] =	vst.idx.msk $0xffff, v29  }
0x2c0: {  	v49 =	vadd.s32 v21, v46;
	v19 =	vor.u32 v30, v48;
	[tilespmem:v25+s26+$0x0] =	vst.idx.msk $0xffff, v35;
	v50 =	vld [tilespmem:s24+$0xA0]  }
0x2c1: {  	v51 =	vadd.s32 v27, v46;
	v24 =	vor.u32 v18, v49;
	[tilespmem:v31+s26+$0x0] =	vst.idx.msk $0xffff, v63;
	v35 =	vld [tilespmem:s24+$0xFFFFFF20]  }
0x2c2: {  	v23 =	vadd.s32 v26, v46;
	v29 =	vor.u32 v20, v51;
	[tilespmem:v28+s26+$0x0] =	vst.idx.msk $0xffff, v34;
	v31 =	vld [tilespmem:s24+$0xFFFFFFA0]  }
0x2c3: {  	v15 =	vor.u32 v15, v45;
	[tilespmem:v58+s26+$0x0] =	vst.idx.msk $0xff, v57;
	v53 =	vor.u32 v33, v23;
	v54 =	vld [tilespmem:s24+$0x20]  }
0x2c4: {  	v55 =	vld [tilespmem:s0+$0xFFFFFFB0];
	v52 =	vadd.s32 v16, v22;
	[tilespmem:v14+s26+$0x0] =	vst.idx.msk $0xff, v47;
	v14 =	vadd.s32 v8, v40  }
0x2c5: {  	v56 =	vld [tilespmem:s0+$0x30];
	v13 =	vor.u32 v13, v52;
	v57 =	vadd.s32 v39, v14;
	[tilespmem:v19+s26+$0x0] =	vst.idx.msk $0xffff, v50  }
0x2c6: {  	v58 =	vadd.s32 v21, v14;
	v17 =	vor.u32 v30, v57;
	[tilespmem:v24+s26+$0x0] =	vst.idx.msk $0xffff, v35;
	v19 =	vld [tilespmem:s24+$0xB0]  }
0x2c7: {  	v59 =	vadd.s32 v27, v14;
	v61 =	vor.u32 v18, v58;
	[tilespmem:v29+s26+$0x0] =	vst.idx.msk $0xffff, v31;
	v60 =	vld [tilespmem:s24+$0xFFFFFF30]  }
0x2c8: {  	v14 =	vadd.s32 v26, v14;
	v63 =	vor.u32 v20, v59;
	[tilespmem:v53+s26+$0x0] =	vst.idx.msk $0xffff, v54;
	v62 =	vld [tilespmem:s24+$0xFFFFFFB0]  }
0x2c9: {  	[tilespmem:v15+s26+$0x0] =	vst.idx.msk $0xff, v55;
	v14 =	vor.u32 v33, v14;
	v15 =	vld [tilespmem:s24+$0x30]  }
0x2ca: {  	[tilespmem:v13+s26+$0x0] =	vst.idx.msk $0xff, v56  }
0x2cb: {  	[tilespmem:v17+s26+$0x0] =	vst.idx.msk $0xff, v19  }
0x2cc: {  	[tilespmem:v61+s26+$0x0] =	vst.idx.msk $0xff, v60  }
0x2cd: {  	s21 =	sadd.s32 $0x0, s10;
	[tilespmem:v63+s26+$0x0] =	vst.idx.msk $0xff, v62  }
0x2ce: {  	s20 =	simm.s32 $0x10C88;
	s2 =	simm.s32 $0x10;
	s0 =	simm.s32 $0x10C00;
	[tilespmem:v14+s26+$0x0] =	vst.idx.msk $0xff, v15  }
.LBB2_76:
0x2cf: {  	[hbm4b:s21+s3] =	stream.linear.scatter [tilespmem:s0], [sflag:$0x3], $0x80, $0x38;
	[tilespmem:$0x1FA00] =	vst v63  }
0x2d0: {  	s21 =	smov.u32 s2;
	s0 =	smov.u32 s20;
	p0 =	sne.s32 s2, $0x1F0  }
.Ltmp37:
0x2d1: {  	s2 =	sadd.s32 $0x10, s2;
	(pc) =	sbr.rel @p0 .LBB2_76-.Ltmp37, $2  }
0x2d2: {  	_ =	sdelay $0x2  }
0x2d3: {  	s20 =	sadd.s32 $0x88, s20;
	s21 =	sadd.s32 s21, s10  }
0x2d4: {  	[hbm4b:s21+s3] =	stream.linear.scatter [tilespmem:s0], [sflag:$0x3], $0x80, $0x38;
	[tilespmem:$0x1FA00] =	vst v63  }
0x2d5: {  	s0 =	sadd.s32 $0x4000, s10;
	s2 =	simm.s32 $0x11D00  }
0x2d6: {  	s20 =	simm.s32 $0x10;
	s21 =	simm.s32 $0x11D88;
	s22 =	sadd.s32 $0x0, s0  }
.LBB2_78:
0x2d7: {  	[hbm4b:s22+s3] =	stream.linear.scatter [tilespmem:s2], [sflag:$0x3], $0x80, $0x38;
	[tilespmem:$0x1FA00] =	vst v63  }
0x2d8: {  	s22 =	smov.u32 s20;
	s2 =	smov.u32 s21;
	p0 =	sne.s32 s20, $0x1F0  }
.Ltmp38:
0x2d9: {  	s20 =	sadd.s32 $0x10, s20;
	(pc) =	sbr.rel @p0 .LBB2_78-.Ltmp38, $2  }
0x2da: {  	_ =	sdelay $0x2  }
0x2db: {  	s21 =	sadd.s32 $0x88, s21;
	s22 =	sadd.s32 s22, s0  }
0x2dc: {  	[hbm4b:s22+s3] =	stream.linear.scatter [tilespmem:s2], [sflag:$0x3], $0x80, $0x38;
	[tilespmem:$0x1FA00] =	vst v63  }
0x2dd: {  	s0 =	sadd.s32 $0x8000, s10;
	s2 =	simm.s32 $0x12E00  }
0x2de: {  	s20 =	simm.s32 $0x10;
	s21 =	simm.s32 $0x12E88;
	s22 =	sadd.s32 $0x0, s0  }
.LBB2_80:
0x2df: {  	[hbm4b:s22+s3] =	stream.linear.scatter [tilespmem:s2], [sflag:$0x3], $0x80, $0x38;
	[tilespmem:$0x1FA00] =	vst v63  }
0x2e0: {  	s22 =	smov.u32 s20;
	s2 =	smov.u32 s21;
	p0 =	sne.s32 s20, $0x1F0  }
.Ltmp39:
0x2e1: {  	s20 =	sadd.s32 $0x10, s20;
	(pc) =	sbr.rel @p0 .LBB2_80-.Ltmp39, $2  }
0x2e2: {  	_ =	sdelay $0x2  }
0x2e3: {  	s21 =	sadd.s32 $0x88, s21;
	s22 =	sadd.s32 s22, s0  }
0x2e4: {  	[hbm4b:s22+s3] =	stream.linear.scatter [tilespmem:s2], [sflag:$0x3], $0x80, $0x38;
	[tilespmem:$0x1FA00] =	vst v63  }
0x2e5: {  	s0 =	sadd.s32 $0xC000, s10;
	s2 =	simm.s32 $0x13F00  }
0x2e6: {  	s20 =	simm.s32 $0x10;
	s21 =	simm.s32 $0x13F88;
	s22 =	sadd.s32 $0x0, s0  }
.LBB2_82:
0x2e7: {  	[hbm4b:s22+s3] =	stream.linear.scatter [tilespmem:s2], [sflag:$0x3], $0x80, $0x38;
	[tilespmem:$0x1FA00] =	vst v63  }
0x2e8: {  	s22 =	smov.u32 s20;
	s2 =	smov.u32 s21;
	p0 =	sne.s32 s20, $0x1F0  }
.Ltmp40:
0x2e9: {  	s20 =	sadd.s32 $0x10, s20;
	(pc) =	sbr.rel @p0 .LBB2_82-.Ltmp40, $2  }
0x2ea: {  	_ =	sdelay $0x2  }
0x2eb: {  	s21 =	sadd.s32 $0x88, s21;
	s22 =	sadd.s32 s22, s0  }
0x2ec: {  	[hbm4b:s22+s3] =	stream.linear.scatter [tilespmem:s2], [sflag:$0x3], $0x80, $0x38;
	[tilespmem:$0x1FA00] =	vst v63  }
0x2ed: {  	s0 =	sadd.s32 $0x10000, s10;
	s2 =	simm.s32 $0x15000  }
0x2ee: {  	s20 =	simm.s32 $0x10;
	s21 =	simm.s32 $0x15088;
	s22 =	sadd.s32 $0x0, s0  }
.LBB2_84:
0x2ef: {  	[hbm4b:s22+s3] =	stream.linear.scatter [tilespmem:s2], [sflag:$0x3], $0x80, $0x38;
	[tilespmem:$0x1FA00] =	vst v63  }
0x2f0: {  	s22 =	smov.u32 s20;
	s2 =	smov.u32 s21;
	p0 =	sne.s32 s20, $0x1F0  }
.Ltmp41:
0x2f1: {  	s20 =	sadd.s32 $0x10, s20;
	(pc) =	sbr.rel @p0 .LBB2_84-.Ltmp41, $2  }
0x2f2: {  	_ =	sdelay $0x2  }
0x2f3: {  	s21 =	sadd.s32 $0x88, s21;
	s22 =	sadd.s32 s22, s0  }
0x2f4: {  	[hbm4b:s22+s3] =	stream.linear.scatter [tilespmem:s2], [sflag:$0x3], $0x80, $0x38;
	[tilespmem:$0x1FA00] =	vst v63  }
0x2f5: {  	s0 =	sadd.s32 $0x14000, s10;
	s2 =	simm.s32 $0x16100  }
0x2f6: {  	s20 =	simm.s32 $0x10;
	s21 =	simm.s32 $0x16188;
	s22 =	sadd.s32 $0x0, s0  }
.LBB2_86:
0x2f7: {  	[hbm4b:s22+s3] =	stream.linear.scatter [tilespmem:s2], [sflag:$0x3], $0x80, $0x38;
	[tilespmem:$0x1FA00] =	vst v63  }
0x2f8: {  	s22 =	smov.u32 s20;
	s2 =	smov.u32 s21;
	p0 =	sne.s32 s20, $0x1F0  }
.Ltmp42:
0x2f9: {  	s20 =	sadd.s32 $0x10, s20;
	(pc) =	sbr.rel @p0 .LBB2_86-.Ltmp42, $2  }
0x2fa: {  	_ =	sdelay $0x2  }
0x2fb: {  	s21 =	sadd.s32 $0x88, s21;
	s22 =	sadd.s32 s22, s0  }
0x2fc: {  	[hbm4b:s22+s3] =	stream.linear.scatter [tilespmem:s2], [sflag:$0x3], $0x80, $0x38;
	[tilespmem:$0x1FA00] =	vst v63  }
0x2fd: {  	s2 =	sadd.s32 $0x18000, s10;
	s0 =	simm.s32 $0x17200  }
0x2fe: {  	s20 =	simm.s32 $0x10;
	s21 =	simm.s32 $0x17288;
	s22 =	sadd.s32 $0x0, s2  }
.LBB2_88:
0x2ff: {  	[hbm4b:s22+s3] =	stream.linear.scatter [tilespmem:s0], [sflag:$0x3], $0x80, $0x38;
	[tilespmem:$0x1FA00] =	vst v63  }
0x300: {  	s22 =	smov.u32 s20;
	s0 =	smov.u32 s21;
	p0 =	sne.s32 s20, $0x1F0  }
.Ltmp43:
0x301: {  	s20 =	sadd.s32 $0x10, s20;
	(pc) =	sbr.rel @p0 .LBB2_88-.Ltmp43, $2  }
0x302: {  	_ =	sdelay $0x2  }
0x303: {  	s21 =	sadd.s32 $0x88, s21;
	s22 =	sadd.s32 s22, s2  }
0x304: {  	s2 =	simm.s32 $0x0  }
0x305: {  	s21 =	simm.s32 $0x3;
	v13 =	vmov s2  }
0x306: {  	[hbm4b:s22+s3] =	stream.linear.scatter [tilespmem:s0], [sflag:$0x3], $0x80, $0x38;
	v14 =	vmov s21;
	v13 =	vmul.u32 $0x440, v13;
	[tilespmem:$0x1FA00] =	vst v63  }
0x307: {  	s22 =	simm.s32 $0x1;
	v20 =	vand.u32 $0x78, v14  }
0x308: {  	v25 =	vand.u32 $0x7, v14;
	v14 =	vmov s22;
	v16 =	vbroadcast v13, $0x0  }
0x309: {  	s20 =	simm.s32 $0x0;
	_ =	swait.ge [sflag:s30], $0x7000;
	v28 =	vand.u32 $0x5, v14  }
0x30a: {  	[sflag:s30] =	ssyncset.done $0x0;
	v26 =	vand.u32 $0x78, v14;
	v13 =	vmov s20;
	v15 =	vadd.s32 v9, v16  }
0x30b: {  	s0 =	simm.s32 $0xD30;
	[sflag:s30] =	ssyncadd.s32 $0xFFFF9000;
	s20 =	simm.s32 $0x2;
	v18 =	vand.u32 $0x4, v13;
	v21 =	vand.u32 $0x78, v13;
	v13 =	vadd.s32 v20, v15  }
0x30c: {  	v19 =	vld [tilespmem:s0+$0x80];
	v17 =	vmov s20;
	v14 =	vadd.s32 v21, v15;
	v13 =	vor.u32 v25, v13  }
0x30d: {  	v23 =	vld [tilespmem:s0+$0xFFFFFF00];
	v27 =	vand.u32 $0x78, v17;
	v22 =	vadd.s32 v26, v15;
	v24 =	vor.u32 v18, v14  }
0x30e: {  	v31 =	vand.u32 $0x6, v17;
	v17 =	vor.u32 v28, v22;
	v14 =	vadd.s32 v27, v15;
	v15 =	vld [tilespmem:s0+$0xFFFFFF80]  }
0x30f: {  	v29 =	vld [tilespmem:s0+$0x0];
	v30 =	vadd.s32 v10, v16;
	v36 =	vadd.s32 v11, v16;
	v22 =	vor.u32 v31, v14  }
0x310: {  	v60 =	vadd.s32 v12, v16;
	v32 =	vadd.s32 v21, v30;
	v37 =	vadd.s32 v21, v36  }
0x311: {  	v55 =	vadd.s32 v20, v36;
	[tilespmem:v13+s28+$0x0] =	vst.idx.msk vm0, v19;
	v13 =	vadd.s32 v20, v30  }
0x312: {  	v38 =	vadd.s32 v26, v36;
	[tilespmem:v24+s28+$0x0] =	vst.idx.msk vm0, v23;
	v33 =	vld [tilespmem:s0+$0x90];
	v13 =	vor.u32 v25, v13  }
0x313: {  	s20 =	simm.s32 $0x6;
	v32 =	vor.u32 v18, v32;
	v23 =	vadd.s32 v26, v30;
	[tilespmem:v17+s28+$0x0] =	vst.idx.msk vm0, v15;
	v24 =	vld [tilespmem:s0+$0xFFFFFF10]  }
0x314: {  	s21 =	simm.s32 $0x0;
	v34 =	vmov s20;
	v15 =	vadd.s32 v27, v30;
	v30 =	vld [tilespmem:s0+$0xFFFFFF90];
	v23 =	vor.u32 v28, v23;
	[tilespmem:v22+s28+$0x0] =	vst.idx.msk vm0, v29  }
0x315: {  	s23 =	simm.s32 $0x4;
	s24 =	simm.s32 $0x5;
	v56 =	vor.u32 v18, v37;
	v29 =	vor.u32 v31, v15;
	v22 =	vmov s21;
	v35 =	vld [tilespmem:s0+$0x10]  }
0x316: {  	v19 =	vmov s23;
	v17 =	vmov s24;
	v22 =	vmul.u32 $0x440, v22  }
0x317: {  	v20 =	vadd.s32 v20, v60;
	v14 =	vand.u32 $0x4, v19;
	v19 =	vand.u32 $0x78, v19;
	[tilespmem:v13+s28+$0x0] =	vst.idx.msk $0xffff, v33  }
0x318: {  	s22 =	simm.s32 $0x7;
	v15 =	vand.u32 $0x5, v17;
	v22 =	vbroadcast v22, $0x0;
	v33 =	vor.u32 v25, v55;
	[tilespmem:v32+s28+$0x0] =	vst.idx.msk $0xffff, v24;
	v39 =	vld [tilespmem:s0+$0xA0]  }
0x319: {  	v24 =	vadd.s32 v27, v36;
	[tilespmem:v23+s28+$0x0] =	vst.idx.msk $0xffff, v30;
	v23 =	vmov s22;
	v30 =	vor.u32 v28, v38;
	v57 =	vld [tilespmem:s0+$0xFFFFFF20]  }
0x31a: {  	v40 =	vor.u32 v31, v24;
	v58 =	vld [tilespmem:s0+$0xFFFFFFA0];
	[tilespmem:v29+s28+$0x0] =	vst.idx.msk $0xffff, v35;
	v29 =	vadd.s32 v9, v22;
	v24 =	vand.u32 $0x78, v23  }
0x31b: {  	s2 =	simm.s32 $0xF30;
	v17 =	vand.u32 $0x78, v17;
	v23 =	vand.u32 $0x7, v23;
	v41 =	vld [tilespmem:s0+$0x20];
	v59 =	vadd.s32 v24, v29  }
0x31c: {  	v61 =	vld [tilespmem:s2+$0x80];
	v20 =	vor.u32 v25, v20;
	v62 =	vadd.s32 v19, v29;
	v35 =	vor.u32 v23, v59  }
0x31d: {  	v43 =	vld [tilespmem:s2+$0xFFFFFF00];
	v16 =	vand.u32 $0x78, v34;
	v63 =	vadd.s32 v17, v29;
	[tilespmem:v33+s28+$0x0] =	vst.idx.msk $0xffff, v39;
	v33 =	vor.u32 v14, v62  }
0x31e: {  	v25 =	vadd.s32 v16, v29;
	v29 =	vld [tilespmem:s2+$0xFFFFFF80];
	v39 =	vor.u32 v15, v63;
	[tilespmem:v56+s28+$0x0] =	vst.idx.msk $0xffff, v57  }
0x31f: {  	v21 =	vadd.s32 v21, v60;
	v13 =	vand.u32 $0x6, v34;
	[tilespmem:v30+s28+$0x0] =	vst.idx.msk $0xffff, v58;
	v42 =	vld [tilespmem:s0+$0xB0]  }
0x320: {  	v45 =	vld [tilespmem:s2+$0x0];
	s20 =	simm.s32 $0x8;
	v46 =	vadd.s32 v26, v60;
	v44 =	vor.u32 v13, v25;
	[tilespmem:v40+s28+$0x0] =	vst.idx.msk $0xffff, v41  }
0x321: {  	v49 =	vor.u32 v18, v21;
	v21 =	vmov s20;
	v26 =	vadd.s32 v10, v22;
	v48 =	vld [tilespmem:s0+$0xFFFFFF30];
	[tilespmem:v35+s28+$0x0] =	vst.idx.msk vm0, v61  }
0x322: {  	v47 =	vadd.s32 v27, v60;
	v18 =	vand.u32 $0x4, v21;
	v30 =	vadd.s32 v24, v26;
	v25 =	vld [tilespmem:s0+$0xFFFFFFB0];
	[tilespmem:v33+s28+$0x0] =	vst.idx.msk vm0, v43  }
0x323: {  	v21 =	vand.u32 $0x78, v21;
	s21 =	simm.s32 $0x9;
	v27 =	vadd.s32 v19, v26;
	v37 =	vor.u32 v23, v30;
	v33 =	vld [tilespmem:s2+$0x90];
	[tilespmem:v39+s28+$0x0] =	vst.idx.msk vm0, v29  }
0x324: {  	s24 =	simm.s32 $0x0;
	v38 =	vor.u32 v14, v27;
	v27 =	vmov s21;
	[tilespmem:v20+s28+$0x0] =	vst.idx.msk $0xffff, v42;
	v20 =	vadd.s32 v17, v26;
	v34 =	vld [tilespmem:s2+$0xFFFFFF10]  }
0x325: {  	v40 =	vmov s24;
	[tilespmem:v44+s28+$0x0] =	vst.idx.msk vm0, v45;
	v26 =	vadd.s32 v16, v26;
	v32 =	vld [tilespmem:s2+$0xFFFFFF90];
	v36 =	vor.u32 v15, v20  }
0x326: {  	s23 =	simm.s32 $0xA;
	v35 =	vld [tilespmem:s2+$0x10];
	v29 =	vor.u32 v28, v46;
	v28 =	vor.u32 v31, v47;
	v30 =	vor.u32 v13, v26  }
0x327: {  	s21 =	simm.s32 $0xC;
	v39 =	vadd.s32 v11, v22;
	v31 =	vld [tilespmem:s0+$0x30];
	s0 =	simm.s32 $0xF30;
	[tilespmem:v49+s28+$0x0] =	vst.idx.msk $0xffff, v48;
	v26 =	vmov s23;
	v20 =	vand.u32 $0x5, v27  }
.LBB2_90:
0x328: {  	p0 =	slt.u32 s21, $0x1FC;
	v40 =	vmul.u32 $0x440, v40;
	v41 =	vadd.s32 v19, v39;
	[tilespmem:v37+s28+$0x0] =	vst.idx.msk $0xffff, v33;
	v33 =	vadd.s32 v24, v39  }
0x329: {  	v42 =	vand.u32 $0x6, v26;
	[tilespmem:v38+s28+$0x0] =	vst.idx.msk $0xffff, v34;
	v34 =	vadd.s32 v17, v39;
	v37 =	vld [tilespmem:s2+$0xA0];
	v33 =	vor.u32 v23, v33  }
0x32a: {  	s22 =	sadd.s32 $0x3, s20;
	s20 =	smov.u32 s21;
	v41 =	vor.u32 v14, v41;
	v38 =	vbroadcast v40, $0x0;
	v40 =	vld [tilespmem:s2+$0xFFFFFF20];
	[tilespmem:v36+s28+$0x0] =	vst.idx.msk $0xffff, v32;
	v32 =	vadd.s32 v16, v39  }
0x32b: {  	v36 =	vmov s22;
	v34 =	vor.u32 v15, v34;
	v39 =	vld [tilespmem:s2+$0xFFFFFFA0];
	[tilespmem:v30+s28+$0x0] =	vst.idx.msk $0xffff, v35;
	v43 =	vor.u32 v13, v32  }
0x32c: {  	v27 =	vand.u32 $0x78, v27;
	v32 =	vand.u32 $0x78, v36;
	v30 =	vadd.s32 v9, v38;
	v44 =	vld [tilespmem:s2+$0x20];
	[tilespmem:v29+s28+$0x0] =	vst.idx.msk $0xffff, v25  }
0x32d: {  	v35 =	vadd.s32 v12, v22;
	v25 =	vand.u32 $0x7, v36;
	s2 =	sadd.s32 $0x200, s2;
	v29 =	vadd.s32 v32, v30;
	[tilespmem:v28+s28+$0x0] =	vst.idx.msk $0xffff, v31  }
0x32e: {  	v26 =	vand.u32 $0x78, v26;
	v28 =	vld [tilespmem:s2+$0x80];
	v29 =	vor.u32 v25, v29;
	[tilespmem:v33+s28+$0x0] =	vst.idx.msk $0xffff, v37;
	v37 =	vadd.s32 v24, v35  }
0x32f: {  	v22 =	vmovc v38;
	v45 =	vadd.s32 v21, v30;
	v31 =	vadd.s32 v27, v30;
	v33 =	vld [tilespmem:s0+$0xB0];
	v36 =	vor.u32 v23, v37  }
0x330: {  	v46 =	vadd.s32 v26, v30;
	v38 =	vor.u32 v18, v45;
	v31 =	vor.u32 v20, v31;
	v24 =	vmovc v32;
	v37 =	vld [tilespmem:s2+$0xFFFFFF00]  }
0x331: {  	v19 =	vadd.s32 v19, v35;
	v45 =	vor.u32 v42, v46;
	v23 =	vmov v25;
	v30 =	vld [tilespmem:s2+$0xFFFFFF80];
	[tilespmem:v41+s28+$0x0] =	vst.idx.msk $0xffff, v40  }
0x332: {  	v41 =	vadd.s32 v16, v35;
	v40 =	vld [tilespmem:s2+$0x0];
	[tilespmem:v34+s28+$0x0] =	vst.idx.msk $0xffff, v39;
	v39 =	vadd.s32 v17, v35;
	v17 =	vmov v27  }
0x333: {  	v47 =	vor.u32 v14, v19;
	v16 =	vmov v26;
	v27 =	vadd.s32 v10, v22;
	[tilespmem:v29+s28+$0x0] =	vst.idx.msk vm0, v28;
	v46 =	vld [tilespmem:s0+$0xFFFFFF30]  }
0x334: {  	v19 =	vmov s21;
	v14 =	vmovc v18;
	v26 =	vadd.s32 v21, v27;
	v28 =	vadd.s32 v24, v27;
	v25 =	vld [tilespmem:s0+$0xFFFFFFB0];
	[tilespmem:v36+s28+$0x0] =	vst.idx.msk $0xffff, v33  }
.Ltmp44:
0x335: {  	v18 =	vand.u32 $0x4, v19;
	v29 =	vadd.s32 v17, v27;
	[tilespmem:v38+s28+$0x0] =	vst.idx.msk vm0, v37;
	v33 =	vld [tilespmem:s2+$0x90];
	v37 =	vor.u32 v23, v28;
	(pc) =	sbr.rel @p0 .LBB2_90-.Ltmp44, $4  }
0x336: {  	s22 =	sadd.s32 $0x1, s21;
	v48 =	vand.u32 $0x78, v19;
	v38 =	vor.u32 v14, v26;
	v26 =	vadd.s32 v16, v27;
	v34 =	vld [tilespmem:s2+$0xFFFFFF10];
	[tilespmem:v31+s28+$0x0] =	vst.idx.msk vm0, v30  }
0x337: {  	v19 =	vmovc v21;
	v36 =	vor.u32 v20, v29;
	v27 =	vmov s22;
	s22 =	sadd.s32 $0x2, s21;
	v30 =	vor.u32 v42, v26;
	v32 =	vld [tilespmem:s2+$0xFFFFFF90];
	[tilespmem:v45+s28+$0x0] =	vst.idx.msk vm0, v40  }
0x338: {  	s23 =	sshrl.u32 s21, $0x7;
	v29 =	vor.u32 v15, v39;
	v28 =	vor.u32 v13, v41;
	v13 =	vmovc v42;
	v26 =	vmov s22;
	v35 =	vld [tilespmem:s2+$0x10];
	[tilespmem:v43+s28+$0x0] =	vst.idx.msk $0xffff, v44  }
0x339: {  	v21 =	vmovc v48;
	v39 =	vadd.s32 v11, v22;
	v15 =	vmovc v20;
	s21 =	sadd.s32 $0x4, s21;
	v20 =	vand.u32 $0x5, v27;
	v40 =	vmov s23;
	[tilespmem:v47+s28+$0x0] =	vst.idx.msk $0xffff, v46;
	v31 =	vld [tilespmem:s0+$0x30];
	s0 =	smov.u32 s2  }
0x33a: {  	_ =	sdelay $0x2  }
0x33b: {  	v40 =	vmul.u32 $0x440, v40  }
0x33c: {  	v41 =	vadd.s32 v19, v39;
	v42 =	vadd.s32 v24, v39;
	[tilespmem:v37+s28+$0x0] =	vst.idx.msk $0xffff, v33;
	v33 =	vand.u32 $0x6, v26  }
0x33d: {  	v57 =	vadd.s32 v17, v39;
	s20 =	sadd.s32 $0x3, s20;
	v62 =	vadd.s32 v16, v39;
	v40 =	vbroadcast v40, $0x0  }
0x33e: {  	v27 =	vand.u32 $0x78, v27;
	[tilespmem:v29+s28+$0x0] =	vst.idx.msk $0xffff, v25;
	v22 =	vadd.s32 v12, v22;
	v60 =	vmov s20  }
0x33f: {  	[tilespmem:v38+s28+$0x0] =	vst.idx.msk $0xffff, v34;
	v58 =	vor.u32 v23, v42;
	v61 =	vld [tilespmem:s2+$0xA0];
	v39 =	vand.u32 $0x78, v60;
	v63 =	vadd.s32 v9, v40  }
0x340: {  	s24 =	sadd.s32 $0x200, s2;
	v59 =	vor.u32 v14, v41;
	v43 =	vld [tilespmem:s2+$0xFFFFFF20];
	[tilespmem:v30+s28+$0x0] =	vst.idx.msk $0xffff, v35;
	v30 =	vand.u32 $0x7, v60;
	v45 =	vadd.s32 v39, v63  }
0x341: {  	v37 =	vor.u32 v15, v57;
	v46 =	vld [tilespmem:s24+$0x80];
	v48 =	vadd.s32 v21, v63;
	v47 =	vor.u32 v30, v45  }
0x342: {  	v26 =	vand.u32 $0x78, v26;
	v50 =	vld [tilespmem:s24+$0xFFFFFF00];
	[tilespmem:v36+s28+$0x0] =	vst.idx.msk $0xffff, v32;
	v49 =	vadd.s32 v27, v63;
	v35 =	vor.u32 v18, v48  }
0x343: {  	v51 =	vld [tilespmem:s24+$0xFFFFFF80];
	[tilespmem:v28+s28+$0x0] =	vst.idx.msk $0xffff, v31;
	v36 =	vadd.s32 v26, v63;
	v28 =	vor.u32 v20, v49  }
0x344: {  	v53 =	vld [tilespmem:s24+$0x0];
	v55 =	vadd.s32 v24, v22;
	[tilespmem:v58+s28+$0x0] =	vst.idx.msk $0xffff, v61;
	v52 =	vor.u32 v33, v36  }
0x345: {  	v41 =	vadd.s32 v19, v22;
	v54 =	vld [tilespmem:s2+$0xFFFFFFA0];
	v56 =	vadd.s32 v10, v40;
	[tilespmem:v59+s28+$0x0] =	vst.idx.msk $0xffff, v43  }
0x346: {  	v32 =	vor.u32 v13, v62;
	v44 =	vld [tilespmem:s2+$0x20];
	v59 =	vadd.s32 v39, v56;
	[tilespmem:v47+s28+$0x0] =	vst.idx.msk vm0, v46  }
0x347: {  	v60 =	vadd.s32 v21, v56;
	v24 =	vor.u32 v30, v59;
	[tilespmem:v35+s28+$0x0] =	vst.idx.msk vm0, v50;
	v29 =	vld [tilespmem:s24+$0x90]  }
0x348: {  	v61 =	vadd.s32 v27, v56;
	v25 =	vor.u32 v18, v60;
	[tilespmem:v28+s28+$0x0] =	vst.idx.msk vm0, v51;
	v35 =	vld [tilespmem:s24+$0xFFFFFF10]  }
0x349: {  	v62 =	vadd.s32 v26, v56;
	v31 =	vor.u32 v20, v61;
	[tilespmem:v52+s28+$0x0] =	vst.idx.msk vm0, v53;
	v63 =	vld [tilespmem:s24+$0xFFFFFF90]  }
0x34a: {  	v14 =	vor.u32 v14, v41;
	[tilespmem:v37+s28+$0x0] =	vst.idx.msk $0xffff, v54;
	v28 =	vor.u32 v33, v62;
	v34 =	vld [tilespmem:s24+$0x10]  }
0x34b: {  	v58 =	vor.u32 v23, v55;
	v57 =	vld [tilespmem:s0+$0xB0];
	[tilespmem:v32+s28+$0x0] =	vst.idx.msk $0xffff, v44;
	v46 =	vadd.s32 v11, v40  }
0x34c: {  	v45 =	vadd.s32 v17, v22;
	v47 =	vld [tilespmem:s0+$0xFFFFFF30];
	v48 =	vadd.s32 v39, v46;
	[tilespmem:v24+s28+$0x0] =	vst.idx.msk $0xffff, v29  }
0x34d: {  	v49 =	vadd.s32 v21, v46;
	v19 =	vor.u32 v30, v48;
	[tilespmem:v25+s28+$0x0] =	vst.idx.msk $0xffff, v35;
	v50 =	vld [tilespmem:s24+$0xA0]  }
0x34e: {  	v51 =	vadd.s32 v27, v46;
	v24 =	vor.u32 v18, v49;
	[tilespmem:v31+s28+$0x0] =	vst.idx.msk $0xffff, v63;
	v35 =	vld [tilespmem:s24+$0xFFFFFF20]  }
0x34f: {  	v23 =	vadd.s32 v26, v46;
	v29 =	vor.u32 v20, v51;
	[tilespmem:v28+s28+$0x0] =	vst.idx.msk $0xffff, v34;
	v31 =	vld [tilespmem:s24+$0xFFFFFFA0]  }
0x350: {  	v15 =	vor.u32 v15, v45;
	[tilespmem:v58+s28+$0x0] =	vst.idx.msk $0xffff, v57;
	v53 =	vor.u32 v33, v23;
	v54 =	vld [tilespmem:s24+$0x20]  }
0x351: {  	v55 =	vld [tilespmem:s0+$0xFFFFFFB0];
	v52 =	vadd.s32 v16, v22;
	[tilespmem:v14+s28+$0x0] =	vst.idx.msk $0xffff, v47;
	v14 =	vadd.s32 v12, v40  }
0x352: {  	v56 =	vld [tilespmem:s0+$0x30];
	v13 =	vor.u32 v13, v52;
	v57 =	vadd.s32 v39, v14;
	[tilespmem:v19+s28+$0x0] =	vst.idx.msk $0xffff, v50  }
0x353: {  	v58 =	vadd.s32 v21, v14;
	v17 =	vor.u32 v30, v57;
	[tilespmem:v24+s28+$0x0] =	vst.idx.msk $0xffff, v35;
	v19 =	vld [tilespmem:s24+$0xB0]  }
0x354: {  	v59 =	vadd.s32 v27, v14;
	v61 =	vor.u32 v18, v58;
	[tilespmem:v29+s28+$0x0] =	vst.idx.msk $0xffff, v31;
	v60 =	vld [tilespmem:s24+$0xFFFFFF30]  }
0x355: {  	v14 =	vadd.s32 v26, v14;
	v63 =	vor.u32 v20, v59;
	[tilespmem:v53+s28+$0x0] =	vst.idx.msk $0xffff, v54;
	v62 =	vld [tilespmem:s24+$0xFFFFFFB0]  }
0x356: {  	[tilespmem:v15+s28+$0x0] =	vst.idx.msk $0xffff, v55;
	v14 =	vor.u32 v33, v14;
	v15 =	vld [tilespmem:s24+$0x30]  }
0x357: {  	[tilespmem:v13+s28+$0x0] =	vst.idx.msk $0xffff, v56  }
0x358: {  	[tilespmem:v17+s28+$0x0] =	vst.idx.msk $0xffff, v19  }
0x359: {  	[tilespmem:v61+s28+$0x0] =	vst.idx.msk $0xffff, v60  }
0x35a: {  	s21 =	sadd.s32 $0x0, s15;
	[tilespmem:v63+s28+$0x0] =	vst.idx.msk $0xffff, v62  }
0x35b: {  	s20 =	simm.s32 $0x18388;
	s2 =	simm.s32 $0x10;
	s0 =	simm.s32 $0x18300;
	[tilespmem:v14+s28+$0x0] =	vst.idx.msk $0xffff, v15  }
.LBB2_92:
0x35c: {  	[hbm4b:s21+s3] =	stream.linear.scatter [tilespmem:s0], [sflag:$0x4], $0x80, $0x38;
	[tilespmem:$0x1FA00] =	vst v63  }
0x35d: {  	s21 =	smov.u32 s2;
	s0 =	smov.u32 s20;
	p0 =	sne.s32 s2, $0x1F0  }
.Ltmp45:
0x35e: {  	s2 =	sadd.s32 $0x10, s2;
	(pc) =	sbr.rel @p0 .LBB2_92-.Ltmp45, $2  }
0x35f: {  	_ =	sdelay $0x2  }
0x360: {  	s20 =	sadd.s32 $0x88, s20;
	s21 =	sadd.s32 s21, s15  }
0x361: {  	[hbm4b:s21+s3] =	stream.linear.scatter [tilespmem:s0], [sflag:$0x4], $0x80, $0x38;
	[tilespmem:$0x1FA00] =	vst v63  }
0x362: {  	s0 =	sadd.s32 $0x4000, s15;
	s2 =	simm.s32 $0x19400  }
0x363: {  	s20 =	simm.s32 $0x10;
	s21 =	simm.s32 $0x19488;
	s22 =	sadd.s32 $0x0, s0  }
.LBB2_94:
0x364: {  	[hbm4b:s22+s3] =	stream.linear.scatter [tilespmem:s2], [sflag:$0x4], $0x80, $0x38;
	[tilespmem:$0x1FA00] =	vst v63  }
0x365: {  	s22 =	smov.u32 s20;
	s2 =	smov.u32 s21;
	p0 =	sne.s32 s20, $0x1F0  }
.Ltmp46:
0x366: {  	s20 =	sadd.s32 $0x10, s20;
	(pc) =	sbr.rel @p0 .LBB2_94-.Ltmp46, $2  }
0x367: {  	_ =	sdelay $0x2  }
0x368: {  	s21 =	sadd.s32 $0x88, s21;
	s22 =	sadd.s32 s22, s0  }
0x369: {  	[hbm4b:s22+s3] =	stream.linear.scatter [tilespmem:s2], [sflag:$0x4], $0x80, $0x38;
	[tilespmem:$0x1FA00] =	vst v63  }
0x36a: {  	s0 =	sadd.s32 $0x8000, s15;
	s2 =	simm.s32 $0x1A500  }
0x36b: {  	s20 =	simm.s32 $0x10;
	s21 =	simm.s32 $0x1A588;
	s22 =	sadd.s32 $0x0, s0  }
.LBB2_96:
0x36c: {  	[hbm4b:s22+s3] =	stream.linear.scatter [tilespmem:s2], [sflag:$0x4], $0x80, $0x38;
	[tilespmem:$0x1FA00] =	vst v63  }
0x36d: {  	s22 =	smov.u32 s20;
	s2 =	smov.u32 s21;
	p0 =	sne.s32 s20, $0x1F0  }
.Ltmp47:
0x36e: {  	s20 =	sadd.s32 $0x10, s20;
	(pc) =	sbr.rel @p0 .LBB2_96-.Ltmp47, $2  }
0x36f: {  	_ =	sdelay $0x2  }
0x370: {  	s21 =	sadd.s32 $0x88, s21;
	s22 =	sadd.s32 s22, s0  }
0x371: {  	[hbm4b:s22+s3] =	stream.linear.scatter [tilespmem:s2], [sflag:$0x4], $0x80, $0x38;
	[tilespmem:$0x1FA00] =	vst v63  }
0x372: {  	s0 =	sadd.s32 $0xC000, s15;
	s2 =	simm.s32 $0x1B600  }
0x373: {  	s20 =	simm.s32 $0x10;
	s21 =	simm.s32 $0x1B688;
	s22 =	sadd.s32 $0x0, s0  }
.LBB2_98:
0x374: {  	[hbm4b:s22+s3] =	stream.linear.scatter [tilespmem:s2], [sflag:$0x4], $0x80, $0x38;
	[tilespmem:$0x1FA00] =	vst v63  }
0x375: {  	s22 =	smov.u32 s20;
	s2 =	smov.u32 s21;
	p0 =	sne.s32 s20, $0x1F0  }
.Ltmp48:
0x376: {  	s20 =	sadd.s32 $0x10, s20;
	(pc) =	sbr.rel @p0 .LBB2_98-.Ltmp48, $2  }
0x377: {  	_ =	sdelay $0x2  }
0x378: {  	s21 =	sadd.s32 $0x88, s21;
	s22 =	sadd.s32 s22, s0  }
0x379: {  	[hbm4b:s22+s3] =	stream.linear.scatter [tilespmem:s2], [sflag:$0x4], $0x80, $0x38;
	[tilespmem:$0x1FA00] =	vst v63  }
0x37a: {  	s0 =	sadd.s32 $0x10000, s15;
	s2 =	simm.s32 $0x1C700  }
0x37b: {  	s20 =	simm.s32 $0x10;
	s21 =	simm.s32 $0x1C788;
	s22 =	sadd.s32 $0x0, s0  }
.LBB2_100:
0x37c: {  	[hbm4b:s22+s3] =	stream.linear.scatter [tilespmem:s2], [sflag:$0x4], $0x80, $0x38;
	[tilespmem:$0x1FA00] =	vst v63  }
0x37d: {  	s22 =	smov.u32 s20;
	s2 =	smov.u32 s21;
	p0 =	sne.s32 s20, $0x1F0  }
.Ltmp49:
0x37e: {  	s20 =	sadd.s32 $0x10, s20;
	(pc) =	sbr.rel @p0 .LBB2_100-.Ltmp49, $2  }
0x37f: {  	_ =	sdelay $0x2  }
0x380: {  	s21 =	sadd.s32 $0x88, s21;
	s22 =	sadd.s32 s22, s0  }
0x381: {  	[hbm4b:s22+s3] =	stream.linear.scatter [tilespmem:s2], [sflag:$0x4], $0x80, $0x38;
	[tilespmem:$0x1FA00] =	vst v63  }
0x382: {  	s0 =	sadd.s32 $0x14000, s15;
	s2 =	simm.s32 $0x1D800  }
0x383: {  	s20 =	simm.s32 $0x10;
	s21 =	simm.s32 $0x1D888;
	s22 =	sadd.s32 $0x0, s0  }
.LBB2_102:
0x384: {  	[hbm4b:s22+s3] =	stream.linear.scatter [tilespmem:s2], [sflag:$0x4], $0x80, $0x38;
	[tilespmem:$0x1FA00] =	vst v63  }
0x385: {  	s22 =	smov.u32 s20;
	s2 =	smov.u32 s21;
	p0 =	sne.s32 s20, $0x1F0  }
.Ltmp50:
0x386: {  	s20 =	sadd.s32 $0x10, s20;
	(pc) =	sbr.rel @p0 .LBB2_102-.Ltmp50, $2  }
0x387: {  	_ =	sdelay $0x2  }
0x388: {  	s21 =	sadd.s32 $0x88, s21;
	s22 =	sadd.s32 s22, s0  }
0x389: {  	[hbm4b:s22+s3] =	stream.linear.scatter [tilespmem:s2], [sflag:$0x4], $0x80, $0x38;
	[tilespmem:$0x1FA00] =	vst v63  }
0x38a: {  	s0 =	sadd.s32 $0x18000, s15;
	s2 =	simm.s32 $0x1E900  }
0x38b: {  	s20 =	simm.s32 $0x10;
	s21 =	simm.s32 $0x1E988;
	s22 =	sadd.s32 $0x0, s0  }
.LBB2_104:
0x38c: {  	[hbm4b:s22+s3] =	stream.linear.scatter [tilespmem:s2], [sflag:$0x4], $0x80, $0x38;
	[tilespmem:$0x1FA00] =	vst v63  }
0x38d: {  	s22 =	smov.u32 s20;
	s2 =	smov.u32 s21;
	p0 =	sne.s32 s20, $0x1F0  }
.Ltmp51:
0x38e: {  	s20 =	sadd.s32 $0x10, s20;
	(pc) =	sbr.rel @p0 .LBB2_104-.Ltmp51, $2  }
0x38f: {  	_ =	sdelay $0x2  }
0x390: {  	s21 =	sadd.s32 $0x88, s21;
	s22 =	sadd.s32 s22, s0  }
0x391: {  	s0 =	simm.s32 $0x0  }
0x392: {  	[hbm4b:s22+s3] =	stream.linear.scatter [tilespmem:s2], [sflag:$0x4], $0x80, $0x38;
	v13 =	vmov s0;
	[tilespmem:$0x1FA00] =	vst v63  }
0x393: {  	s23 =	simm.s32 $0x0;
	v13 =	vmul.u32 $0x440, v13  }
0x394: {  	s24 =	simm.s32 $0x1;
	s2 =	simm.s32 $0x2;
	v14 =	vmov s23  }
0x395: {  	s20 =	simm.s32 $0x3;
	v16 =	vmov s24;
	v18 =	vmov s2;
	v13 =	vbroadcast v13, $0x0  }
0x396: {  	_ =	swait.ge [sflag:s29], $0x7000;
	v20 =	vmov s20;
	v15 =	vand.u32 $0x78, v14;
	v14 =	vand.u32 $0x4, v14  }
0x397: {  	v17 =	vand.u32 $0x5, v16;
	[sflag:s29] =	ssyncset.done $0x0;
	v21 =	vand.u32 $0x78, v20;
	v13 =	vadd.s32 v5, v13  }
0x398: {  	s0 =	simm.s32 $0xD70;
	v20 =	vand.u32 $0x7, v20;
	[sflag:s29] =	ssyncadd.s32 $0xFFFF9000;
	v15 =	vadd.s32 v15, v13;
	v21 =	vadd.s32 v21, v13  }
0x399: {  	s23 =	simm.s32 $0x6;
	v16 =	vand.u32 $0x78, v16;
	v20 =	vor.u32 v20, v21;
	v21 =	vld [tilespmem:s0+$0xFFFFFF00];
	v14 =	vor.u32 v14, v15  }
0x39a: {  	s21 =	simm.s32 $0x0;
	v19 =	vand.u32 $0x6, v18;
	v18 =	vand.u32 $0x78, v18;
	v25 =	vmov s23  }
0x39b: {  	s24 =	simm.s32 $0x7;
	v22 =	vld [tilespmem:s0+$0x80];
	v16 =	vadd.s32 v16, v13;
	v13 =	vadd.s32 v18, v13;
	v18 =	vmov s21  }
0x39c: {  	s20 =	simm.s32 $0x4;
	v27 =	vmov s24;
	v23 =	vld [tilespmem:s0+$0xFFFFFF80];
	v16 =	vor.u32 v17, v16;
	v17 =	vmul.u32 $0x440, v18  }
0x39d: {  	s22 =	simm.s32 $0x5;
	v62 =	vand.u32 $0x7, v27;
	v15 =	vmov s20;
	v13 =	vor.u32 v19, v13  }
0x39e: {  	v19 =	vmov s22;
	v24 =	vand.u32 $0x78, v15;
	v17 =	vbroadcast v17, $0x0;
	[tilespmem:v14+s26+$0x0] =	vst.idx.msk $0xffff, v21;
	v14 =	vld [tilespmem:s0+$0x0]  }
0x39f: {  	v15 =	vand.u32 $0x4, v15;
	v18 =	vand.u32 $0x5, v19;
	v26 =	vand.u32 $0x78, v19  }
0x3a0: {  	v19 =	vand.u32 $0x6, v25;
	v17 =	vadd.s32 v5, v17;
	[tilespmem:v20+s26+$0x0] =	vst.idx.msk $0xffff, v22;
	v22 =	vand.u32 $0x78, v27  }
0x3a1: {  	v25 =	vand.u32 $0x78, v25;
	v20 =	vadd.s32 v24, v17;
	[tilespmem:v16+s26+$0x0] =	vst.idx.msk $0xffff, v23;
	s0 =	simm.s32 $0xF70;
	v63 =	vadd.s32 v22, v17  }
0x3a2: {  	s2 =	simm.s32 $0x8;
	s21 =	simm.s32 $0x0;
	s20 =	simm.s32 $0xC;
	v21 =	vadd.s32 v25, v17;
	v22 =	vadd.s32 v26, v17;
	v16 =	vld [tilespmem:s0+$0x80];
	v17 =	vor.u32 v62, v63  }
.LBB2_106:
0x3a3: {  	p0 =	slt.u32 s20, $0x1FC;
	v23 =	vmov s21;
	v24 =	vld [tilespmem:s0+$0xFFFFFF00];
	v20 =	vor.u32 v15, v20;
	v22 =	vor.u32 v18, v22;
	[tilespmem:v13+s26+$0x0] =	vst.idx.msk $0xffff, v14  }
0x3a4: {  	v14 =	vmov s2;
	s21 =	sadd.s32 $0x1, s2;
	v13 =	vor.u32 v19, v21;
	v18 =	vmul.u32 $0x440, v23;
	v23 =	vld [tilespmem:s0+$0xFFFFFF80]  }
0x3a5: {  	v21 =	vand.u32 $0x78, v14;
	v15 =	vand.u32 $0x4, v14;
	v19 =	vmov s21;
	s21 =	sadd.s32 $0x2, s2;
	v14 =	vld [tilespmem:s0+$0x0]  }
.Ltmp52:
0x3a6: {  	v26 =	vmov s21;
	s21 =	sadd.s32 $0x3, s2;
	s2 =	smov.u32 s20;
	v25 =	vbroadcast v18, $0x0;
	v18 =	vand.u32 $0x5, v19;
	(pc) =	sbr.rel @p0 .LBB2_106-.Ltmp52, $4  }
0x3a7: {  	v27 =	vand.u32 $0x78, v19;
	v19 =	vand.u32 $0x6, v26;
	v28 =	vmov s21;
	[tilespmem:v17+s26+$0x0] =	vst.idx.msk $0xffff, v16  }
0x3a8: {  	v17 =	vand.u32 $0x78, v26;
	v16 =	vadd.s32 v5, v25;
	v25 =	vand.u32 $0x78, v28;
	[tilespmem:v20+s26+$0x0] =	vst.idx.msk $0xffff, v24  }
0x3a9: {  	s0 =	sadd.s32 $0x200, s0;
	v24 =	vand.u32 $0x7, v28;
	v20 =	vadd.s32 v21, v16;
	v25 =	vadd.s32 v25, v16;
	[tilespmem:v22+s26+$0x0] =	vst.idx.msk $0xffff, v23  }
0x3aa: {  	s20 =	sadd.s32 $0x4, s20;
	s21 =	sshrl.u32 s2, $0x7;
	v22 =	vadd.s32 v27, v16;
	v21 =	vadd.s32 v17, v16;
	v16 =	vld [tilespmem:s0+$0x80];
	v17 =	vor.u32 v24, v25  }
0x3ab: {  	v23 =	vmov s21  }
0x3ac: {  	v23 =	vmul.u32 $0x440, v23  }
0x3ad: {  	v15 =	vor.u32 v15, v20;
	v18 =	vor.u32 v18, v22;
	v55 =	vmov s2  }
0x3ae: {  	s20 =	sadd.s32 $0x1, s2;
	v19 =	vor.u32 v19, v21;
	s23 =	sadd.s32 $0x3, s2;
	v56 =	vand.u32 $0x78, v55;
	v57 =	vbroadcast v23, $0x0  }
0x3af: {  	v58 =	vld [tilespmem:s0+$0xFFFFFF00];
	s24 =	sadd.s32 $0x2, s2;
	v20 =	vand.u32 $0x4, v55;
	v24 =	vmov s20;
	v25 =	vmov s23  }
0x3b0: {  	v26 =	vld [tilespmem:s0+$0xFFFFFF80];
	v30 =	vmov s24;
	v28 =	vand.u32 $0x78, v25;
	v22 =	vadd.s32 v5, v57  }
0x3b1: {  	v29 =	vld [tilespmem:s0+$0x0];
	s20 =	sadd.s32 $0x200, s0;
	v27 =	vand.u32 $0x5, v24;
	v25 =	vand.u32 $0x7, v25;
	v28 =	vadd.s32 v28, v22  }
0x3b2: {  	[tilespmem:v13+s26+$0x0] =	vst.idx.msk $0xffff, v14;
	v13 =	vand.u32 $0x78, v24;
	v60 =	vld [tilespmem:s20+$0x80];
	v14 =	vadd.s32 v56, v22;
	v59 =	vor.u32 v25, v28  }
0x3b3: {  	v61 =	vand.u32 $0x78, v30;
	v62 =	vld [tilespmem:s20+$0xFFFFFF00];
	[tilespmem:v17+s26+$0x0] =	vst.idx.msk $0xffff, v16;
	v13 =	vadd.s32 v13, v22;
	v14 =	vor.u32 v20, v14  }
0x3b4: {  	v63 =	vand.u32 $0x6, v30;
	[tilespmem:v15+s26+$0x0] =	vst.idx.msk $0xffff, v58;
	v15 =	vadd.s32 v61, v22;
	v13 =	vor.u32 v27, v13;
	v25 =	vld [tilespmem:s20+$0xFFFFFF80]  }
0x3b5: {  	[tilespmem:v18+s26+$0x0] =	vst.idx.msk $0xffff, v26;
	v15 =	vor.u32 v63, v15;
	v27 =	vld [tilespmem:s20+$0x0]  }
0x3b6: {  	[tilespmem:v19+s26+$0x0] =	vst.idx.msk $0xffff, v29  }
0x3b7: {  	[tilespmem:v59+s26+$0x0] =	vst.idx.msk $0xffff, v60  }
0x3b8: {  	[tilespmem:v14+s26+$0x0] =	vst.idx.msk $0xffff, v62  }
0x3b9: {  	[tilespmem:v13+s26+$0x0] =	vst.idx.msk $0xffff, v25  }
0x3ba: {  	[tilespmem:v15+s26+$0x0] =	vst.idx.msk $0xffff, v27  }
0x3bb: {  	v13 =	vld [tilespmem:$0x200]  }
0x3bc: {  	v14 =	vld [tilespmem:$0x400]  }
0x3bd: {  	v15 =	vld [tilespmem:$0x600]  }
0x3be: {  	v16 =	vld [tilespmem:$0x210]  }
0x3bf: {  	v17 =	vld [tilespmem:$0x410]  }
0x3c0: {  	[tilespmem:$0x12E00] =	vst v13;
	v13 =	vld [tilespmem:$0x610]  }
0x3c1: {  	v28 =	vld [tilespmem:$0x620];
	[tilespmem:$0x12E88] =	vst v14  }
0x3c2: {  	v29 =	vld [tilespmem:$0x230];
	[tilespmem:$0x12F10] =	vst v15  }
0x3c3: {  	v14 =	vld [tilespmem:$0x220];
	[tilespmem:$0x12E10] =	vst v16  }
0x3c4: {  	v15 =	vld [tilespmem:$0x420];
	[tilespmem:$0x12E98] =	vst v17  }
0x3c5: {  	[tilespmem:$0x12F20] =	vst v13;
	v13 =	vld [tilespmem:$0x430]  }
0x3c6: {  	v30 =	vld [tilespmem:$0x440];
	[tilespmem:$0x12F30] =	vst v28  }
0x3c7: {  	v31 =	vld [tilespmem:$0x640];
	[tilespmem:$0x12E30] =	vst v29  }
0x3c8: {  	[tilespmem:$0x12E20] =	vst v14;
	v14 =	vld [tilespmem:$0x630]  }
0x3c9: {  	[tilespmem:$0x12EA8] =	vst v15;
	v15 =	vld [tilespmem:$0x240]  }
0x3ca: {  	[tilespmem:$0x12EB8] =	vst v13;
	v13 =	vld [tilespmem:$0x250]  }
0x3cb: {  	v32 =	vld [tilespmem:$0x260];
	[tilespmem:$0x12EC8] =	vst v30  }
0x3cc: {  	v33 =	vld [tilespmem:$0x460];
	[tilespmem:$0x12F50] =	vst v31  }
0x3cd: {  	[tilespmem:$0x12F40] =	vst v14;
	v14 =	vld [tilespmem:$0x450]  }
0x3ce: {  	[tilespmem:$0x12E40] =	vst v15;
	v15 =	vld [tilespmem:$0x650]  }
0x3cf: {  	[tilespmem:$0x12E50] =	vst v13;
	v13 =	vld [tilespmem:$0x660]  }
0x3d0: {  	v34 =	vld [tilespmem:$0x670];
	[tilespmem:$0x12E60] =	vst v32  }
0x3d1: {  	v35 =	vld [tilespmem:$0x280];
	[tilespmem:$0x12EE8] =	vst v33  }
0x3d2: {  	[tilespmem:$0x12ED8] =	vst v14;
	v14 =	vld [tilespmem:$0x270]  }
0x3d3: {  	[tilespmem:$0x12F60] =	vst v15;
	v15 =	vld [tilespmem:$0x470]  }
0x3d4: {  	[tilespmem:$0x12F70] =	vst v13;
	v13 =	vld [tilespmem:$0x480]  }
0x3d5: {  	v36 =	vld [tilespmem:$0x490];
	[tilespmem:$0x12F80] =	vst v34  }
0x3d6: {  	v37 =	vld [tilespmem:$0x690];
	[tilespmem:$0x13240] =	vst v35  }
0x3d7: {  	[tilespmem:$0x12E70] =	vst v14;
	v14 =	vld [tilespmem:$0x680]  }
0x3d8: {  	[tilespmem:$0x12EF8] =	vst v15;
	v15 =	vld [tilespmem:$0x290]  }
0x3d9: {  	[tilespmem:$0x132C8] =	vst v13;
	v13 =	vld [tilespmem:$0x2A0]  }
0x3da: {  	v38 =	vld [tilespmem:$0x2B0];
	[tilespmem:$0x132D8] =	vst v36  }
0x3db: {  	v39 =	vld [tilespmem:$0x4B0];
	[tilespmem:$0x13360] =	vst v37  }
0x3dc: {  	[tilespmem:$0x13350] =	vst v14;
	v14 =	vld [tilespmem:$0x4A0]  }
0x3dd: {  	[tilespmem:$0x13250] =	vst v15;
	v15 =	vld [tilespmem:$0x6A0]  }
0x3de: {  	[tilespmem:$0x13260] =	vst v13;
	v13 =	vld [tilespmem:$0x6B0]  }
0x3df: {  	v40 =	vld [tilespmem:$0x6C0];
	[tilespmem:$0x13270] =	vst v38  }
0x3e0: {  	v41 =	vld [tilespmem:$0x2D0];
	[tilespmem:$0x132F8] =	vst v39  }
0x3e1: {  	[tilespmem:$0x132E8] =	vst v14;
	v14 =	vld [tilespmem:$0x2C0]  }
0x3e2: {  	[tilespmem:$0x13370] =	vst v15;
	v15 =	vld [tilespmem:$0x4C0]  }
0x3e3: {  	[tilespmem:$0x13380] =	vst v13;
	v13 =	vld [tilespmem:$0x4D0]  }
0x3e4: {  	v42 =	vld [tilespmem:$0x4E0];
	[tilespmem:$0x13390] =	vst v40  }
0x3e5: {  	v43 =	vld [tilespmem:$0x6E0];
	[tilespmem:$0x13290] =	vst v41  }
0x3e6: {  	[tilespmem:$0x13280] =	vst v14;
	v14 =	vld [tilespmem:$0x6D0]  }
0x3e7: {  	[tilespmem:$0x13308] =	vst v15;
	v15 =	vld [tilespmem:$0x2E0]  }
0x3e8: {  	[tilespmem:$0x13318] =	vst v13;
	v13 =	vld [tilespmem:$0x2F0]  }
0x3e9: {  	v44 =	vld [tilespmem:$0x300];
	[tilespmem:$0x13328] =	vst v42  }
0x3ea: {  	v45 =	vld [tilespmem:$0x500];
	[tilespmem:$0x133B0] =	vst v43  }
0x3eb: {  	[tilespmem:$0x133A0] =	vst v14;
	v14 =	vld [tilespmem:$0x4F0]  }
0x3ec: {  	[tilespmem:$0x132A0] =	vst v15;
	v15 =	vld [tilespmem:$0x6F0]  }
0x3ed: {  	[tilespmem:$0x132B0] =	vst v13;
	v13 =	vld [tilespmem:$0x700]  }
0x3ee: {  	v46 =	vld [tilespmem:$0x710];
	[tilespmem:$0x13680] =	vst v44  }
0x3ef: {  	v47 =	vld [tilespmem:$0x320];
	[tilespmem:$0x13708] =	vst v45  }
0x3f0: {  	[tilespmem:$0x13338] =	vst v14;
	v14 =	vld [tilespmem:$0x310]  }
0x3f1: {  	[tilespmem:$0x133C0] =	vst v15;
	v15 =	vld [tilespmem:$0x510]  }
0x3f2: {  	[tilespmem:$0x13790] =	vst v13;
	v13 =	vld [tilespmem:$0x520]  }
0x3f3: {  	v48 =	vld [tilespmem:$0x530];
	[tilespmem:$0x137A0] =	vst v46  }
0x3f4: {  	v49 =	vld [tilespmem:$0x730];
	[tilespmem:$0x136A0] =	vst v47  }
0x3f5: {  	[tilespmem:$0x13690] =	vst v14;
	v14 =	vld [tilespmem:$0x720]  }
0x3f6: {  	[tilespmem:$0x13718] =	vst v15;
	v15 =	vld [tilespmem:$0x330]  }
0x3f7: {  	[tilespmem:$0x13728] =	vst v13;
	v13 =	vld [tilespmem:$0x340]  }
0x3f8: {  	v50 =	vld [tilespmem:$0x350];
	[tilespmem:$0x13738] =	vst v48  }
0x3f9: {  	v51 =	vld [tilespmem:$0x550];
	[tilespmem:$0x137C0] =	vst v49  }
0x3fa: {  	[tilespmem:$0x137B0] =	vst v14;
	v14 =	vld [tilespmem:$0x540]  }
0x3fb: {  	[tilespmem:$0x136B0] =	vst v15;
	v15 =	vld [tilespmem:$0x740]  }
0x3fc: {  	[tilespmem:$0x136C0] =	vst v13;
	v13 =	vld [tilespmem:$0x750]  }
0x3fd: {  	v52 =	vld [tilespmem:$0x760];
	[tilespmem:$0x136D0] =	vst v50  }
0x3fe: {  	v53 =	vld [tilespmem:$0x370];
	[tilespmem:$0x13758] =	vst v51  }
0x3ff: {  	[tilespmem:$0x13748] =	vst v14;
	v14 =	vld [tilespmem:$0x360]  }
0x400: {  	[tilespmem:$0x137D0] =	vst v15;
	v15 =	vld [tilespmem:$0x560]  }
0x401: {  	[tilespmem:$0x137E0] =	vst v13;
	v13 =	vld [tilespmem:$0x570]  }
0x402: {  	v54 =	vld [tilespmem:$0x580];
	[tilespmem:$0x137F0] =	vst v52  }
0x403: {  	v55 =	vld [tilespmem:$0x780];
	[tilespmem:$0x136F0] =	vst v53  }
0x404: {  	[tilespmem:$0x136E0] =	vst v14;
	v14 =	vld [tilespmem:$0x770]  }
0x405: {  	[tilespmem:$0x13768] =	vst v15;
	v15 =	vld [tilespmem:$0x380]  }
0x406: {  	[tilespmem:$0x13778] =	vst v13;
	v13 =	vld [tilespmem:$0x390]  }
0x407: {  	v56 =	vld [tilespmem:$0x3A0];
	[tilespmem:$0x13B48] =	vst v54  }
0x408: {  	v57 =	vld [tilespmem:$0x5A0];
	[tilespmem:$0x13BD0] =	vst v55  }
0x409: {  	[tilespmem:$0x13800] =	vst v14;
	v14 =	vld [tilespmem:$0x590]  }
0x40a: {  	[tilespmem:$0x13AC0] =	vst v15;
	v15 =	vld [tilespmem:$0x790]  }
0x40b: {  	[tilespmem:$0x13AD0] =	vst v13;
	v13 =	vld [tilespmem:$0x7A0]  }
0x40c: {  	v58 =	vld [tilespmem:$0x7B0];
	[tilespmem:$0x13AE0] =	vst v56  }
0x40d: {  	v59 =	vld [tilespmem:$0x3C0];
	[tilespmem:$0x13B68] =	vst v57  }
0x40e: {  	[tilespmem:$0x13B58] =	vst v14;
	v14 =	vld [tilespmem:$0x3B0]  }
0x40f: {  	[tilespmem:$0x13BE0] =	vst v15;
	v15 =	vld [tilespmem:$0x5B0]  }
0x410: {  	[tilespmem:$0x13BF0] =	vst v13;
	v13 =	vld [tilespmem:$0x5C0]  }
0x411: {  	v60 =	vld [tilespmem:$0x5D0];
	[tilespmem:$0x13C00] =	vst v58  }
0x412: {  	v61 =	vld [tilespmem:$0x7D0];
	[tilespmem:$0x13B00] =	vst v59  }
0x413: {  	[tilespmem:$0x13AF0] =	vst v14;
	v14 =	vld [tilespmem:$0x7C0]  }
0x414: {  	[tilespmem:$0x13B78] =	vst v15;
	v15 =	vld [tilespmem:$0x3D0]  }
0x415: {  	[tilespmem:$0x13B88] =	vst v13;
	v13 =	vld [tilespmem:$0x3E0]  }
0x416: {  	v62 =	vld [tilespmem:$0x3F0];
	[tilespmem:$0x13B98] =	vst v60  }
0x417: {  	v63 =	vld [tilespmem:$0x5F0];
	[tilespmem:$0x13C20] =	vst v61  }
0x418: {  	[tilespmem:$0x13C10] =	vst v14;
	v14 =	vld [tilespmem:$0x5E0]  }
0x419: {  	s21 =	simm.s32 $0x0;
	s22 =	simm.s32 $0x0;
	[tilespmem:$0x13B10] =	vst v15;
	v15 =	vld [tilespmem:$0x7E0]  }
0x41a: {  	s0 =	simm.s32 $0x0;
	s2 =	smul.u32 $0x4400, s21;
	s20 =	sand.u32 $0x3, s22;
	[tilespmem:$0x13B20] =	vst v13;
	v13 =	vld [tilespmem:$0x7F0]  }
0x41b: {  	s23 =	sand.u32 $0x6, s0;
	s20 =	smul.u32 $0x1100, s20;
	[tilespmem:$0x13B30] =	vst v62  }
0x41c: {  	s21 =	smul.u32 $0x220, s23;
	[tilespmem:$0x13BB8] =	vst v63  }
0x41d: {  	s2 =	sshra.s32 s2, $0x2;
	s20 =	sshrl.u32 s20, $0x2;
	[tilespmem:$0x13BA8] =	vst v14  }
0x41e: {  	s24 =	sshrl.u32 s21, $0x2;
	s2 =	sadd.s32 s20, s2;
	[tilespmem:$0x13C30] =	vst v15  }
0x41f: {  	s20 =	sadd.s32 s24, s2;
	[tilespmem:$0x13C40] =	vst v13  }
0x420: {  	s2 =	sadd.s32 $0x13F00, s20;
	[tilespmem:s20+$0x13F00] =	vst v1  }
0x421: {  	[tilespmem:s2+$0xF8] =	vst v1  }
0x422: {  	[tilespmem:s2+$0x10] =	vst v1  }
0x423: {  	[tilespmem:s2+$0x20] =	vst v1  }
0x424: {  	[tilespmem:s2+$0x30] =	vst v1  }
0x425: {  	[tilespmem:s2+$0x40] =	vst v1  }
0x426: {  	[tilespmem:s2+$0x50] =	vst v1  }
0x427: {  	[tilespmem:s2+$0x60] =	vst v1  }
.LBB2_108:
0x428: {  	s0 =	sadd.s32 $0x2, s0;
	[tilespmem:s2+$0x70] =	vst v1  }
0x429: {  	s20 =	sshrl.u32 s0, $0x5;
	s21 =	sshrl.u32 s0, $0x3;
	p0 =	slt.u32 s0, $0x7E;
	[tilespmem:s2+$0x88] =	vst v1  }
0x42a: {  	s21 =	sand.u32 $0x3, s21;
	s20 =	smul.u32 $0x4400, s20;
	[tilespmem:s2+$0x98] =	vst v1  }
0x42b: {  	s22 =	sand.u32 $0x6, s0;
	s21 =	smul.u32 $0x1100, s21;
	[tilespmem:s2+$0xA8] =	vst v1  }
0x42c: {  	s22 =	smul.u32 $0x220, s22;
	[tilespmem:s2+$0xB8] =	vst v1  }
0x42d: {  	s20 =	sshra.s32 s20, $0x2;
	s21 =	sshrl.u32 s21, $0x2;
	[tilespmem:s2+$0xC8] =	vst v1  }
0x42e: {  	s20 =	sadd.s32 s21, s20;
	s21 =	sshrl.u32 s22, $0x2;
	[tilespmem:s2+$0xD8] =	vst v1  }
0x42f: {  	s20 =	sadd.s32 s21, s20;
	[tilespmem:s2+$0xE8] =	vst v1  }
0x430: {  	s2 =	sadd.s32 $0x13F00, s20;
	[tilespmem:s20+$0x13F00] =	vst v1  }
0x431: {  	s20 =	simm.s32 $0x0;
	[tilespmem:s2+$0xF8] =	vst v1  }
0x432: {  	[tilespmem:s2+$0x10] =	vst v1  }
.Ltmp53:
0x433: {  	[tilespmem:s2+$0x20] =	vst v1;
	(pc) =	sbr.rel @p0 .LBB2_108-.Ltmp53, $4  }
0x434: {  	[tilespmem:s2+$0x30] =	vst v1  }
0x435: {  	[tilespmem:s2+$0x40] =	vst v1  }
0x436: {  	[tilespmem:s2+$0x50] =	vst v1  }
0x437: {  	[tilespmem:s2+$0x60] =	vst v1  }
0x438: {  	[tilespmem:s2+$0x70] =	vst v1  }
0x439: {  	[tilespmem:s2+$0x88] =	vst v1  }
0x43a: {  	[tilespmem:s2+$0x98] =	vst v1  }
0x43b: {  	[tilespmem:s2+$0xA8] =	vst v1;
	s0 =	simm.s32 $0x0  }
0x43c: {  	[tilespmem:s2+$0xB8] =	vst v1;
	s21 =	smul.u32 $0x1100, s0  }
0x43d: {  	[tilespmem:s2+$0xC8] =	vst v1  }
0x43e: {  	[tilespmem:s2+$0xD8] =	vst v1;
	s0 =	sand.u32 $0x70, s20;
	s21 =	sshra.s32 s21, $0x2  }
0x43f: {  	[tilespmem:s2+$0xE8] =	vst v1;
	s2 =	sadd.s32 s0, s21  }
0x440: {  	s21 =	simm.s32 $0x1;
	[tilespmem:s2+$0x131B8] =	vst v1  }
.LBB2_110:
0x441: {  	s22 =	sshrl.u32 s21, $0x3  }
0x442: {  	p0 =	sne.s32 s21, $0x1F;
	s21 =	sadd.s32 $0x1, s21;
	[tilespmem:s2+$0x12F98] =	vst v1;
	s22 =	smul.u32 $0x1100, s22  }
.Ltmp54:
0x443: {  	[tilespmem:s2+$0x13020] =	vst v1;
	(pc) =	sbr.rel @p0 .LBB2_110-.Ltmp54, $4  }
0x444: {  	s20 =	sadd.s32 $0x10, s20;
	[tilespmem:s2+$0x130A8] =	vst v1  }
0x445: {  	s23 =	sand.u32 $0x70, s20;
	s22 =	sshra.s32 s22, $0x2;
	[tilespmem:s2+$0x13130] =	vst v1  }
0x446: {  	s2 =	sadd.s32 s23, s22  }
0x447: {  	[tilespmem:s2+$0x131B8] =	vst v1  }
0x448: {  	[tilespmem:s2+$0x12F98] =	vst v1  }
0x449: {  	[tilespmem:s2+$0x13020] =	vst v1;
	s20 =	simm.s32 $0x0  }
0x44a: {  	[tilespmem:s2+$0x130A8] =	vst v1;
	s20 =	sand.u32 $0x3FFFFF80, s20  }
0x44b: {  	[tilespmem:s2+$0x13130] =	vst v1;
	s23 =	sor.u32 s0, s20  }
0x44c: {  	v13 =	vld [tilespmem:s23+$0x800];
	_ =	sdelay $0x1  }
0x44d: {  	s24 =	simm.s32 $0x0  }
0x44e: {  	v14 =	vmov s24  }
0x44f: {  	v14 =	vmul.u32 $0x440, v14  }
0x450: {  	v15 =	vadd.s32 $0x13, v13  }
0x451: {  	v14 =	vadd.s32 s0, v14;
	v13 =	vadd.s32 $0x3, v13;
	v16 =	vshrl.u32 v15, $0x3  }
0x452: {  	v14 =	vbroadcast v14, $0x0;
	v13 =	vand.u32 $0x7, v13;
	v16 =	vmul.u32 $0x1100, v16  }
0x453: {  	v13 =	vmul.u32 $0x88, v13  }
0x454: {  	v14 =	vadd.s32 v14, v16  }
0x455: {  	vm1 =	vlt.u32 v15, $0x38;
	v13 =	vadd.s32 v13, v14  }
0x456: {  	v13 =	vadd.s32 v0, v13;
	_ =	sdelay $0x1  }
0x457: {  	s21 =	simm.s32 $0x10  }
0x458: {  	s2 =	simm.s32 $0x10;
	s20 =	simm.s32 $0x2;
	s0 =	simm.s32 $0x1  }
.LBB2_112:
0x459: {  	p0 =	sne.s32 s20, $0x1F;
	s22 =	sand.u32 $0x70, s2;
	s21 =	sand.u32 $0x3FFFFF80, s21  }
0x45a: {  	s21 =	sor.u32 s22, s21;
	[tilespmem:v13+s26+$0x0] =	vst.idx.msk vm1, v2  }
0x45b: {  	v13 =	vld [tilespmem:s21+$0x800];
	_ =	sdelay $0x1  }
0x45c: {  	s21 =	sshrl.u32 s0, $0x3;
	s0 =	smov.u32 s20  }
0x45d: {  	v14 =	vmov s21  }
0x45e: {  	v14 =	vmul.u32 $0x440, v14  }
0x45f: {  	v15 =	vadd.s32 $0x13, v13  }
0x460: {  	v14 =	vadd.s32 s22, v14;
	v13 =	vadd.s32 $0x3, v13;
	v16 =	vshrl.u32 v15, $0x3  }
0x461: {  	v14 =	vbroadcast v14, $0x0;
	v13 =	vand.u32 $0x7, v13;
	v16 =	vmul.u32 $0x1100, v16  }
0x462: {  	v13 =	vmul.u32 $0x88, v13  }
0x463: {  	v14 =	vadd.s32 v14, v16  }
.Ltmp55:
0x464: {  	vm1 =	vlt.u32 v15, $0x38;
	v13 =	vadd.s32 v13, v14;
	(pc) =	sbr.rel @p0 .LBB2_112-.Ltmp55, $2  }
0x465: {  	v13 =	vadd.s32 v0, v13;
	_ =	sdelay $0x2  }
0x466: {  	s2 =	sadd.s32 $0x10, s2;
	s20 =	sadd.s32 $0x1, s20;
	s21 =	sshll.u32 s0, $0x4  }
0x467: {  	_ =	sdelay $0x3  }
0x468: {  	s2 =	sand.u32 $0x70, s2;
	s20 =	sand.u32 $0x3FFFFF80, s21  }
0x469: {  	[tilespmem:v13+s26+$0x0] =	vst.idx.msk vm1, v2;
	s20 =	sor.u32 s2, s20  }
0x46a: {  	v13 =	vld [tilespmem:s20+$0x800];
	_ =	sdelay $0x1  }
0x46b: {  	s0 =	sshrl.u32 s0, $0x3  }
0x46c: {  	v14 =	vmov s0  }
0x46d: {  	v14 =	vmul.u32 $0x440, v14  }
0x46e: {  	v15 =	vadd.s32 $0x13, v13  }
0x46f: {  	v14 =	vadd.s32 s2, v14;
	v13 =	vadd.s32 $0x3, v13;
	v16 =	vshrl.u32 v15, $0x3  }
0x470: {  	v14 =	vbroadcast v14, $0x0;
	v13 =	vand.u32 $0x7, v13;
	v16 =	vmul.u32 $0x1100, v16  }
0x471: {  	v13 =	vmul.u32 $0x88, v13  }
0x472: {  	v14 =	vadd.s32 v14, v16  }
0x473: {  	vm1 =	vlt.u32 v15, $0x38;
	v13 =	vadd.s32 v13, v14  }
0x474: {  	v13 =	vadd.s32 v0, v13;
	_ =	sdelay $0x3  }
0x475: {  	s21 =	sadd.s32 $0x0, s16  }
0x476: {  	s0 =	simm.s32 $0x10C00;
	s20 =	simm.s32 $0x10C88;
	s2 =	simm.s32 $0x10;
	[tilespmem:v13+s26+$0x0] =	vst.idx.msk vm1, v2  }
.LBB2_114:
0x477: {  	[hbm4b:s21+s3] =	stream.linear.scatter [tilespmem:s0], [sflag:$0x3], $0x80, $0x38;
	[tilespmem:$0x1FA00] =	vst v63  }
0x478: {  	s21 =	smov.u32 s2;
	s0 =	smov.u32 s20;
	p0 =	sne.s32 s2, $0x1F0  }
.Ltmp56:
0x479: {  	s2 =	sadd.s32 $0x10, s2;
	(pc) =	sbr.rel @p0 .LBB2_114-.Ltmp56, $2  }
0x47a: {  	_ =	sdelay $0x2  }
0x47b: {  	s20 =	sadd.s32 $0x88, s20;
	s21 =	sadd.s32 s21, s16  }
0x47c: {  	[hbm4b:s21+s3] =	stream.linear.scatter [tilespmem:s0], [sflag:$0x3], $0x80, $0x38;
	[tilespmem:$0x1FA00] =	vst v63  }
0x47d: {  	s0 =	sadd.s32 $0x4000, s16;
	s2 =	simm.s32 $0x11D00  }
0x47e: {  	s20 =	simm.s32 $0x10;
	s21 =	simm.s32 $0x11D88;
	s22 =	sadd.s32 $0x0, s0  }
.LBB2_116:
0x47f: {  	[hbm4b:s22+s3] =	stream.linear.scatter [tilespmem:s2], [sflag:$0x3], $0x80, $0x38;
	[tilespmem:$0x1FA00] =	vst v63  }
0x480: {  	s22 =	smov.u32 s20;
	s2 =	smov.u32 s21;
	p0 =	sne.s32 s20, $0x1F0  }
.Ltmp57:
0x481: {  	s20 =	sadd.s32 $0x10, s20;
	(pc) =	sbr.rel @p0 .LBB2_116-.Ltmp57, $2  }
0x482: {  	_ =	sdelay $0x2  }
0x483: {  	s21 =	sadd.s32 $0x88, s21;
	s22 =	sadd.s32 s22, s0  }
0x484: {  	[hbm4b:s22+s3] =	stream.linear.scatter [tilespmem:s2], [sflag:$0x3], $0x80, $0x38;
	[tilespmem:$0x1FA00] =	vst v63  }
0x485: {  	s0 =	sadd.s32 $0x8000, s16;
	s2 =	simm.s32 $0x12E00  }
0x486: {  	s20 =	simm.s32 $0x10;
	s21 =	simm.s32 $0x12E88;
	s22 =	sadd.s32 $0x0, s0  }
.LBB2_118:
0x487: {  	[hbm4b:s22+s3] =	stream.linear.scatter [tilespmem:s2], [sflag:$0x3], $0x80, $0x38;
	[tilespmem:$0x1FA00] =	vst v63  }
0x488: {  	s22 =	smov.u32 s20;
	s2 =	smov.u32 s21;
	p0 =	sne.s32 s20, $0x1F0  }
.Ltmp58:
0x489: {  	s20 =	sadd.s32 $0x10, s20;
	(pc) =	sbr.rel @p0 .LBB2_118-.Ltmp58, $2  }
0x48a: {  	_ =	sdelay $0x2  }
0x48b: {  	s21 =	sadd.s32 $0x88, s21;
	s22 =	sadd.s32 s22, s0  }
0x48c: {  	[hbm4b:s22+s3] =	stream.linear.scatter [tilespmem:s2], [sflag:$0x3], $0x80, $0x38;
	[tilespmem:$0x1FA00] =	vst v63  }
0x48d: {  	s0 =	sadd.s32 $0xC000, s16;
	s2 =	simm.s32 $0x13F00  }
0x48e: {  	s20 =	simm.s32 $0x10;
	s21 =	simm.s32 $0x13F88;
	s22 =	sadd.s32 $0x0, s0  }
.LBB2_120:
0x48f: {  	[hbm4b:s22+s3] =	stream.linear.scatter [tilespmem:s2], [sflag:$0x3], $0x80, $0x38;
	[tilespmem:$0x1FA00] =	vst v63  }
0x490: {  	s22 =	smov.u32 s20;
	s2 =	smov.u32 s21;
	p0 =	sne.s32 s20, $0x1F0  }
.Ltmp59:
0x491: {  	s20 =	sadd.s32 $0x10, s20;
	(pc) =	sbr.rel @p0 .LBB2_120-.Ltmp59, $2  }
0x492: {  	_ =	sdelay $0x2  }
0x493: {  	s21 =	sadd.s32 $0x88, s21;
	s22 =	sadd.s32 s22, s0  }
0x494: {  	[hbm4b:s22+s3] =	stream.linear.scatter [tilespmem:s2], [sflag:$0x3], $0x80, $0x38;
	[tilespmem:$0x1FA00] =	vst v63  }
0x495: {  	s0 =	sadd.s32 $0x10000, s16;
	s2 =	simm.s32 $0x15000  }
0x496: {  	s20 =	simm.s32 $0x10;
	s21 =	simm.s32 $0x15088;
	s22 =	sadd.s32 $0x0, s0  }
.LBB2_122:
0x497: {  	[hbm4b:s22+s3] =	stream.linear.scatter [tilespmem:s2], [sflag:$0x3], $0x80, $0x38;
	[tilespmem:$0x1FA00] =	vst v63  }
0x498: {  	s22 =	smov.u32 s20;
	s2 =	smov.u32 s21;
	p0 =	sne.s32 s20, $0x1F0  }
.Ltmp60:
0x499: {  	s20 =	sadd.s32 $0x10, s20;
	(pc) =	sbr.rel @p0 .LBB2_122-.Ltmp60, $2  }
0x49a: {  	_ =	sdelay $0x2  }
0x49b: {  	s21 =	sadd.s32 $0x88, s21;
	s22 =	sadd.s32 s22, s0  }
0x49c: {  	[hbm4b:s22+s3] =	stream.linear.scatter [tilespmem:s2], [sflag:$0x3], $0x80, $0x38;
	[tilespmem:$0x1FA00] =	vst v63  }
0x49d: {  	s0 =	sadd.s32 $0x14000, s16;
	s2 =	simm.s32 $0x16100  }
0x49e: {  	s20 =	simm.s32 $0x10;
	s21 =	simm.s32 $0x16188;
	s22 =	sadd.s32 $0x0, s0  }
.LBB2_124:
0x49f: {  	[hbm4b:s22+s3] =	stream.linear.scatter [tilespmem:s2], [sflag:$0x3], $0x80, $0x38;
	[tilespmem:$0x1FA00] =	vst v63  }
0x4a0: {  	s22 =	smov.u32 s20;
	s2 =	smov.u32 s21;
	p0 =	sne.s32 s20, $0x1F0  }
.Ltmp61:
0x4a1: {  	s20 =	sadd.s32 $0x10, s20;
	(pc) =	sbr.rel @p0 .LBB2_124-.Ltmp61, $2  }
0x4a2: {  	_ =	sdelay $0x2  }
0x4a3: {  	s21 =	sadd.s32 $0x88, s21;
	s22 =	sadd.s32 s22, s0  }
0x4a4: {  	[hbm4b:s22+s3] =	stream.linear.scatter [tilespmem:s2], [sflag:$0x3], $0x80, $0x38;
	[tilespmem:$0x1FA00] =	vst v63  }
0x4a5: {  	s0 =	sadd.s32 $0x18000, s16;
	s2 =	simm.s32 $0x17200  }
0x4a6: {  	s20 =	simm.s32 $0x10;
	s21 =	simm.s32 $0x17288;
	s22 =	sadd.s32 $0x0, s0  }
.LBB2_126:
0x4a7: {  	[hbm4b:s22+s3] =	stream.linear.scatter [tilespmem:s2], [sflag:$0x3], $0x80, $0x38;
	[tilespmem:$0x1FA00] =	vst v63  }
0x4a8: {  	s22 =	smov.u32 s20;
	s2 =	smov.u32 s21;
	p0 =	sne.s32 s20, $0x1F0  }
.Ltmp62:
0x4a9: {  	s20 =	sadd.s32 $0x10, s20;
	(pc) =	sbr.rel @p0 .LBB2_126-.Ltmp62, $2  }
0x4aa: {  	_ =	sdelay $0x2  }
0x4ab: {  	s21 =	sadd.s32 $0x88, s21;
	s22 =	sadd.s32 s22, s0  }
0x4ac: {  	[hbm4b:s22+s3] =	stream.linear.scatter [tilespmem:s2], [sflag:$0x3], $0x80, $0x38;
	[tilespmem:$0x1FA00] =	vst v63  }
0x4ad: {  	s1 =	sadd.s32 $0x1, s1  }
0x4ae: {  	_ =	swait.ge [sflag:s29], $0x7000;
	p0 =	sne.s32 s1, s17  }
.Ltmp63:
0x4af: {  	[sflag:s29] =	ssyncset.done $0x0;
	(pc) =	sbr.rel @p0 .LBB2_1-.Ltmp63, $4  }
0x4b0: {  	[sflag:s29] =	ssyncadd.s32 $0xFFFF9000  }
0x4b1: {  	_ =	swait.ge [sflag:s30], $0x7000  }
0x4b2: {  	[sflag:s30] =	ssyncset.done $0x0  }
0x4b3: {  	[sflag:s30] =	ssyncadd.s32 $0xFFFF9000  }
0x4b4: {  	_ =	sfence.sel $0x180000  }
0x4b5: {  	[bflag:$0x0] =	sbarrier.arrive $0xFFFF  }
0x4b6: {  	_ =	strace $0x90000047  }
0x4b7: {  	s0 =	stileid.u32;
	[bflag:$0x2] =	sbarrier.arrive $0xFFFF  }
0x4b8: {  	p0 =	sne.s32 s0, $0x0;
	s0 =	rddreg [dreg:$0x8]  }
0x4b9: {  	s0 =	sadd.s32 @!p0 $0x100000, s0  }
0x4ba: {  	[sflag:s0] =	ssyncadd.tile.s32 @!p0 $0x1;
	_ =	shalt  }
.Lfunc_end2:
_tile_overlayer_lowered:
.L_overlay_start_2:
0x4bb: {  	(tag) =	ssettag $0x2  }
0x4bc: {  	s0 =	rddreg [dreg:$0x0];
	s2 =	stileid.u32  }
0x4bd: {  	s1 =	rddreg [dreg:$0x1];
	p0 =	sne.s32 s2, $0x0  }
0x4be: {  	s3 =	rddreg [dreg:$0x2];
	[bflag:$0x3] =	sbarrier.arrive $0xFFFF;
	s2 =	simm.s32 @!p0 $0x1C05  }
0x4bf: {  	[timem:s3], [sflag:s2] =	dma.local @!p0 [hbm:s0], s1  }
0x4c0: {  	s0 =	simm.s32 @!p0 $0x5  }
0x4c1: {  	_ =	swait.ge @!p0 [sflag:s0], s1  }
0x4c2: {  	s1 =	ssub.s32 @!p0 $0x0, s1;
	[sflag:s0] =	ssyncset.done @!p0 $0x0  }
0x4c3: {  	[sflag:s0] =	ssyncadd.s32 @!p0 s1  }
0x4c4: {  	[bflag:$0x3] =	sbarrier.arrive $0xFFFF  }
0x4c5: {  	_ =	shalt  }

</sc_bundles>
